<compile_context>
chip_gen: v7x
topology: tpu7x:2x2x1
jax: 0.10.2.dev20260603
libtpu: 0.0.44.dev20260713+nightly
codegen_flags: <defaults>
</compile_context>

<pallas_src>
import functools

import jax
import jax.numpy as jnp
from jax import lax
from jax.experimental import pallas as pl
from jax.experimental.pallas import tpu as pltpu, tpu_sc as plsc

B, S, D = 1, 2048, 2048
H = D // 2
E = 8
K = 2
R = 8
DO = 2048
EPS = 1e-5
ER = E * R
TT = 512
T = B * S

_HI = jax.lax.Precision.HIGHEST
_DEF = jax.lax.Precision.DEFAULT

_NC = 2
_NS = 16
_NW = _NC * _NS
_TPW = T // _NW
_CPW = _TPW // 16


def _dot(a, b, prec=_DEF):
    return jnp.dot(a, b, precision=prec, preferred_element_type=jnp.float32)


def _gate_kernel(x_ref, w1_ref, b1_ref, w2_ref, b2_ref, a2d_ref, gain_ref,
                 bias_ref, logits_ref, hg_ref):
    xt = x_ref[...]
    h = jax.nn.gelu(_dot(xt, w1_ref[...]) + b1_ref[...])
    logits = _dot(h, w2_ref[...]) + b2_ref[...]
    logits_ref[...] = logits.T
    ha = _dot(xt, a2d_ref[...])
    ii = jax.lax.broadcasted_iota(jnp.int32, (ER, ER), 0)
    jj = jax.lax.broadcasted_iota(jnp.int32, (ER, ER), 1)
    avg = jnp.where(ii // R == jj // R, 1.0 / R, 0.0)
    mu = _dot(ha, avg)
    dev = ha - mu
    var = _dot(dev * dev, avg)
    hn = dev * jax.lax.rsqrt(var + EPS)
    hg_ref[...] = hn * gain_ref[...] + bias_ref[...]


def _cf(v):
    return jnp.full((16,), v, jnp.float32)


def _ci(v):
    return jnp.full((16,), v, jnp.int32)


def _route_sc_kernel(logits_hbm, gates_hbm, lg_v, gf_v):
    wid = lax.axis_index("s") * _NC + lax.axis_index("c")
    base = wid * _TPW
    for e in range(E):
        pltpu.sync_copy(logits_hbm.at[e, pl.ds(base, _TPW)], lg_v.at[e])
    for c in range(_CPW):
        le = [lg_v[e, pl.ds(c * 16, 16)] for e in range(E)]
        v1 = le[0]
        i1 = _ci(0)
        for e in range(1, E):
            b = le[e] > v1
            i1 = jnp.where(b, _ci(e), i1)
            v1 = jnp.where(b, le[e], v1)
        neg = _cf(-1e30)
        v2 = neg
        i2 = _ci(E)
        for e in range(E):
            cand = jnp.where(i1 == _ci(e), neg, le[e])
            b = cand > v2
            i2 = jnp.where(b, _ci(e), i2)
            v2 = jnp.where(b, cand, v2)
        e2 = jnp.exp(v2 - v1)
        g1 = _cf(1.0) / (_cf(1.0) + e2)
        g2 = e2 * g1
        zero = _cf(0.0)
        for e in range(E):
            ge = jnp.where(i1 == _ci(e), g1, jnp.where(i2 == _ci(e), g2, zero))
            gf_v[e, pl.ds(c * 16, 16)] = ge
    for e in range(E):
        pltpu.sync_copy(gf_v.at[e], gates_hbm.at[e, pl.ds(base, _TPW)])


_route_sc = functools.partial(
    pl.kernel,
    out_type=jax.ShapeDtypeStruct((E, T), jnp.float32),
    mesh=plsc.VectorSubcoreMesh(core_axis_name="c", subcore_axis_name="s"),
    scratch_types=[
        pltpu.VMEM((E, _TPW), jnp.float32),
        pltpu.VMEM((E, _TPW), jnp.float32),
    ],
)(_route_sc_kernel)


def _combine_kernel(hg_ref, gates_ref, b2d_ref, out_ref):
    ei = jax.lax.broadcasted_iota(jnp.int32, (E, ER), 0)
    ej = jax.lax.broadcasted_iota(jnp.int32, (E, ER), 1)
    expand = (ei == ej // R).astype(jnp.float32)
    gexp = _dot(gates_ref[...].T, expand)
    out_ref[...] = _dot(hg_ref[...] * gexp, b2d_ref[...])


@functools.partial(jax.jit, static_argnames=())
def kernel(x, W1, b1, W2, b2, A, Bm, scaling, ln_g, ln_b):
    xf = x.reshape(T, D)
    a2d = jnp.transpose(A, (1, 0, 2)).reshape(D, ER)
    b2d = Bm.reshape(ER, DO)
    gain = (ln_g * scaling[:, None]).reshape(1, ER)
    bias = (ln_b * scaling[:, None]).reshape(1, ER)
    b1r = b1.reshape(1, H)
    b2r = b2.reshape(1, E)

    grid = (T // TT,)
    logits, hg = pl.pallas_call(
        _gate_kernel,
        grid=grid,
        in_specs=[
            pl.BlockSpec((TT, D), lambda i: (i, 0)),
            pl.BlockSpec((D, H), lambda i: (0, 0)),
            pl.BlockSpec((1, H), lambda i: (0, 0)),
            pl.BlockSpec((H, E), lambda i: (0, 0)),
            pl.BlockSpec((1, E), lambda i: (0, 0)),
            pl.BlockSpec((D, ER), lambda i: (0, 0)),
            pl.BlockSpec((1, ER), lambda i: (0, 0)),
            pl.BlockSpec((1, ER), lambda i: (0, 0)),
        ],
        out_specs=[
            pl.BlockSpec((E, TT), lambda i: (0, i)),
            pl.BlockSpec((TT, ER), lambda i: (i, 0)),
        ],
        out_shape=[
            jax.ShapeDtypeStruct((E, T), jnp.float32),
            jax.ShapeDtypeStruct((T, ER), jnp.float32),
        ],
    )(xf, W1, b1r, W2, b2r, a2d, gain, bias)

    gates = _route_sc(logits)

    out = pl.pallas_call(
        _combine_kernel,
        grid=grid,
        in_specs=[
            pl.BlockSpec((TT, ER), lambda i: (i, 0)),
            pl.BlockSpec((E, TT), lambda i: (0, i)),
            pl.BlockSpec((ER, DO), lambda i: (0, 0)),
        ],
        out_specs=pl.BlockSpec((TT, DO), lambda i: (i, 0)),
        out_shape=jax.ShapeDtypeStruct((T, DO), jnp.float32),
    )(hg, gates, b2d)
    return out.reshape(B, S, DO)

# --- scband reference (transcript-rebuilt; emitter-appended) ---
"""Pipeline reference for scband-banked-experts-module-57226144252168 (READ-ONLY COPY).

The authoritative reference and input builder live on the scoring server;
editing this copy changes nothing except your own understanding.
"""

import jax, jax.numpy as jnp
import numpy as np

B, S, D = 1, 2048, 2048
H = D // 2          # gate hidden dim (config.gate_hidden_dim default = input_dim // 2)
E = 8               # num_experts
K = 2               # top_k
R = 8               # expert_rank (LoRA rank)
DO = 2048           # output_dim
EPS = 1e-5

def setup_inputs(seed: int = 0) -> dict:
    key = jax.random.key(seed)
    ks = jax.random.split(key, 8)
    x = jax.random.normal(ks[0], (B, S, D), dtype=jnp.float32)
    # gating network: Linear(D->H), GELU, Dropout(eval), Linear(H->E)
    W1 = jax.random.normal(ks[1], (D, H), dtype=jnp.float32) * (1.0 / np.sqrt(D))
    b1 = jnp.zeros((H,), dtype=jnp.float32)
    W2 = jax.random.normal(ks[2], (H, E), dtype=jnp.float32) * (1.0 / np.sqrt(H))
    b2 = jnp.zeros((E,), dtype=jnp.float32)
    # banked LoRA experts: A[e]: D->R, B[e]: R->DO, per-expert scaling, LayerNorm(R)
    A = jax.random.normal(ks[3], (E, D, R), dtype=jnp.float32) * 0.02
    Bm = jax.random.normal(ks[4], (E, R, DO), dtype=jnp.float32) * 0.02
    scaling = jnp.ones((E,), dtype=jnp.float32) * (R ** -0.5)
    ln_g = jnp.ones((E, R), dtype=jnp.float32)
    ln_b = jnp.zeros((E, R), dtype=jnp.float32)
    return {"x": x, "W1": W1, "b1": b1, "W2": W2, "b2": b2,
            "A": A, "Bm": Bm, "scaling": scaling, "ln_g": ln_g, "ln_b": ln_b}

def reference(x, W1, b1, W2, b2, A, Bm, scaling, ln_g, ln_b):
    xf = x.reshape(-1, D)                                   # [T, D]
    T = xf.shape[0]
    # --- gating network (eval mode: no noise, dropout identity) ---
    h = jax.nn.gelu(xf @ W1 + b1)
    gate_logits = h @ W2 + b2                               # [T, E]
    top_v, top_i = jax.lax.top_k(gate_logits, K)            # [T, K]
    gates = jax.nn.softmax(top_v, axis=-1)                  # [T, K]
    # --- banked LoRA experts (dense all-expert compute, identical math) ---
    ha = jnp.einsum('td,edr->etr', xf, A)                   # [E, T, R]
    mu = jnp.mean(ha, axis=-1, keepdims=True)
    var = jnp.var(ha, axis=-1, keepdims=True)
    hn = (ha - mu) / jnp.sqrt(var + EPS)
    hn = hn * ln_g[:, None, :] + ln_b[:, None, :]
    hn = hn * scaling[:, None, None]
    eo = jnp.einsum('etr,erd->etd', hn, Bm)                 # [E, T, DO]
    # --- combine top-k expert outputs with gate weights (scatter) ---
    gfull = jnp.zeros((T, E), dtype=xf.dtype).at[jnp.arange(T)[:, None], top_i].add(gates)
    out = jnp.einsum('te,etd->td', gfull, eo)               # [T, DO]
    return out.reshape(B, S, DO)

if __name__ == "__main__":
    import jax
    _d = setup_inputs()
    print(jax.jit(kernel)(*tuple(_d.values())))

</pallas_src>

<mosaic_0001>
#map = affine_map<(d0, d1) -> (0, 0)>
module attributes {stable_mosaic.version = 14 : i64} {
  func.func @_route_sc_kernel(%arg0: i32, %arg1: i32, %arg2: memref<8x2048xf32, #tpu.memory_space<hbm>>, %arg3: memref<8x2048xf32, #tpu.memory_space<hbm>>, %arg4: memref<8x64xf32, #tpu.memory_space<vmem>>, %arg5: memref<8x64xf32, #tpu.memory_space<vmem>>) attributes {dimension_semantics = [#tpu.dimension_semantics<core_parallel>, #tpu.dimension_semantics<subcore_parallel>], iteration_bounds = array<i64: 2, 16>, scalar_prefetch = 0 : i64, scratch_operands = 2 : i64, tpu.core_type = #tpu.core_type<sc_vector_subcore>, window_params = [{transform_indices = #map}, {transform_indices = #map}]} {
    %mul3A = arith.constant 2 : i32
    %mul3A_0 = arith.muli %arg1, %mul3A : i32
    %add3A = arith.addi %mul3A_0, %arg0 : i32
    %mul3A_1 = arith.constant 64 : i32
    %mul3A_2 = arith.muli %add3A, %mul3A_1 : i32
    %run_scoped3A = arith.constant 0 : i32
    %run_scoped3A_3 = arith.constant 0 : i32
    "tpu.region"() ({
      %run_scoped3A_1129 = tpu.sem_alloc : memref<!tpu.dma_semaphore, #tpu.memory_space<semaphore_mem>>
      %dma_start3A = arith.constant 0 : i32
      %dma_start3A_1130 = tpu.memref_slice %arg4[%run_scoped3A_3, %dma_start3A] : memref<8x64xf32, #tpu.memory_space<vmem>> -> memref<1x64xf32, #tpu.memory_space<vmem>>
      %dma_start3A_1131 = tpu.memref_squeeze %dma_start3A_1130 : memref<1x64xf32, #tpu.memory_space<vmem>> -> memref<64xf32, #tpu.memory_space<vmem>>
      %dma_start3A_1132 = tpu.memref_slice %arg2[%run_scoped3A, %mul3A_2] : memref<8x2048xf32, #tpu.memory_space<hbm>> -> memref<1x64xf32, #tpu.memory_space<hbm>>
      %dma_start3A_1133 = tpu.memref_squeeze %dma_start3A_1132 : memref<1x64xf32, #tpu.memory_space<hbm>> -> memref<64xf32, #tpu.memory_space<hbm>>
      %dma_start3A_1134 = arith.constant 0 : i32
      %dma_start3A_1135 = tpu.memref_slice %arg4[%run_scoped3A_3, %dma_start3A_1134] : memref<8x64xf32, #tpu.memory_space<vmem>> -> memref<1x64xf32, #tpu.memory_space<vmem>>
      %dma_start3A_1136 = tpu.memref_squeeze %dma_start3A_1135 : memref<1x64xf32, #tpu.memory_space<vmem>> -> memref<64xf32, #tpu.memory_space<vmem>>
      %dma_start3A_1137 = tpu.memref_slice %arg2[%run_scoped3A, %mul3A_2] : memref<8x2048xf32, #tpu.memory_space<hbm>> -> memref<1x64xf32, #tpu.memory_space<hbm>>
      %dma_start3A_1138 = tpu.memref_squeeze %dma_start3A_1137 : memref<1x64xf32, #tpu.memory_space<hbm>> -> memref<64xf32, #tpu.memory_space<hbm>>
      tpu.enqueue_dma source(%dma_start3A_1138 : memref<64xf32, #tpu.memory_space<hbm>>) target(%dma_start3A_1136 : memref<64xf32, #tpu.memory_space<vmem>>) target_semaphore(%run_scoped3A_1129 : memref<!tpu.dma_semaphore, #tpu.memory_space<semaphore_mem>>)
      %dma_wait3A = arith.constant 0 : i32
      %dma_wait3A_1139 = tpu.memref_slice %arg4[%run_scoped3A_3, %dma_wait3A] : memref<8x64xf32, #tpu.memory_space<vmem>> -> memref<1x64xf32, #tpu.memory_space<vmem>>
      %dma_wait3A_1140 = tpu.memref_squeeze %dma_wait3A_1139 : memref<1x64xf32, #tpu.memory_space<vmem>> -> memref<64xf32, #tpu.memory_space<vmem>>
      %dma_wait3A_1141 = tpu.memref_slice %arg2[%run_scoped3A, %mul3A_2] : memref<8x2048xf32, #tpu.memory_space<hbm>> -> memref<1x64xf32, #tpu.memory_space<hbm>>
      %dma_wait3A_1142 = tpu.memref_squeeze %dma_wait3A_1141 : memref<1x64xf32, #tpu.memory_space<hbm>> -> memref<64xf32, #tpu.memory_space<hbm>>
      %dma_wait3A_1143 = arith.constant 0 : i32
      %dma_wait3A_1144 = tpu.memref_slice %arg4[%run_scoped3A_3, %dma_wait3A_1143] : memref<8x64xf32, #tpu.memory_space<vmem>> -> memref<1x64xf32, #tpu.memory_space<vmem>>
      %dma_wait3A_1145 = tpu.memref_squeeze %dma_wait3A_1144 : memref<1x64xf32, #tpu.memory_space<vmem>> -> memref<64xf32, #tpu.memory_space<vmem>>
      %dma_wait3A_1146 = tpu.memref_slice %arg2[%run_scoped3A, %mul3A_2] : memref<8x2048xf32, #tpu.memory_space<hbm>> -> memref<1x64xf32, #tpu.memory_space<hbm>>
      %dma_wait3A_1147 = tpu.memref_squeeze %dma_wait3A_1146 : memref<1x64xf32, #tpu.memory_space<hbm>> -> memref<64xf32, #tpu.memory_space<hbm>>
      tpu.wait_dma2 semaphore(%run_scoped3A_1129 : memref<!tpu.dma_semaphore, #tpu.memory_space<semaphore_mem>>) src(%dma_wait3A_1147 : memref<64xf32, #tpu.memory_space<hbm>>) dst(%dma_wait3A_1145 : memref<64xf32, #tpu.memory_space<vmem>>)
      tpu.yield
    }) : () -> ()
    %run_scoped3A_4 = arith.constant 1 : i32
    %run_scoped3A_5 = arith.constant 1 : i32
    "tpu.region"() ({
      %run_scoped3A_1129 = tpu.sem_alloc : memref<!tpu.dma_semaphore, #tpu.memory_space<semaphore_mem>>
      %dma_start3A = arith.constant 0 : i32
      %dma_start3A_1130 = tpu.memref_slice %arg4[%run_scoped3A_5, %dma_start3A] : memref<8x64xf32, #tpu.memory_space<vmem>> -> memref<1x64xf32, #tpu.memory_space<vmem>>
      %dma_start3A_1131 = tpu.memref_squeeze %dma_start3A_1130 : memref<1x64xf32, #tpu.memory_space<vmem>> -> memref<64xf32, #tpu.memory_space<vmem>>
      %dma_start3A_1132 = tpu.memref_slice %arg2[%run_scoped3A_4, %mul3A_2] : memref<8x2048xf32, #tpu.memory_space<hbm>> -> memref<1x64xf32, #tpu.memory_space<hbm>>
      %dma_start3A_1133 = tpu.memref_squeeze %dma_start3A_1132 : memref<1x64xf32, #tpu.memory_space<hbm>> -> memref<64xf32, #tpu.memory_space<hbm>>
      %dma_start3A_1134 = arith.constant 0 : i32
      %dma_start3A_1135 = tpu.memref_slice %arg4[%run_scoped3A_5, %dma_start3A_1134] : memref<8x64xf32, #tpu.memory_space<vmem>> -> memref<1x64xf32, #tpu.memory_space<vmem>>
      %dma_start3A_1136 = tpu.memref_squeeze %dma_start3A_1135 : memref<1x64xf32, #tpu.memory_space<vmem>> -> memref<64xf32, #tpu.memory_space<vmem>>
      %dma_start3A_1137 = tpu.memref_slice %arg2[%run_scoped3A_4, %mul3A_2] : memref<8x2048xf32, #tpu.memory_space<hbm>> -> memref<1x64xf32, #tpu.memory_space<hbm>>
      %dma_start3A_1138 = tpu.memref_squeeze %dma_start3A_1137 : memref<1x64xf32, #tpu.memory_space<hbm>> -> memref<64xf32, #tpu.memory_space<hbm>>
      tpu.enqueue_dma source(%dma_start3A_1138 : memref<64xf32, #tpu.memory_space<hbm>>) target(%dma_start3A_1136 : memref<64xf32, #tpu.memory_space<vmem>>) target_semaphore(%run_scoped3A_1129 : memref<!tpu.dma_semaphore, #tpu.memory_space<semaphore_mem>>)
      %dma_wait3A = arith.constant 0 : i32
      %dma_wait3A_1139 = tpu.memref_slice %arg4[%run_scoped3A_5, %dma_wait3A] : memref<8x64xf32, #tpu.memory_space<vmem>> -> memref<1x64xf32, #tpu.memory_space<vmem>>
      %dma_wait3A_1140 = tpu.memref_squeeze %dma_wait3A_1139 : memref<1x64xf32, #tpu.memory_space<vmem>> -> memref<64xf32, #tpu.memory_space<vmem>>
      %dma_wait3A_1141 = tpu.memref_slice %arg2[%run_scoped3A_4, %mul3A_2] : memref<8x2048xf32, #tpu.memory_space<hbm>> -> memref<1x64xf32, #tpu.memory_space<hbm>>
      %dma_wait3A_1142 = tpu.memref_squeeze %dma_wait3A_1141 : memref<1x64xf32, #tpu.memory_space<hbm>> -> memref<64xf32, #tpu.memory_space<hbm>>
      %dma_wait3A_1143 = arith.constant 0 : i32
      %dma_wait3A_1144 = tpu.memref_slice %arg4[%run_scoped3A_5, %dma_wait3A_1143] : memref<8x64xf32, #tpu.memory_space<vmem>> -> memref<1x64xf32, #tpu.memory_space<vmem>>
      %dma_wait3A_1145 = tpu.memref_squeeze %dma_wait3A_1144 : memref<1x64xf32, #tpu.memory_space<vmem>> -> memref<64xf32, #tpu.memory_space<vmem>>
      %dma_wait3A_1146 = tpu.memref_slice %arg2[%run_scoped3A_4, %mul3A_2] : memref<8x2048xf32, #tpu.memory_space<hbm>> -> memref<1x64xf32, #tpu.memory_space<hbm>>
      %dma_wait3A_1147 = tpu.memref_squeeze %dma_wait3A_1146 : memref<1x64xf32, #tpu.memory_space<hbm>> -> memref<64xf32, #tpu.memory_space<hbm>>
      tpu.wait_dma2 semaphore(%run_scoped3A_1129 : memref<!tpu.dma_semaphore, #tpu.memory_space<semaphore_mem>>) src(%dma_wait3A_1147 : memref<64xf32, #tpu.memory_space<hbm>>) dst(%dma_wait3A_1145 : memref<64xf32, #tpu.memory_space<vmem>>)
      tpu.yield
    }) : () -> ()
    %run_scoped3A_6 = arith.constant 2 : i32
    %run_scoped3A_7 = arith.constant 2 : i32
    "tpu.region"() ({
      %run_scoped3A_1129 = tpu.sem_alloc : memref<!tpu.dma_semaphore, #tpu.memory_space<semaphore_mem>>
      %dma_start3A = arith.constant 0 : i32
      %dma_start3A_1130 = tpu.memref_slice %arg4[%run_scoped3A_7, %dma_start3A] : memref<8x64xf32, #tpu.memory_space<vmem>> -> memref<1x64xf32, #tpu.memory_space<vmem>>
      %dma_start3A_1131 = tpu.memref_squeeze %dma_start3A_1130 : memref<1x64xf32, #tpu.memory_space<vmem>> -> memref<64xf32, #tpu.memory_space<vmem>>
      %dma_start3A_1132 = tpu.memref_slice %arg2[%run_scoped3A_6, %mul3A_2] : memref<8x2048xf32, #tpu.memory_space<hbm>> -> memref<1x64xf32, #tpu.memory_space<hbm>>
      %dma_start3A_1133 = tpu.memref_squeeze %dma_start3A_1132 : memref<1x64xf32, #tpu.memory_space<hbm>> -> memref<64xf32, #tpu.memory_space<hbm>>
      %dma_start3A_1134 = arith.constant 0 : i32
      %dma_start3A_1135 = tpu.memref_slice %arg4[%run_scoped3A_7, %dma_start3A_1134] : memref<8x64xf32, #tpu.memory_space<vmem>> -> memref<1x64xf32, #tpu.memory_space<vmem>>
      %dma_start3A_1136 = tpu.memref_squeeze %dma_start3A_1135 : memref<1x64xf32, #tpu.memory_space<vmem>> -> memref<64xf32, #tpu.memory_space<vmem>>
      %dma_start3A_1137 = tpu.memref_slice %arg2[%run_scoped3A_6, %mul3A_2] : memref<8x2048xf32, #tpu.memory_space<hbm>> -> memref<1x64xf32, #tpu.memory_space<hbm>>
      %dma_start3A_1138 = tpu.memref_squeeze %dma_start3A_1137 : memref<1x64xf32, #tpu.memory_space<hbm>> -> memref<64xf32, #tpu.memory_space<hbm>>
      tpu.enqueue_dma source(%dma_start3A_1138 : memref<64xf32, #tpu.memory_space<hbm>>) target(%dma_start3A_1136 : memref<64xf32, #tpu.memory_space<vmem>>) target_semaphore(%run_scoped3A_1129 : memref<!tpu.dma_semaphore, #tpu.memory_space<semaphore_mem>>)
      %dma_wait3A = arith.constant 0 : i32
      %dma_wait3A_1139 = tpu.memref_slice %arg4[%run_scoped3A_7, %dma_wait3A] : memref<8x64xf32, #tpu.memory_space<vmem>> -> memref<1x64xf32, #tpu.memory_space<vmem>>
      %dma_wait3A_1140 = tpu.memref_squeeze %dma_wait3A_1139 : memref<1x64xf32, #tpu.memory_space<vmem>> -> memref<64xf32, #tpu.memory_space<vmem>>
      %dma_wait3A_1141 = tpu.memref_slice %arg2[%run_scoped3A_6, %mul3A_2] : memref<8x2048xf32, #tpu.memory_space<hbm>> -> memref<1x64xf32, #tpu.memory_space<hbm>>
      %dma_wait3A_1142 = tpu.memref_squeeze %dma_wait3A_1141 : memref<1x64xf32, #tpu.memory_space<hbm>> -> memref<64xf32, #tpu.memory_space<hbm>>
      %dma_wait3A_1143 = arith.constant 0 : i32
      %dma_wait3A_1144 = tpu.memref_slice %arg4[%run_scoped3A_7, %dma_wait3A_1143] : memref<8x64xf32, #tpu.memory_space<vmem>> -> memref<1x64xf32, #tpu.memory_space<vmem>>
      %dma_wait3A_1145 = tpu.memref_squeeze %dma_wait3A_1144 : memref<1x64xf32, #tpu.memory_space<vmem>> -> memref<64xf32, #tpu.memory_space<vmem>>
      %dma_wait3A_1146 = tpu.memref_slice %arg2[%run_scoped3A_6, %mul3A_2] : memref<8x2048xf32, #tpu.memory_space<hbm>> -> memref<1x64xf32, #tpu.memory_space<hbm>>
      %dma_wait3A_1147 = tpu.memref_squeeze %dma_wait3A_1146 : memref<1x64xf32, #tpu.memory_space<hbm>> -> memref<64xf32, #tpu.memory_space<hbm>>
      tpu.wait_dma2 semaphore(%run_scoped3A_1129 : memref<!tpu.dma_semaphore, #tpu.memory_space<semaphore_mem>>) src(%dma_wait3A_1147 : memref<64xf32, #tpu.memory_space<hbm>>) dst(%dma_wait3A_1145 : memref<64xf32, #tpu.memory_space<vmem>>)
      tpu.yield
    }) : () -> ()
    %run_scoped3A_8 = arith.constant 3 : i32
    %run_scoped3A_9 = arith.constant 3 : i32
    "tpu.region"() ({
      %run_scoped3A_1129 = tpu.sem_alloc : memref<!tpu.dma_semaphore, #tpu.memory_space<semaphore_mem>>
      %dma_start3A = arith.constant 0 : i32
      %dma_start3A_1130 = tpu.memref_slice %arg4[%run_scoped3A_9, %dma_start3A] : memref<8x64xf32, #tpu.memory_space<vmem>> -> memref<1x64xf32, #tpu.memory_space<vmem>>
      %dma_start3A_1131 = tpu.memref_squeeze %dma_start3A_1130 : memref<1x64xf32, #tpu.memory_space<vmem>> -> memref<64xf32, #tpu.memory_space<vmem>>
      %dma_start3A_1132 = tpu.memref_slice %arg2[%run_scoped3A_8, %mul3A_2] : memref<8x2048xf32, #tpu.memory_space<hbm>> -> memref<1x64xf32, #tpu.memory_space<hbm>>
      %dma_start3A_1133 = tpu.memref_squeeze %dma_start3A_1132 : memref<1x64xf32, #tpu.memory_space<hbm>> -> memref<64xf32, #tpu.memory_space<hbm>>
      %dma_start3A_1134 = arith.constant 0 : i32
      %dma_start3A_1135 = tpu.memref_slice %arg4[%run_scoped3A_9, %dma_start3A_1134] : memref<8x64xf32, #tpu.memory_space<vmem>> -> memref<1x64xf32, #tpu.memory_space<vmem>>
      %dma_start3A_1136 = tpu.memref_squeeze %dma_start3A_1135 : memref<1x64xf32, #tpu.memory_space<vmem>> -> memref<64xf32, #tpu.memory_space<vmem>>
      %dma_start3A_1137 = tpu.memref_slice %arg2[%run_scoped3A_8, %mul3A_2] : memref<8x2048xf32, #tpu.memory_space<hbm>> -> memref<1x64xf32, #tpu.memory_space<hbm>>
      %dma_start3A_1138 = tpu.memref_squeeze %dma_start3A_1137 : memref<1x64xf32, #tpu.memory_space<hbm>> -> memref<64xf32, #tpu.memory_space<hbm>>
      tpu.enqueue_dma source(%dma_start3A_1138 : memref<64xf32, #tpu.memory_space<hbm>>) target(%dma_start3A_1136 : memref<64xf32, #tpu.memory_space<vmem>>) target_semaphore(%run_scoped3A_1129 : memref<!tpu.dma_semaphore, #tpu.memory_space<semaphore_mem>>)
      %dma_wait3A = arith.constant 0 : i32
      %dma_wait3A_1139 = tpu.memref_slice %arg4[%run_scoped3A_9, %dma_wait3A] : memref<8x64xf32, #tpu.memory_space<vmem>> -> memref<1x64xf32, #tpu.memory_space<vmem>>
      %dma_wait3A_1140 = tpu.memref_squeeze %dma_wait3A_1139 : memref<1x64xf32, #tpu.memory_space<vmem>> -> memref<64xf32, #tpu.memory_space<vmem>>
      %dma_wait3A_1141 = tpu.memref_slice %arg2[%run_scoped3A_8, %mul3A_2] : memref<8x2048xf32, #tpu.memory_space<hbm>> -> memref<1x64xf32, #tpu.memory_space<hbm>>
      %dma_wait3A_1142 = tpu.memref_squeeze %dma_wait3A_1141 : memref<1x64xf32, #tpu.memory_space<hbm>> -> memref<64xf32, #tpu.memory_space<hbm>>
      %dma_wait3A_1143 = arith.constant 0 : i32
      %dma_wait3A_1144 = tpu.memref_slice %arg4[%run_scoped3A_9, %dma_wait3A_1143] : memref<8x64xf32, #tpu.memory_space<vmem>> -> memref<1x64xf32, #tpu.memory_space<vmem>>
      %dma_wait3A_1145 = tpu.memref_squeeze %dma_wait3A_1144 : memref<1x64xf32, #tpu.memory_space<vmem>> -> memref<64xf32, #tpu.memory_space<vmem>>
      %dma_wait3A_1146 = tpu.memref_slice %arg2[%run_scoped3A_8, %mul3A_2] : memref<8x2048xf32, #tpu.memory_space<hbm>> -> memref<1x64xf32, #tpu.memory_space<hbm>>
      %dma_wait3A_1147 = tpu.memref_squeeze %dma_wait3A_1146 : memref<1x64xf32, #tpu.memory_space<hbm>> -> memref<64xf32, #tpu.memory_space<hbm>>
      tpu.wait_dma2 semaphore(%run_scoped3A_1129 : memref<!tpu.dma_semaphore, #tpu.memory_space<semaphore_mem>>) src(%dma_wait3A_1147 : memref<64xf32, #tpu.memory_space<hbm>>) dst(%dma_wait3A_1145 : memref<64xf32, #tpu.memory_space<vmem>>)
      tpu.yield
    }) : () -> ()
    %run_scoped3A_10 = arith.constant 4 : i32
    %run_scoped3A_11 = arith.constant 4 : i32
    "tpu.region"() ({
      %run_scoped3A_1129 = tpu.sem_alloc : memref<!tpu.dma_semaphore, #tpu.memory_space<semaphore_mem>>
      %dma_start3A = arith.constant 0 : i32
      %dma_start3A_1130 = tpu.memref_slice %arg4[%run_scoped3A_11, %dma_start3A] : memref<8x64xf32, #tpu.memory_space<vmem>> -> memref<1x64xf32, #tpu.memory_space<vmem>>
      %dma_start3A_1131 = tpu.memref_squeeze %dma_start3A_1130 : memref<1x64xf32, #tpu.memory_space<vmem>> -> memref<64xf32, #tpu.memory_space<vmem>>
      %dma_start3A_1132 = tpu.memref_slice %arg2[%run_scoped3A_10, %mul3A_2] : memref<8x2048xf32, #tpu.memory_space<hbm>> -> memref<1x64xf32, #tpu.memory_space<hbm>>
      %dma_start3A_1133 = tpu.memref_squeeze %dma_start3A_1132 : memref<1x64xf32, #tpu.memory_space<hbm>> -> memref<64xf32, #tpu.memory_space<hbm>>
      %dma_start3A_1134 = arith.constant 0 : i32
      %dma_start3A_1135 = tpu.memref_slice %arg4[%run_scoped3A_11, %dma_start3A_1134] : memref<8x64xf32, #tpu.memory_space<vmem>> -> memref<1x64xf32, #tpu.memory_space<vmem>>
      %dma_start3A_1136 = tpu.memref_squeeze %dma_start3A_1135 : memref<1x64xf32, #tpu.memory_space<vmem>> -> memref<64xf32, #tpu.memory_space<vmem>>
      %dma_start3A_1137 = tpu.memref_slice %arg2[%run_scoped3A_10, %mul3A_2] : memref<8x2048xf32, #tpu.memory_space<hbm>> -> memref<1x64xf32, #tpu.memory_space<hbm>>
      %dma_start3A_1138 = tpu.memref_squeeze %dma_start3A_1137 : memref<1x64xf32, #tpu.memory_space<hbm>> -> memref<64xf32, #tpu.memory_space<hbm>>
      tpu.enqueue_dma source(%dma_start3A_1138 : memref<64xf32, #tpu.memory_space<hbm>>) target(%dma_start3A_1136 : memref<64xf32, #tpu.memory_space<vmem>>) target_semaphore(%run_scoped3A_1129 : memref<!tpu.dma_semaphore, #tpu.memory_space<semaphore_mem>>)
      %dma_wait3A = arith.constant 0 : i32
      %dma_wait3A_1139 = tpu.memref_slice %arg4[%run_scoped3A_11, %dma_wait3A] : memref<8x64xf32, #tpu.memory_space<vmem>> -> memref<1x64xf32, #tpu.memory_space<vmem>>
      %dma_wait3A_1140 = tpu.memref_squeeze %dma_wait3A_1139 : memref<1x64xf32, #tpu.memory_space<vmem>> -> memref<64xf32, #tpu.memory_space<vmem>>
      %dma_wait3A_1141 = tpu.memref_slice %arg2[%run_scoped3A_10, %mul3A_2] : memref<8x2048xf32, #tpu.memory_space<hbm>> -> memref<1x64xf32, #tpu.memory_space<hbm>>
      %dma_wait3A_1142 = tpu.memref_squeeze %dma_wait3A_1141 : memref<1x64xf32, #tpu.memory_space<hbm>> -> memref<64xf32, #tpu.memory_space<hbm>>
      %dma_wait3A_1143 = arith.constant 0 : i32
      %dma_wait3A_1144 = tpu.memref_slice %arg4[%run_scoped3A_11, %dma_wait3A_1143] : memref<8x64xf32, #tpu.memory_space<vmem>> -> memref<1x64xf32, #tpu.memory_space<vmem>>
      %dma_wait3A_1145 = tpu.memref_squeeze %dma_wait3A_1144 : memref<1x64xf32, #tpu.memory_space<vmem>> -> memref<64xf32, #tpu.memory_space<vmem>>
      %dma_wait3A_1146 = tpu.memref_slice %arg2[%run_scoped3A_10, %mul3A_2] : memref<8x2048xf32, #tpu.memory_space<hbm>> -> memref<1x64xf32, #tpu.memory_space<hbm>>
      %dma_wait3A_1147 = tpu.memref_squeeze %dma_wait3A_1146 : memref<1x64xf32, #tpu.memory_space<hbm>> -> memref<64xf32, #tpu.memory_space<hbm>>
      tpu.wait_dma2 semaphore(%run_scoped3A_1129 : memref<!tpu.dma_semaphore, #tpu.memory_space<semaphore_mem>>) src(%dma_wait3A_1147 : memref<64xf32, #tpu.memory_space<hbm>>) dst(%dma_wait3A_1145 : memref<64xf32, #tpu.memory_space<vmem>>)
      tpu.yield
    }) : () -> ()
    %run_scoped3A_12 = arith.constant 5 : i32
    %run_scoped3A_13 = arith.constant 5 : i32
    "tpu.region"() ({
      %run_scoped3A_1129 = tpu.sem_alloc : memref<!tpu.dma_semaphore, #tpu.memory_space<semaphore_mem>>
      %dma_start3A = arith.constant 0 : i32
      %dma_start3A_1130 = tpu.memref_slice %arg4[%run_scoped3A_13, %dma_start3A] : memref<8x64xf32, #tpu.memory_space<vmem>> -> memref<1x64xf32, #tpu.memory_space<vmem>>
      %dma_start3A_1131 = tpu.memref_squeeze %dma_start3A_1130 : memref<1x64xf32, #tpu.memory_space<vmem>> -> memref<64xf32, #tpu.memory_space<vmem>>
      %dma_start3A_1132 = tpu.memref_slice %arg2[%run_scoped3A_12, %mul3A_2] : memref<8x2048xf32, #tpu.memory_space<hbm>> -> memref<1x64xf32, #tpu.memory_space<hbm>>
      %dma_start3A_1133 = tpu.memref_squeeze %dma_start3A_1132 : memref<1x64xf32, #tpu.memory_space<hbm>> -> memref<64xf32, #tpu.memory_space<hbm>>
      %dma_start3A_1134 = arith.constant 0 : i32
      %dma_start3A_1135 = tpu.memref_slice %arg4[%run_scoped3A_13, %dma_start3A_1134] : memref<8x64xf32, #tpu.memory_space<vmem>> -> memref<1x64xf32, #tpu.memory_space<vmem>>
      %dma_start3A_1136 = tpu.memref_squeeze %dma_start3A_1135 : memref<1x64xf32, #tpu.memory_space<vmem>> -> memref<64xf32, #tpu.memory_space<vmem>>
      %dma_start3A_1137 = tpu.memref_slice %arg2[%run_scoped3A_12, %mul3A_2] : memref<8x2048xf32, #tpu.memory_space<hbm>> -> memref<1x64xf32, #tpu.memory_space<hbm>>
      %dma_start3A_1138 = tpu.memref_squeeze %dma_start3A_1137 : memref<1x64xf32, #tpu.memory_space<hbm>> -> memref<64xf32, #tpu.memory_space<hbm>>
      tpu.enqueue_dma source(%dma_start3A_1138 : memref<64xf32, #tpu.memory_space<hbm>>) target(%dma_start3A_1136 : memref<64xf32, #tpu.memory_space<vmem>>) target_semaphore(%run_scoped3A_1129 : memref<!tpu.dma_semaphore, #tpu.memory_space<semaphore_mem>>)
      %dma_wait3A = arith.constant 0 : i32
      %dma_wait3A_1139 = tpu.memref_slice %arg4[%run_scoped3A_13, %dma_wait3A] : memref<8x64xf32, #tpu.memory_space<vmem>> -> memref<1x64xf32, #tpu.memory_space<vmem>>
      %dma_wait3A_1140 = tpu.memref_squeeze %dma_wait3A_1139 : memref<1x64xf32, #tpu.memory_space<vmem>> -> memref<64xf32, #tpu.memory_space<vmem>>
      %dma_wait3A_1141 = tpu.memref_slice %arg2[%run_scoped3A_12, %mul3A_2] : memref<8x2048xf32, #tpu.memory_space<hbm>> -> memref<1x64xf32, #tpu.memory_space<hbm>>
      %dma_wait3A_1142 = tpu.memref_squeeze %dma_wait3A_1141 : memref<1x64xf32, #tpu.memory_space<hbm>> -> memref<64xf32, #tpu.memory_space<hbm>>
      %dma_wait3A_1143 = arith.constant 0 : i32
      %dma_wait3A_1144 = tpu.memref_slice %arg4[%run_scoped3A_13, %dma_wait3A_1143] : memref<8x64xf32, #tpu.memory_space<vmem>> -> memref<1x64xf32, #tpu.memory_space<vmem>>
      %dma_wait3A_1145 = tpu.memref_squeeze %dma_wait3A_1144 : memref<1x64xf32, #tpu.memory_space<vmem>> -> memref<64xf32, #tpu.memory_space<vmem>>
      %dma_wait3A_1146 = tpu.memref_slice %arg2[%run_scoped3A_12, %mul3A_2] : memref<8x2048xf32, #tpu.memory_space<hbm>> -> memref<1x64xf32, #tpu.memory_space<hbm>>
      %dma_wait3A_1147 = tpu.memref_squeeze %dma_wait3A_1146 : memref<1x64xf32, #tpu.memory_space<hbm>> -> memref<64xf32, #tpu.memory_space<hbm>>
      tpu.wait_dma2 semaphore(%run_scoped3A_1129 : memref<!tpu.dma_semaphore, #tpu.memory_space<semaphore_mem>>) src(%dma_wait3A_1147 : memref<64xf32, #tpu.memory_space<hbm>>) dst(%dma_wait3A_1145 : memref<64xf32, #tpu.memory_space<vmem>>)
      tpu.yield
    }) : () -> ()
    %run_scoped3A_14 = arith.constant 6 : i32
    %run_scoped3A_15 = arith.constant 6 : i32
    "tpu.region"() ({
      %run_scoped3A_1129 = tpu.sem_alloc : memref<!tpu.dma_semaphore, #tpu.memory_space<semaphore_mem>>
      %dma_start3A = arith.constant 0 : i32
      %dma_start3A_1130 = tpu.memref_slice %arg4[%run_scoped3A_15, %dma_start3A] : memref<8x64xf32, #tpu.memory_space<vmem>> -> memref<1x64xf32, #tpu.memory_space<vmem>>
      %dma_start3A_1131 = tpu.memref_squeeze %dma_start3A_1130 : memref<1x64xf32, #tpu.memory_space<vmem>> -> memref<64xf32, #tpu.memory_space<vmem>>
      %dma_start3A_1132 = tpu.memref_slice %arg2[%run_scoped3A_14, %mul3A_2] : memref<8x2048xf32, #tpu.memory_space<hbm>> -> memref<1x64xf32, #tpu.memory_space<hbm>>
      %dma_start3A_1133 = tpu.memref_squeeze %dma_start3A_1132 : memref<1x64xf32, #tpu.memory_space<hbm>> -> memref<64xf32, #tpu.memory_space<hbm>>
      %dma_start3A_1134 = arith.constant 0 : i32
      %dma_start3A_1135 = tpu.memref_slice %arg4[%run_scoped3A_15, %dma_start3A_1134] : memref<8x64xf32, #tpu.memory_space<vmem>> -> memref<1x64xf32, #tpu.memory_space<vmem>>
      %dma_start3A_1136 = tpu.memref_squeeze %dma_start3A_1135 : memref<1x64xf32, #tpu.memory_space<vmem>> -> memref<64xf32, #tpu.memory_space<vmem>>
      %dma_start3A_1137 = tpu.memref_slice %arg2[%run_scoped3A_14, %mul3A_2] : memref<8x2048xf32, #tpu.memory_space<hbm>> -> memref<1x64xf32, #tpu.memory_space<hbm>>
      %dma_start3A_1138 = tpu.memref_squeeze %dma_start3A_1137 : memref<1x64xf32, #tpu.memory_space<hbm>> -> memref<64xf32, #tpu.memory_space<hbm>>
      tpu.enqueue_dma source(%dma_start3A_1138 : memref<64xf32, #tpu.memory_space<hbm>>) target(%dma_start3A_1136 : memref<64xf32, #tpu.memory_space<vmem>>) target_semaphore(%run_scoped3A_1129 : memref<!tpu.dma_semaphore, #tpu.memory_space<semaphore_mem>>)
      %dma_wait3A = arith.constant 0 : i32
      %dma_wait3A_1139 = tpu.memref_slice %arg4[%run_scoped3A_15, %dma_wait3A] : memref<8x64xf32, #tpu.memory_space<vmem>> -> memref<1x64xf32, #tpu.memory_space<vmem>>
      %dma_wait3A_1140 = tpu.memref_squeeze %dma_wait3A_1139 : memref<1x64xf32, #tpu.memory_space<vmem>> -> memref<64xf32, #tpu.memory_space<vmem>>
      %dma_wait3A_1141 = tpu.memref_slice %arg2[%run_scoped3A_14, %mul3A_2] : memref<8x2048xf32, #tpu.memory_space<hbm>> -> memref<1x64xf32, #tpu.memory_space<hbm>>
      %dma_wait3A_1142 = tpu.memref_squeeze %dma_wait3A_1141 : memref<1x64xf32, #tpu.memory_space<hbm>> -> memref<64xf32, #tpu.memory_space<hbm>>
      %dma_wait3A_1143 = arith.constant 0 : i32
      %dma_wait3A_1144 = tpu.memref_slice %arg4[%run_scoped3A_15, %dma_wait3A_1143] : memref<8x64xf32, #tpu.memory_space<vmem>> -> memref<1x64xf32, #tpu.memory_space<vmem>>
      %dma_wait3A_1145 = tpu.memref_squeeze %dma_wait3A_1144 : memref<1x64xf32, #tpu.memory_space<vmem>> -> memref<64xf32, #tpu.memory_space<vmem>>
      %dma_wait3A_1146 = tpu.memref_slice %arg2[%run_scoped3A_14, %mul3A_2] : memref<8x2048xf32, #tpu.memory_space<hbm>> -> memref<1x64xf32, #tpu.memory_space<hbm>>
      %dma_wait3A_1147 = tpu.memref_squeeze %dma_wait3A_1146 : memref<1x64xf32, #tpu.memory_space<hbm>> -> memref<64xf32, #tpu.memory_space<hbm>>
      tpu.wait_dma2 semaphore(%run_scoped3A_1129 : memref<!tpu.dma_semaphore, #tpu.memory_space<semaphore_mem>>) src(%dma_wait3A_1147 : memref<64xf32, #tpu.memory_space<hbm>>) dst(%dma_wait3A_1145 : memref<64xf32, #tpu.memory_space<vmem>>)
      tpu.yield
    }) : () -> ()
    %run_scoped3A_16 = arith.constant 7 : i32
    %run_scoped3A_17 = arith.constant 7 : i32
    "tpu.region"() ({
      %run_scoped3A_1129 = tpu.sem_alloc : memref<!tpu.dma_semaphore, #tpu.memory_space<semaphore_mem>>
      %dma_start3A = arith.constant 0 : i32
      %dma_start3A_1130 = tpu.memref_slice %arg4[%run_scoped3A_17, %dma_start3A] : memref<8x64xf32, #tpu.memory_space<vmem>> -> memref<1x64xf32, #tpu.memory_space<vmem>>
      %dma_start3A_1131 = tpu.memref_squeeze %dma_start3A_1130 : memref<1x64xf32, #tpu.memory_space<vmem>> -> memref<64xf32, #tpu.memory_space<vmem>>
      %dma_start3A_1132 = tpu.memref_slice %arg2[%run_scoped3A_16, %mul3A_2] : memref<8x2048xf32, #tpu.memory_space<hbm>> -> memref<1x64xf32, #tpu.memory_space<hbm>>
      %dma_start3A_1133 = tpu.memref_squeeze %dma_start3A_1132 : memref<1x64xf32, #tpu.memory_space<hbm>> -> memref<64xf32, #tpu.memory_space<hbm>>
      %dma_start3A_1134 = arith.constant 0 : i32
      %dma_start3A_1135 = tpu.memref_slice %arg4[%run_scoped3A_17, %dma_start3A_1134] : memref<8x64xf32, #tpu.memory_space<vmem>> -> memref<1x64xf32, #tpu.memory_space<vmem>>
      %dma_start3A_1136 = tpu.memref_squeeze %dma_start3A_1135 : memref<1x64xf32, #tpu.memory_space<vmem>> -> memref<64xf32, #tpu.memory_space<vmem>>
      %dma_start3A_1137 = tpu.memref_slice %arg2[%run_scoped3A_16, %mul3A_2] : memref<8x2048xf32, #tpu.memory_space<hbm>> -> memref<1x64xf32, #tpu.memory_space<hbm>>
      %dma_start3A_1138 = tpu.memref_squeeze %dma_start3A_1137 : memref<1x64xf32, #tpu.memory_space<hbm>> -> memref<64xf32, #tpu.memory_space<hbm>>
      tpu.enqueue_dma source(%dma_start3A_1138 : memref<64xf32, #tpu.memory_space<hbm>>) target(%dma_start3A_1136 : memref<64xf32, #tpu.memory_space<vmem>>) target_semaphore(%run_scoped3A_1129 : memref<!tpu.dma_semaphore, #tpu.memory_space<semaphore_mem>>)
      %dma_wait3A = arith.constant 0 : i32
      %dma_wait3A_1139 = tpu.memref_slice %arg4[%run_scoped3A_17, %dma_wait3A] : memref<8x64xf32, #tpu.memory_space<vmem>> -> memref<1x64xf32, #tpu.memory_space<vmem>>
      %dma_wait3A_1140 = tpu.memref_squeeze %dma_wait3A_1139 : memref<1x64xf32, #tpu.memory_space<vmem>> -> memref<64xf32, #tpu.memory_space<vmem>>
      %dma_wait3A_1141 = tpu.memref_slice %arg2[%run_scoped3A_16, %mul3A_2] : memref<8x2048xf32, #tpu.memory_space<hbm>> -> memref<1x64xf32, #tpu.memory_space<hbm>>
      %dma_wait3A_1142 = tpu.memref_squeeze %dma_wait3A_1141 : memref<1x64xf32, #tpu.memory_space<hbm>> -> memref<64xf32, #tpu.memory_space<hbm>>
      %dma_wait3A_1143 = arith.constant 0 : i32
      %dma_wait3A_1144 = tpu.memref_slice %arg4[%run_scoped3A_17, %dma_wait3A_1143] : memref<8x64xf32, #tpu.memory_space<vmem>> -> memref<1x64xf32, #tpu.memory_space<vmem>>
      %dma_wait3A_1145 = tpu.memref_squeeze %dma_wait3A_1144 : memref<1x64xf32, #tpu.memory_space<vmem>> -> memref<64xf32, #tpu.memory_space<vmem>>
      %dma_wait3A_1146 = tpu.memref_slice %arg2[%run_scoped3A_16, %mul3A_2] : memref<8x2048xf32, #tpu.memory_space<hbm>> -> memref<1x64xf32, #tpu.memory_space<hbm>>
      %dma_wait3A_1147 = tpu.memref_squeeze %dma_wait3A_1146 : memref<1x64xf32, #tpu.memory_space<hbm>> -> memref<64xf32, #tpu.memory_space<hbm>>
      tpu.wait_dma2 semaphore(%run_scoped3A_1129 : memref<!tpu.dma_semaphore, #tpu.memory_space<semaphore_mem>>) src(%dma_wait3A_1147 : memref<64xf32, #tpu.memory_space<hbm>>) dst(%dma_wait3A_1145 : memref<64xf32, #tpu.memory_space<vmem>>)
      tpu.yield
    }) : () -> ()
    %get3A = arith.constant 0 : i32
    %get3A_18 = arith.index_cast %get3A : i32 to index
    %get3A_19 = arith.constant 0 : index
    %get3A_20 = tpu.vector_load %arg4[%get3A_18, %get3A_19] {strides = array<i32>} : memref<8x64xf32, #tpu.memory_space<vmem>>, vector<1x16xf32>,
    %get3A_21 = vector.shape_cast %get3A_20 : vector<1x16xf32> to vector<16xf32>
    %get3A_22 = arith.constant 1 : i32
    %get3A_23 = arith.index_cast %get3A_22 : i32 to index
    %get3A_24 = arith.constant 0 : index
    %get3A_25 = tpu.vector_load %arg4[%get3A_23, %get3A_24] {strides = array<i32>} : memref<8x64xf32, #tpu.memory_space<vmem>>, vector<1x16xf32>,
    %get3A_26 = vector.shape_cast %get3A_25 : vector<1x16xf32> to vector<16xf32>
    %get3A_27 = arith.constant 2 : i32
    %get3A_28 = arith.index_cast %get3A_27 : i32 to index
    %get3A_29 = arith.constant 0 : index
    %get3A_30 = tpu.vector_load %arg4[%get3A_28, %get3A_29] {strides = array<i32>} : memref<8x64xf32, #tpu.memory_space<vmem>>, vector<1x16xf32>,
    %get3A_31 = vector.shape_cast %get3A_30 : vector<1x16xf32> to vector<16xf32>
    %get3A_32 = arith.constant 3 : i32
    %get3A_33 = arith.index_cast %get3A_32 : i32 to index
    %get3A_34 = arith.constant 0 : index
    %get3A_35 = tpu.vector_load %arg4[%get3A_33, %get3A_34] {strides = array<i32>} : memref<8x64xf32, #tpu.memory_space<vmem>>, vector<1x16xf32>,
    %get3A_36 = vector.shape_cast %get3A_35 : vector<1x16xf32> to vector<16xf32>
    %get3A_37 = arith.constant 4 : i32
    %get3A_38 = arith.index_cast %get3A_37 : i32 to index
    %get3A_39 = arith.constant 0 : index
    %get3A_40 = tpu.vector_load %arg4[%get3A_38, %get3A_39] {strides = array<i32>} : memref<8x64xf32, #tpu.memory_space<vmem>>, vector<1x16xf32>,
    %get3A_41 = vector.shape_cast %get3A_40 : vector<1x16xf32> to vector<16xf32>
    %get3A_42 = arith.constant 5 : i32
    %get3A_43 = arith.index_cast %get3A_42 : i32 to index
    %get3A_44 = arith.constant 0 : index
    %get3A_45 = tpu.vector_load %arg4[%get3A_43, %get3A_44] {strides = array<i32>} : memref<8x64xf32, #tpu.memory_space<vmem>>, vector<1x16xf32>,
    %get3A_46 = vector.shape_cast %get3A_45 : vector<1x16xf32> to vector<16xf32>
    %get3A_47 = arith.constant 6 : i32
    %get3A_48 = arith.index_cast %get3A_47 : i32 to index
    %get3A_49 = arith.constant 0 : index
    %get3A_50 = tpu.vector_load %arg4[%get3A_48, %get3A_49] {strides = array<i32>} : memref<8x64xf32, #tpu.memory_space<vmem>>, vector<1x16xf32>,
    %get3A_51 = vector.shape_cast %get3A_50 : vector<1x16xf32> to vector<16xf32>
    %get3A_52 = arith.constant 7 : i32
    %get3A_53 = arith.index_cast %get3A_52 : i32 to index
    %get3A_54 = arith.constant 0 : index
    %get3A_55 = tpu.vector_load %arg4[%get3A_53, %get3A_54] {strides = array<i32>} : memref<8x64xf32, #tpu.memory_space<vmem>>, vector<1x16xf32>,
    %get3A_56 = vector.shape_cast %get3A_55 : vector<1x16xf32> to vector<16xf32>
    %broadcast_in_dim3A = arith.constant 0 : i32
    %broadcast_in_dim3A_57 = vector.broadcast %broadcast_in_dim3A : i32 to vector<16xi32>
    %gt3A = arith.cmpf ogt, %get3A_26, %get3A_21 : vector<16xf32>
    %broadcast_in_dim3A_58 = arith.constant 1 : i32
    %broadcast_in_dim3A_59 = vector.broadcast %broadcast_in_dim3A_58 : i32 to vector<16xi32>
    %select_n3A = arith.select %gt3A, %broadcast_in_dim3A_59, %broadcast_in_dim3A_57 : vector<16xi1>, vector<16xi32>
    %select_n3A_60 = arith.select %gt3A, %get3A_26, %get3A_21 : vector<16xi1>, vector<16xf32>
    %gt3A_61 = arith.cmpf ogt, %get3A_31, %select_n3A_60 : vector<16xf32>
    %broadcast_in_dim3A_62 = arith.constant 2 : i32
    %broadcast_in_dim3A_63 = vector.broadcast %broadcast_in_dim3A_62 : i32 to vector<16xi32>
    %select_n3A_64 = arith.select %gt3A_61, %broadcast_in_dim3A_63, %select_n3A : vector<16xi1>, vector<16xi32>
    %select_n3A_65 = arith.select %gt3A_61, %get3A_31, %select_n3A_60 : vector<16xi1>, vector<16xf32>
    %gt3A_66 = arith.cmpf ogt, %get3A_36, %select_n3A_65 : vector<16xf32>
    %broadcast_in_dim3A_67 = arith.constant 3 : i32
    %broadcast_in_dim3A_68 = vector.broadcast %broadcast_in_dim3A_67 : i32 to vector<16xi32>
    %select_n3A_69 = arith.select %gt3A_66, %broadcast_in_dim3A_68, %select_n3A_64 : vector<16xi1>, vector<16xi32>
    %select_n3A_70 = arith.select %gt3A_66, %get3A_36, %select_n3A_65 : vector<16xi1>, vector<16xf32>
    %gt3A_71 = arith.cmpf ogt, %get3A_41, %select_n3A_70 : vector<16xf32>
    %broadcast_in_dim3A_72 = arith.constant 4 : i32
    %broadcast_in_dim3A_73 = vector.broadcast %broadcast_in_dim3A_72 : i32 to vector<16xi32>
    %select_n3A_74 = arith.select %gt3A_71, %broadcast_in_dim3A_73, %select_n3A_69 : vector<16xi1>, vector<16xi32>
    %select_n3A_75 = arith.select %gt3A_71, %get3A_41, %select_n3A_70 : vector<16xi1>, vector<16xf32>
    %gt3A_76 = arith.cmpf ogt, %get3A_46, %select_n3A_75 : vector<16xf32>
    %broadcast_in_dim3A_77 = arith.constant 5 : i32
    %broadcast_in_dim3A_78 = vector.broadcast %broadcast_in_dim3A_77 : i32 to vector<16xi32>
    %select_n3A_79 = arith.select %gt3A_76, %broadcast_in_dim3A_78, %select_n3A_74 : vector<16xi1>, vector<16xi32>
    %select_n3A_80 = arith.select %gt3A_76, %get3A_46, %select_n3A_75 : vector<16xi1>, vector<16xf32>
    %gt3A_81 = arith.cmpf ogt, %get3A_51, %select_n3A_80 : vector<16xf32>
    %broadcast_in_dim3A_82 = arith.constant 6 : i32
    %broadcast_in_dim3A_83 = vector.broadcast %broadcast_in_dim3A_82 : i32 to vector<16xi32>
    %select_n3A_84 = arith.select %gt3A_81, %broadcast_in_dim3A_83, %select_n3A_79 : vector<16xi1>, vector<16xi32>
    %select_n3A_85 = arith.select %gt3A_81, %get3A_51, %select_n3A_80 : vector<16xi1>, vector<16xf32>
    %gt3A_86 = arith.cmpf ogt, %get3A_56, %select_n3A_85 : vector<16xf32>
    %broadcast_in_dim3A_87 = arith.constant 7 : i32
    %broadcast_in_dim3A_88 = vector.broadcast %broadcast_in_dim3A_87 : i32 to vector<16xi32>
    %select_n3A_89 = arith.select %gt3A_86, %broadcast_in_dim3A_88, %select_n3A_84 : vector<16xi1>, vector<16xi32>
    %select_n3A_90 = arith.select %gt3A_86, %get3A_56, %select_n3A_85 : vector<16xi1>, vector<16xf32>
    %broadcast_in_dim3A_91 = arith.constant -1.000000e+30 : f32
    %broadcast_in_dim3A_92 = vector.broadcast %broadcast_in_dim3A_91 : f32 to vector<16xf32>
    %broadcast_in_dim3A_93 = arith.constant 8 : i32
    %broadcast_in_dim3A_94 = vector.broadcast %broadcast_in_dim3A_93 : i32 to vector<16xi32>
    %broadcast_in_dim3A_95 = arith.constant 0 : i32
    %broadcast_in_dim3A_96 = vector.broadcast %broadcast_in_dim3A_95 : i32 to vector<16xi32>
    %eq3A = arith.cmpi eq, %select_n3A_89, %broadcast_in_dim3A_96 : vector<16xi32>
    %select_n3A_97 = arith.select %eq3A, %broadcast_in_dim3A_92, %get3A_21 : vector<16xi1>, vector<16xf32>
    %gt3A_98 = arith.cmpf ogt, %select_n3A_97, %broadcast_in_dim3A_92 : vector<16xf32>
    %broadcast_in_dim3A_99 = arith.constant 0 : i32
    %broadcast_in_dim3A_100 = vector.broadcast %broadcast_in_dim3A_99 : i32 to vector<16xi32>
    %select_n3A_101 = arith.select %gt3A_98, %broadcast_in_dim3A_100, %broadcast_in_dim3A_94 : vector<16xi1>, vector<16xi32>
    %select_n3A_102 = arith.select %gt3A_98, %select_n3A_97, %broadcast_in_dim3A_92 : vector<16xi1>, vector<16xf32>
    %broadcast_in_dim3A_103 = arith.constant 1 : i32
    %broadcast_in_dim3A_104 = vector.broadcast %broadcast_in_dim3A_103 : i32 to vector<16xi32>
    %eq3A_105 = arith.cmpi eq, %select_n3A_89, %broadcast_in_dim3A_104 : vector<16xi32>
    %select_n3A_106 = arith.select %eq3A_105, %broadcast_in_dim3A_92, %get3A_26 : vector<16xi1>, vector<16xf32>
    %gt3A_107 = arith.cmpf ogt, %select_n3A_106, %select_n3A_102 : vector<16xf32>
    %broadcast_in_dim3A_108 = arith.constant 1 : i32
    %broadcast_in_dim3A_109 = vector.broadcast %broadcast_in_dim3A_108 : i32 to vector<16xi32>
    %select_n3A_110 = arith.select %gt3A_107, %broadcast_in_dim3A_109, %select_n3A_101 : vector<16xi1>, vector<16xi32>
    %select_n3A_111 = arith.select %gt3A_107, %select_n3A_106, %select_n3A_102 : vector<16xi1>, vector<16xf32>
    %broadcast_in_dim3A_112 = arith.constant 2 : i32
    %broadcast_in_dim3A_113 = vector.broadcast %broadcast_in_dim3A_112 : i32 to vector<16xi32>
    %eq3A_114 = arith.cmpi eq, %select_n3A_89, %broadcast_in_dim3A_113 : vector<16xi32>
    %select_n3A_115 = arith.select %eq3A_114, %broadcast_in_dim3A_92, %get3A_31 : vector<16xi1>, vector<16xf32>
    %gt3A_116 = arith.cmpf ogt, %select_n3A_115, %select_n3A_111 : vector<16xf32>
    %broadcast_in_dim3A_117 = arith.constant 2 : i32
    %broadcast_in_dim3A_118 = vector.broadcast %broadcast_in_dim3A_117 : i32 to vector<16xi32>
    %select_n3A_119 = arith.select %gt3A_116, %broadcast_in_dim3A_118, %select_n3A_110 : vector<16xi1>, vector<16xi32>
    %select_n3A_120 = arith.select %gt3A_116, %select_n3A_115, %select_n3A_111 : vector<16xi1>, vector<16xf32>
    %broadcast_in_dim3A_121 = arith.constant 3 : i32
    %broadcast_in_dim3A_122 = vector.broadcast %broadcast_in_dim3A_121 : i32 to vector<16xi32>
    %eq3A_123 = arith.cmpi eq, %select_n3A_89, %broadcast_in_dim3A_122 : vector<16xi32>
    %select_n3A_124 = arith.select %eq3A_123, %broadcast_in_dim3A_92, %get3A_36 : vector<16xi1>, vector<16xf32>
    %gt3A_125 = arith.cmpf ogt, %select_n3A_124, %select_n3A_120 : vector<16xf32>
    %broadcast_in_dim3A_126 = arith.constant 3 : i32
    %broadcast_in_dim3A_127 = vector.broadcast %broadcast_in_dim3A_126 : i32 to vector<16xi32>
    %select_n3A_128 = arith.select %gt3A_125, %broadcast_in_dim3A_127, %select_n3A_119 : vector<16xi1>, vector<16xi32>
    %select_n3A_129 = arith.select %gt3A_125, %select_n3A_124, %select_n3A_120 : vector<16xi1>, vector<16xf32>
    %broadcast_in_dim3A_130 = arith.constant 4 : i32
    %broadcast_in_dim3A_131 = vector.broadcast %broadcast_in_dim3A_130 : i32 to vector<16xi32>
    %eq3A_132 = arith.cmpi eq, %select_n3A_89, %broadcast_in_dim3A_131 : vector<16xi32>
    %select_n3A_133 = arith.select %eq3A_132, %broadcast_in_dim3A_92, %get3A_41 : vector<16xi1>, vector<16xf32>
    %gt3A_134 = arith.cmpf ogt, %select_n3A_133, %select_n3A_129 : vector<16xf32>
    %broadcast_in_dim3A_135 = arith.constant 4 : i32
    %broadcast_in_dim3A_136 = vector.broadcast %broadcast_in_dim3A_135 : i32 to vector<16xi32>
    %select_n3A_137 = arith.select %gt3A_134, %broadcast_in_dim3A_136, %select_n3A_128 : vector<16xi1>, vector<16xi32>
    %select_n3A_138 = arith.select %gt3A_134, %select_n3A_133, %select_n3A_129 : vector<16xi1>, vector<16xf32>
    %broadcast_in_dim3A_139 = arith.constant 5 : i32
    %broadcast_in_dim3A_140 = vector.broadcast %broadcast_in_dim3A_139 : i32 to vector<16xi32>
    %eq3A_141 = arith.cmpi eq, %select_n3A_89, %broadcast_in_dim3A_140 : vector<16xi32>
    %select_n3A_142 = arith.select %eq3A_141, %broadcast_in_dim3A_92, %get3A_46 : vector<16xi1>, vector<16xf32>
    %gt3A_143 = arith.cmpf ogt, %select_n3A_142, %select_n3A_138 : vector<16xf32>
    %broadcast_in_dim3A_144 = arith.constant 5 : i32
    %broadcast_in_dim3A_145 = vector.broadcast %broadcast_in_dim3A_144 : i32 to vector<16xi32>
    %select_n3A_146 = arith.select %gt3A_143, %broadcast_in_dim3A_145, %select_n3A_137 : vector<16xi1>, vector<16xi32>
    %select_n3A_147 = arith.select %gt3A_143, %select_n3A_142, %select_n3A_138 : vector<16xi1>, vector<16xf32>
    %broadcast_in_dim3A_148 = arith.constant 6 : i32
    %broadcast_in_dim3A_149 = vector.broadcast %broadcast_in_dim3A_148 : i32 to vector<16xi32>
    %eq3A_150 = arith.cmpi eq, %select_n3A_89, %broadcast_in_dim3A_149 : vector<16xi32>
    %select_n3A_151 = arith.select %eq3A_150, %broadcast_in_dim3A_92, %get3A_51 : vector<16xi1>, vector<16xf32>
    %gt3A_152 = arith.cmpf ogt, %select_n3A_151, %select_n3A_147 : vector<16xf32>
    %broadcast_in_dim3A_153 = arith.constant 6 : i32
    %broadcast_in_dim3A_154 = vector.broadcast %broadcast_in_dim3A_153 : i32 to vector<16xi32>
    %select_n3A_155 = arith.select %gt3A_152, %broadcast_in_dim3A_154, %select_n3A_146 : vector<16xi1>, vector<16xi32>
    %select_n3A_156 = arith.select %gt3A_152, %select_n3A_151, %select_n3A_147 : vector<16xi1>, vector<16xf32>
    %broadcast_in_dim3A_157 = arith.constant 7 : i32
    %broadcast_in_dim3A_158 = vector.broadcast %broadcast_in_dim3A_157 : i32 to vector<16xi32>
    %eq3A_159 = arith.cmpi eq, %select_n3A_89, %broadcast_in_dim3A_158 : vector<16xi32>
    %select_n3A_160 = arith.select %eq3A_159, %broadcast_in_dim3A_92, %get3A_56 : vector<16xi1>, vector<16xf32>
    %gt3A_161 = arith.cmpf ogt, %select_n3A_160, %select_n3A_156 : vector<16xf32>
    %broadcast_in_dim3A_162 = arith.constant 7 : i32
    %broadcast_in_dim3A_163 = vector.broadcast %broadcast_in_dim3A_162 : i32 to vector<16xi32>
    %select_n3A_164 = arith.select %gt3A_161, %broadcast_in_dim3A_163, %select_n3A_155 : vector<16xi1>, vector<16xi32>
    %select_n3A_165 = arith.select %gt3A_161, %select_n3A_160, %select_n3A_156 : vector<16xi1>, vector<16xf32>
    %sub3A = arith.subf %select_n3A_165, %select_n3A_90 : vector<16xf32>
    %exp3A = math.exp %sub3A : vector<16xf32>
    %broadcast_in_dim3A_166 = arith.constant 1.000000e+00 : f32
    %broadcast_in_dim3A_167 = vector.broadcast %broadcast_in_dim3A_166 : f32 to vector<16xf32>
    %broadcast_in_dim3A_168 = arith.constant 1.000000e+00 : f32
    %broadcast_in_dim3A_169 = vector.broadcast %broadcast_in_dim3A_168 : f32 to vector<16xf32>
    %add3A_170 = arith.addf %broadcast_in_dim3A_169, %exp3A : vector<16xf32>
    %div3A = arith.divf %broadcast_in_dim3A_167, %add3A_170 : vector<16xf32>
    %mul3A_171 = arith.mulf %exp3A, %div3A : vector<16xf32>
    %broadcast_in_dim3A_172 = arith.constant 0.000000e+00 : f32
    %broadcast_in_dim3A_173 = vector.broadcast %broadcast_in_dim3A_172 : f32 to vector<16xf32>
    %broadcast_in_dim3A_174 = arith.constant 0 : i32
    %broadcast_in_dim3A_175 = vector.broadcast %broadcast_in_dim3A_174 : i32 to vector<16xi32>
    %eq3A_176 = arith.cmpi eq, %select_n3A_89, %broadcast_in_dim3A_175 : vector<16xi32>
    %broadcast_in_dim3A_177 = arith.constant 0 : i32
    %broadcast_in_dim3A_178 = vector.broadcast %broadcast_in_dim3A_177 : i32 to vector<16xi32>
    %eq3A_179 = arith.cmpi eq, %select_n3A_164, %broadcast_in_dim3A_178 : vector<16xi32>
    %select_n3A_180 = arith.select %eq3A_179, %mul3A_171, %broadcast_in_dim3A_173 : vector<16xi1>, vector<16xf32>
    %select_n3A_181 = arith.select %eq3A_176, %div3A, %select_n3A_180 : vector<16xi1>, vector<16xf32>
    %swap3A = arith.constant 0 : i32
    %swap3A_182 = arith.index_cast %swap3A : i32 to index
    %swap3A_183 = arith.constant 0 : index
    %swap3A_184 = tpu.vector_load %arg5[%swap3A_182, %swap3A_183] {strides = array<i32>} : memref<8x64xf32, #tpu.memory_space<vmem>>, vector<1x16xf32>,
    %swap3A_185 = vector.shape_cast %swap3A_184 : vector<1x16xf32> to vector<16xf32>
    %swap3A_186 = vector.shape_cast %select_n3A_181 : vector<16xf32> to vector<1x16xf32>
    tpu.vector_store %arg5[%swap3A_182, %swap3A_183], %swap3A_186 {strides = array<i32>} : memref<8x64xf32, #tpu.memory_space<vmem>>, vector<1x16xf32>,
    %broadcast_in_dim3A_187 = arith.constant 1 : i32
    %broadcast_in_dim3A_188 = vector.broadcast %broadcast_in_dim3A_187 : i32 to vector<16xi32>
    %eq3A_189 = arith.cmpi eq, %select_n3A_89, %broadcast_in_dim3A_188 : vector<16xi32>
    %broadcast_in_dim3A_190 = arith.constant 1 : i32
    %broadcast_in_dim3A_191 = vector.broadcast %broadcast_in_dim3A_190 : i32 to vector<16xi32>
    %eq3A_192 = arith.cmpi eq, %select_n3A_164, %broadcast_in_dim3A_191 : vector<16xi32>
    %select_n3A_193 = arith.select %eq3A_192, %mul3A_171, %broadcast_in_dim3A_173 : vector<16xi1>, vector<16xf32>
    %select_n3A_194 = arith.select %eq3A_189, %div3A, %select_n3A_193 : vector<16xi1>, vector<16xf32>
    %swap3A_195 = arith.constant 1 : i32
    %swap3A_196 = arith.index_cast %swap3A_195 : i32 to index
    %swap3A_197 = arith.constant 0 : index
    %swap3A_198 = tpu.vector_load %arg5[%swap3A_196, %swap3A_197] {strides = array<i32>} : memref<8x64xf32, #tpu.memory_space<vmem>>, vector<1x16xf32>,
    %swap3A_199 = vector.shape_cast %swap3A_198 : vector<1x16xf32> to vector<16xf32>
    %swap3A_200 = vector.shape_cast %select_n3A_194 : vector<16xf32> to vector<1x16xf32>
    tpu.vector_store %arg5[%swap3A_196, %swap3A_197], %swap3A_200 {strides = array<i32>} : memref<8x64xf32, #tpu.memory_space<vmem>>, vector<1x16xf32>,
    %broadcast_in_dim3A_201 = arith.constant 2 : i32
    %broadcast_in_dim3A_202 = vector.broadcast %broadcast_in_dim3A_201 : i32 to vector<16xi32>
    %eq3A_203 = arith.cmpi eq, %select_n3A_89, %broadcast_in_dim3A_202 : vector<16xi32>
    %broadcast_in_dim3A_204 = arith.constant 2 : i32
    %broadcast_in_dim3A_205 = vector.broadcast %broadcast_in_dim3A_204 : i32 to vector<16xi32>
    %eq3A_206 = arith.cmpi eq, %select_n3A_164, %broadcast_in_dim3A_205 : vector<16xi32>
    %select_n3A_207 = arith.select %eq3A_206, %mul3A_171, %broadcast_in_dim3A_173 : vector<16xi1>, vector<16xf32>
    %select_n3A_208 = arith.select %eq3A_203, %div3A, %select_n3A_207 : vector<16xi1>, vector<16xf32>
    %swap3A_209 = arith.constant 2 : i32
    %swap3A_210 = arith.index_cast %swap3A_209 : i32 to index
    %swap3A_211 = arith.constant 0 : index
    %swap3A_212 = tpu.vector_load %arg5[%swap3A_210, %swap3A_211] {strides = array<i32>} : memref<8x64xf32, #tpu.memory_space<vmem>>, vector<1x16xf32>,
    %swap3A_213 = vector.shape_cast %swap3A_212 : vector<1x16xf32> to vector<16xf32>
    %swap3A_214 = vector.shape_cast %select_n3A_208 : vector<16xf32> to vector<1x16xf32>
    tpu.vector_store %arg5[%swap3A_210, %swap3A_211], %swap3A_214 {strides = array<i32>} : memref<8x64xf32, #tpu.memory_space<vmem>>, vector<1x16xf32>,
    %broadcast_in_dim3A_215 = arith.constant 3 : i32
    %broadcast_in_dim3A_216 = vector.broadcast %broadcast_in_dim3A_215 : i32 to vector<16xi32>
    %eq3A_217 = arith.cmpi eq, %select_n3A_89, %broadcast_in_dim3A_216 : vector<16xi32>
    %broadcast_in_dim3A_218 = arith.constant 3 : i32
    %broadcast_in_dim3A_219 = vector.broadcast %broadcast_in_dim3A_218 : i32 to vector<16xi32>
    %eq3A_220 = arith.cmpi eq, %select_n3A_164, %broadcast_in_dim3A_219 : vector<16xi32>
    %select_n3A_221 = arith.select %eq3A_220, %mul3A_171, %broadcast_in_dim3A_173 : vector<16xi1>, vector<16xf32>
    %select_n3A_222 = arith.select %eq3A_217, %div3A, %select_n3A_221 : vector<16xi1>, vector<16xf32>
    %swap3A_223 = arith.constant 3 : i32
    %swap3A_224 = arith.index_cast %swap3A_223 : i32 to index
    %swap3A_225 = arith.constant 0 : index
    %swap3A_226 = tpu.vector_load %arg5[%swap3A_224, %swap3A_225] {strides = array<i32>} : memref<8x64xf32, #tpu.memory_space<vmem>>, vector<1x16xf32>,
    %swap3A_227 = vector.shape_cast %swap3A_226 : vector<1x16xf32> to vector<16xf32>
    %swap3A_228 = vector.shape_cast %select_n3A_222 : vector<16xf32> to vector<1x16xf32>
    tpu.vector_store %arg5[%swap3A_224, %swap3A_225], %swap3A_228 {strides = array<i32>} : memref<8x64xf32, #tpu.memory_space<vmem>>, vector<1x16xf32>,
    %broadcast_in_dim3A_229 = arith.constant 4 : i32
    %broadcast_in_dim3A_230 = vector.broadcast %broadcast_in_dim3A_229 : i32 to vector<16xi32>
    %eq3A_231 = arith.cmpi eq, %select_n3A_89, %broadcast_in_dim3A_230 : vector<16xi32>
    %broadcast_in_dim3A_232 = arith.constant 4 : i32
    %broadcast_in_dim3A_233 = vector.broadcast %broadcast_in_dim3A_232 : i32 to vector<16xi32>
    %eq3A_234 = arith.cmpi eq, %select_n3A_164, %broadcast_in_dim3A_233 : vector<16xi32>
    %select_n3A_235 = arith.select %eq3A_234, %mul3A_171, %broadcast_in_dim3A_173 : vector<16xi1>, vector<16xf32>
    %select_n3A_236 = arith.select %eq3A_231, %div3A, %select_n3A_235 : vector<16xi1>, vector<16xf32>
    %swap3A_237 = arith.constant 4 : i32
    %swap3A_238 = arith.index_cast %swap3A_237 : i32 to index
    %swap3A_239 = arith.constant 0 : index
    %swap3A_240 = tpu.vector_load %arg5[%swap3A_238, %swap3A_239] {strides = array<i32>} : memref<8x64xf32, #tpu.memory_space<vmem>>, vector<1x16xf32>,
    %swap3A_241 = vector.shape_cast %swap3A_240 : vector<1x16xf32> to vector<16xf32>
    %swap3A_242 = vector.shape_cast %select_n3A_236 : vector<16xf32> to vector<1x16xf32>
    tpu.vector_store %arg5[%swap3A_238, %swap3A_239], %swap3A_242 {strides = array<i32>} : memref<8x64xf32, #tpu.memory_space<vmem>>, vector<1x16xf32>,
    %broadcast_in_dim3A_243 = arith.constant 5 : i32
    %broadcast_in_dim3A_244 = vector.broadcast %broadcast_in_dim3A_243 : i32 to vector<16xi32>
    %eq3A_245 = arith.cmpi eq, %select_n3A_89, %broadcast_in_dim3A_244 : vector<16xi32>
    %broadcast_in_dim3A_246 = arith.constant 5 : i32
    %broadcast_in_dim3A_247 = vector.broadcast %broadcast_in_dim3A_246 : i32 to vector<16xi32>
    %eq3A_248 = arith.cmpi eq, %select_n3A_164, %broadcast_in_dim3A_247 : vector<16xi32>
    %select_n3A_249 = arith.select %eq3A_248, %mul3A_171, %broadcast_in_dim3A_173 : vector<16xi1>, vector<16xf32>
    %select_n3A_250 = arith.select %eq3A_245, %div3A, %select_n3A_249 : vector<16xi1>, vector<16xf32>
    %swap3A_251 = arith.constant 5 : i32
    %swap3A_252 = arith.index_cast %swap3A_251 : i32 to index
    %swap3A_253 = arith.constant 0 : index
    %swap3A_254 = tpu.vector_load %arg5[%swap3A_252, %swap3A_253] {strides = array<i32>} : memref<8x64xf32, #tpu.memory_space<vmem>>, vector<1x16xf32>,
    %swap3A_255 = vector.shape_cast %swap3A_254 : vector<1x16xf32> to vector<16xf32>
    %swap3A_256 = vector.shape_cast %select_n3A_250 : vector<16xf32> to vector<1x16xf32>
    tpu.vector_store %arg5[%swap3A_252, %swap3A_253], %swap3A_256 {strides = array<i32>} : memref<8x64xf32, #tpu.memory_space<vmem>>, vector<1x16xf32>,
    %broadcast_in_dim3A_257 = arith.constant 6 : i32
    %broadcast_in_dim3A_258 = vector.broadcast %broadcast_in_dim3A_257 : i32 to vector<16xi32>
    %eq3A_259 = arith.cmpi eq, %select_n3A_89, %broadcast_in_dim3A_258 : vector<16xi32>
    %broadcast_in_dim3A_260 = arith.constant 6 : i32
    %broadcast_in_dim3A_261 = vector.broadcast %broadcast_in_dim3A_260 : i32 to vector<16xi32>
    %eq3A_262 = arith.cmpi eq, %select_n3A_164, %broadcast_in_dim3A_261 : vector<16xi32>
    %select_n3A_263 = arith.select %eq3A_262, %mul3A_171, %broadcast_in_dim3A_173 : vector<16xi1>, vector<16xf32>
    %select_n3A_264 = arith.select %eq3A_259, %div3A, %select_n3A_263 : vector<16xi1>, vector<16xf32>
    %swap3A_265 = arith.constant 6 : i32
    %swap3A_266 = arith.index_cast %swap3A_265 : i32 to index
    %swap3A_267 = arith.constant 0 : index
    %swap3A_268 = tpu.vector_load %arg5[%swap3A_266, %swap3A_267] {strides = array<i32>} : memref<8x64xf32, #tpu.memory_space<vmem>>, vector<1x16xf32>,
    %swap3A_269 = vector.shape_cast %swap3A_268 : vector<1x16xf32> to vector<16xf32>
    %swap3A_270 = vector.shape_cast %select_n3A_264 : vector<16xf32> to vector<1x16xf32>
    tpu.vector_store %arg5[%swap3A_266, %swap3A_267], %swap3A_270 {strides = array<i32>} : memref<8x64xf32, #tpu.memory_space<vmem>>, vector<1x16xf32>,
    %broadcast_in_dim3A_271 = arith.constant 7 : i32
    %broadcast_in_dim3A_272 = vector.broadcast %broadcast_in_dim3A_271 : i32 to vector<16xi32>
    %eq3A_273 = arith.cmpi eq, %select_n3A_89, %broadcast_in_dim3A_272 : vector<16xi32>
    %broadcast_in_dim3A_274 = arith.constant 7 : i32
    %broadcast_in_dim3A_275 = vector.broadcast %broadcast_in_dim3A_274 : i32 to vector<16xi32>
    %eq3A_276 = arith.cmpi eq, %select_n3A_164, %broadcast_in_dim3A_275 : vector<16xi32>
    %select_n3A_277 = arith.select %eq3A_276, %mul3A_171, %broadcast_in_dim3A_173 : vector<16xi1>, vector<16xf32>
    %select_n3A_278 = arith.select %eq3A_273, %div3A, %select_n3A_277 : vector<16xi1>, vector<16xf32>
    %swap3A_279 = arith.constant 7 : i32
    %swap3A_280 = arith.index_cast %swap3A_279 : i32 to index
    %swap3A_281 = arith.constant 0 : index
    %swap3A_282 = tpu.vector_load %arg5[%swap3A_280, %swap3A_281] {strides = array<i32>} : memref<8x64xf32, #tpu.memory_space<vmem>>, vector<1x16xf32>,
    %swap3A_283 = vector.shape_cast %swap3A_282 : vector<1x16xf32> to vector<16xf32>
    %swap3A_284 = vector.shape_cast %select_n3A_278 : vector<16xf32> to vector<1x16xf32>
    tpu.vector_store %arg5[%swap3A_280, %swap3A_281], %swap3A_284 {strides = array<i32>} : memref<8x64xf32, #tpu.memory_space<vmem>>, vector<1x16xf32>,
    %get3A_285 = arith.constant 0 : i32
    %get3A_286 = arith.index_cast %get3A_285 : i32 to index
    %get3A_287 = arith.constant 16 : index
    %get3A_288 = tpu.vector_load %arg4[%get3A_286, %get3A_287] {strides = array<i32>} : memref<8x64xf32, #tpu.memory_space<vmem>>, vector<1x16xf32>,
    %get3A_289 = vector.shape_cast %get3A_288 : vector<1x16xf32> to vector<16xf32>
    %get3A_290 = arith.constant 1 : i32
    %get3A_291 = arith.index_cast %get3A_290 : i32 to index
    %get3A_292 = arith.constant 16 : index
    %get3A_293 = tpu.vector_load %arg4[%get3A_291, %get3A_292] {strides = array<i32>} : memref<8x64xf32, #tpu.memory_space<vmem>>, vector<1x16xf32>,
    %get3A_294 = vector.shape_cast %get3A_293 : vector<1x16xf32> to vector<16xf32>
    %get3A_295 = arith.constant 2 : i32
    %get3A_296 = arith.index_cast %get3A_295 : i32 to index
    %get3A_297 = arith.constant 16 : index
    %get3A_298 = tpu.vector_load %arg4[%get3A_296, %get3A_297] {strides = array<i32>} : memref<8x64xf32, #tpu.memory_space<vmem>>, vector<1x16xf32>,
    %get3A_299 = vector.shape_cast %get3A_298 : vector<1x16xf32> to vector<16xf32>
    %get3A_300 = arith.constant 3 : i32
    %get3A_301 = arith.index_cast %get3A_300 : i32 to index
    %get3A_302 = arith.constant 16 : index
    %get3A_303 = tpu.vector_load %arg4[%get3A_301, %get3A_302] {strides = array<i32>} : memref<8x64xf32, #tpu.memory_space<vmem>>, vector<1x16xf32>,
    %get3A_304 = vector.shape_cast %get3A_303 : vector<1x16xf32> to vector<16xf32>
    %get3A_305 = arith.constant 4 : i32
    %get3A_306 = arith.index_cast %get3A_305 : i32 to index
    %get3A_307 = arith.constant 16 : index
    %get3A_308 = tpu.vector_load %arg4[%get3A_306, %get3A_307] {strides = array<i32>} : memref<8x64xf32, #tpu.memory_space<vmem>>, vector<1x16xf32>,
    %get3A_309 = vector.shape_cast %get3A_308 : vector<1x16xf32> to vector<16xf32>
    %get3A_310 = arith.constant 5 : i32
    %get3A_311 = arith.index_cast %get3A_310 : i32 to index
    %get3A_312 = arith.constant 16 : index
    %get3A_313 = tpu.vector_load %arg4[%get3A_311, %get3A_312] {strides = array<i32>} : memref<8x64xf32, #tpu.memory_space<vmem>>, vector<1x16xf32>,
    %get3A_314 = vector.shape_cast %get3A_313 : vector<1x16xf32> to vector<16xf32>
    %get3A_315 = arith.constant 6 : i32
    %get3A_316 = arith.index_cast %get3A_315 : i32 to index
    %get3A_317 = arith.constant 16 : index
    %get3A_318 = tpu.vector_load %arg4[%get3A_316, %get3A_317] {strides = array<i32>} : memref<8x64xf32, #tpu.memory_space<vmem>>, vector<1x16xf32>,
    %get3A_319 = vector.shape_cast %get3A_318 : vector<1x16xf32> to vector<16xf32>
    %get3A_320 = arith.constant 7 : i32
    %get3A_321 = arith.index_cast %get3A_320 : i32 to index
    %get3A_322 = arith.constant 16 : index
    %get3A_323 = tpu.vector_load %arg4[%get3A_321, %get3A_322] {strides = array<i32>} : memref<8x64xf32, #tpu.memory_space<vmem>>, vector<1x16xf32>,
    %get3A_324 = vector.shape_cast %get3A_323 : vector<1x16xf32> to vector<16xf32>
    %broadcast_in_dim3A_325 = arith.constant 0 : i32
    %broadcast_in_dim3A_326 = vector.broadcast %broadcast_in_dim3A_325 : i32 to vector<16xi32>
    %gt3A_327 = arith.cmpf ogt, %get3A_294, %get3A_289 : vector<16xf32>
    %broadcast_in_dim3A_328 = arith.constant 1 : i32
    %broadcast_in_dim3A_329 = vector.broadcast %broadcast_in_dim3A_328 : i32 to vector<16xi32>
    %select_n3A_330 = arith.select %gt3A_327, %broadcast_in_dim3A_329, %broadcast_in_dim3A_326 : vector<16xi1>, vector<16xi32>
    %select_n3A_331 = arith.select %gt3A_327, %get3A_294, %get3A_289 : vector<16xi1>, vector<16xf32>
    %gt3A_332 = arith.cmpf ogt, %get3A_299, %select_n3A_331 : vector<16xf32>
    %broadcast_in_dim3A_333 = arith.constant 2 : i32
    %broadcast_in_dim3A_334 = vector.broadcast %broadcast_in_dim3A_333 : i32 to vector<16xi32>
    %select_n3A_335 = arith.select %gt3A_332, %broadcast_in_dim3A_334, %select_n3A_330 : vector<16xi1>, vector<16xi32>
    %select_n3A_336 = arith.select %gt3A_332, %get3A_299, %select_n3A_331 : vector<16xi1>, vector<16xf32>
    %gt3A_337 = arith.cmpf ogt, %get3A_304, %select_n3A_336 : vector<16xf32>
    %broadcast_in_dim3A_338 = arith.constant 3 : i32
    %broadcast_in_dim3A_339 = vector.broadcast %broadcast_in_dim3A_338 : i32 to vector<16xi32>
    %select_n3A_340 = arith.select %gt3A_337, %broadcast_in_dim3A_339, %select_n3A_335 : vector<16xi1>, vector<16xi32>
    %select_n3A_341 = arith.select %gt3A_337, %get3A_304, %select_n3A_336 : vector<16xi1>, vector<16xf32>
    %gt3A_342 = arith.cmpf ogt, %get3A_309, %select_n3A_341 : vector<16xf32>
    %broadcast_in_dim3A_343 = arith.constant 4 : i32
    %broadcast_in_dim3A_344 = vector.broadcast %broadcast_in_dim3A_343 : i32 to vector<16xi32>
    %select_n3A_345 = arith.select %gt3A_342, %broadcast_in_dim3A_344, %select_n3A_340 : vector<16xi1>, vector<16xi32>
    %select_n3A_346 = arith.select %gt3A_342, %get3A_309, %select_n3A_341 : vector<16xi1>, vector<16xf32>
    %gt3A_347 = arith.cmpf ogt, %get3A_314, %select_n3A_346 : vector<16xf32>
    %broadcast_in_dim3A_348 = arith.constant 5 : i32
    %broadcast_in_dim3A_349 = vector.broadcast %broadcast_in_dim3A_348 : i32 to vector<16xi32>
    %select_n3A_350 = arith.select %gt3A_347, %broadcast_in_dim3A_349, %select_n3A_345 : vector<16xi1>, vector<16xi32>
    %select_n3A_351 = arith.select %gt3A_347, %get3A_314, %select_n3A_346 : vector<16xi1>, vector<16xf32>
    %gt3A_352 = arith.cmpf ogt, %get3A_319, %select_n3A_351 : vector<16xf32>
    %broadcast_in_dim3A_353 = arith.constant 6 : i32
    %broadcast_in_dim3A_354 = vector.broadcast %broadcast_in_dim3A_353 : i32 to vector<16xi32>
    %select_n3A_355 = arith.select %gt3A_352, %broadcast_in_dim3A_354, %select_n3A_350 : vector<16xi1>, vector<16xi32>
    %select_n3A_356 = arith.select %gt3A_352, %get3A_319, %select_n3A_351 : vector<16xi1>, vector<16xf32>
    %gt3A_357 = arith.cmpf ogt, %get3A_324, %select_n3A_356 : vector<16xf32>
    %broadcast_in_dim3A_358 = arith.constant 7 : i32
    %broadcast_in_dim3A_359 = vector.broadcast %broadcast_in_dim3A_358 : i32 to vector<16xi32>
    %select_n3A_360 = arith.select %gt3A_357, %broadcast_in_dim3A_359, %select_n3A_355 : vector<16xi1>, vector<16xi32>
    %select_n3A_361 = arith.select %gt3A_357, %get3A_324, %select_n3A_356 : vector<16xi1>, vector<16xf32>
    %broadcast_in_dim3A_362 = arith.constant -1.000000e+30 : f32
    %broadcast_in_dim3A_363 = vector.broadcast %broadcast_in_dim3A_362 : f32 to vector<16xf32>
    %broadcast_in_dim3A_364 = arith.constant 8 : i32
    %broadcast_in_dim3A_365 = vector.broadcast %broadcast_in_dim3A_364 : i32 to vector<16xi32>
    %broadcast_in_dim3A_366 = arith.constant 0 : i32
    %broadcast_in_dim3A_367 = vector.broadcast %broadcast_in_dim3A_366 : i32 to vector<16xi32>
    %eq3A_368 = arith.cmpi eq, %select_n3A_360, %broadcast_in_dim3A_367 : vector<16xi32>
    %select_n3A_369 = arith.select %eq3A_368, %broadcast_in_dim3A_363, %get3A_289 : vector<16xi1>, vector<16xf32>
    %gt3A_370 = arith.cmpf ogt, %select_n3A_369, %broadcast_in_dim3A_363 : vector<16xf32>
    %broadcast_in_dim3A_371 = arith.constant 0 : i32
    %broadcast_in_dim3A_372 = vector.broadcast %broadcast_in_dim3A_371 : i32 to vector<16xi32>
    %select_n3A_373 = arith.select %gt3A_370, %broadcast_in_dim3A_372, %broadcast_in_dim3A_365 : vector<16xi1>, vector<16xi32>
    %select_n3A_374 = arith.select %gt3A_370, %select_n3A_369, %broadcast_in_dim3A_363 : vector<16xi1>, vector<16xf32>
    %broadcast_in_dim3A_375 = arith.constant 1 : i32
    %broadcast_in_dim3A_376 = vector.broadcast %broadcast_in_dim3A_375 : i32 to vector<16xi32>
    %eq3A_377 = arith.cmpi eq, %select_n3A_360, %broadcast_in_dim3A_376 : vector<16xi32>
    %select_n3A_378 = arith.select %eq3A_377, %broadcast_in_dim3A_363, %get3A_294 : vector<16xi1>, vector<16xf32>
    %gt3A_379 = arith.cmpf ogt, %select_n3A_378, %select_n3A_374 : vector<16xf32>
    %broadcast_in_dim3A_380 = arith.constant 1 : i32
    %broadcast_in_dim3A_381 = vector.broadcast %broadcast_in_dim3A_380 : i32 to vector<16xi32>
    %select_n3A_382 = arith.select %gt3A_379, %broadcast_in_dim3A_381, %select_n3A_373 : vector<16xi1>, vector<16xi32>
    %select_n3A_383 = arith.select %gt3A_379, %select_n3A_378, %select_n3A_374 : vector<16xi1>, vector<16xf32>
    %broadcast_in_dim3A_384 = arith.constant 2 : i32
    %broadcast_in_dim3A_385 = vector.broadcast %broadcast_in_dim3A_384 : i32 to vector<16xi32>
    %eq3A_386 = arith.cmpi eq, %select_n3A_360, %broadcast_in_dim3A_385 : vector<16xi32>
    %select_n3A_387 = arith.select %eq3A_386, %broadcast_in_dim3A_363, %get3A_299 : vector<16xi1>, vector<16xf32>
    %gt3A_388 = arith.cmpf ogt, %select_n3A_387, %select_n3A_383 : vector<16xf32>
    %broadcast_in_dim3A_389 = arith.constant 2 : i32
    %broadcast_in_dim3A_390 = vector.broadcast %broadcast_in_dim3A_389 : i32 to vector<16xi32>
    %select_n3A_391 = arith.select %gt3A_388, %broadcast_in_dim3A_390, %select_n3A_382 : vector<16xi1>, vector<16xi32>
    %select_n3A_392 = arith.select %gt3A_388, %select_n3A_387, %select_n3A_383 : vector<16xi1>, vector<16xf32>
    %broadcast_in_dim3A_393 = arith.constant 3 : i32
    %broadcast_in_dim3A_394 = vector.broadcast %broadcast_in_dim3A_393 : i32 to vector<16xi32>
    %eq3A_395 = arith.cmpi eq, %select_n3A_360, %broadcast_in_dim3A_394 : vector<16xi32>
    %select_n3A_396 = arith.select %eq3A_395, %broadcast_in_dim3A_363, %get3A_304 : vector<16xi1>, vector<16xf32>
    %gt3A_397 = arith.cmpf ogt, %select_n3A_396, %select_n3A_392 : vector<16xf32>
    %broadcast_in_dim3A_398 = arith.constant 3 : i32
    %broadcast_in_dim3A_399 = vector.broadcast %broadcast_in_dim3A_398 : i32 to vector<16xi32>
    %select_n3A_400 = arith.select %gt3A_397, %broadcast_in_dim3A_399, %select_n3A_391 : vector<16xi1>, vector<16xi32>
    %select_n3A_401 = arith.select %gt3A_397, %select_n3A_396, %select_n3A_392 : vector<16xi1>, vector<16xf32>
    %broadcast_in_dim3A_402 = arith.constant 4 : i32
    %broadcast_in_dim3A_403 = vector.broadcast %broadcast_in_dim3A_402 : i32 to vector<16xi32>
    %eq3A_404 = arith.cmpi eq, %select_n3A_360, %broadcast_in_dim3A_403 : vector<16xi32>
    %select_n3A_405 = arith.select %eq3A_404, %broadcast_in_dim3A_363, %get3A_309 : vector<16xi1>, vector<16xf32>
    %gt3A_406 = arith.cmpf ogt, %select_n3A_405, %select_n3A_401 : vector<16xf32>
    %broadcast_in_dim3A_407 = arith.constant 4 : i32
    %broadcast_in_dim3A_408 = vector.broadcast %broadcast_in_dim3A_407 : i32 to vector<16xi32>
    %select_n3A_409 = arith.select %gt3A_406, %broadcast_in_dim3A_408, %select_n3A_400 : vector<16xi1>, vector<16xi32>
    %select_n3A_410 = arith.select %gt3A_406, %select_n3A_405, %select_n3A_401 : vector<16xi1>, vector<16xf32>
    %broadcast_in_dim3A_411 = arith.constant 5 : i32
    %broadcast_in_dim3A_412 = vector.broadcast %broadcast_in_dim3A_411 : i32 to vector<16xi32>
    %eq3A_413 = arith.cmpi eq, %select_n3A_360, %broadcast_in_dim3A_412 : vector<16xi32>
    %select_n3A_414 = arith.select %eq3A_413, %broadcast_in_dim3A_363, %get3A_314 : vector<16xi1>, vector<16xf32>
    %gt3A_415 = arith.cmpf ogt, %select_n3A_414, %select_n3A_410 : vector<16xf32>
    %broadcast_in_dim3A_416 = arith.constant 5 : i32
    %broadcast_in_dim3A_417 = vector.broadcast %broadcast_in_dim3A_416 : i32 to vector<16xi32>
    %select_n3A_418 = arith.select %gt3A_415, %broadcast_in_dim3A_417, %select_n3A_409 : vector<16xi1>, vector<16xi32>
    %select_n3A_419 = arith.select %gt3A_415, %select_n3A_414, %select_n3A_410 : vector<16xi1>, vector<16xf32>
    %broadcast_in_dim3A_420 = arith.constant 6 : i32
    %broadcast_in_dim3A_421 = vector.broadcast %broadcast_in_dim3A_420 : i32 to vector<16xi32>
    %eq3A_422 = arith.cmpi eq, %select_n3A_360, %broadcast_in_dim3A_421 : vector<16xi32>
    %select_n3A_423 = arith.select %eq3A_422, %broadcast_in_dim3A_363, %get3A_319 : vector<16xi1>, vector<16xf32>
    %gt3A_424 = arith.cmpf ogt, %select_n3A_423, %select_n3A_419 : vector<16xf32>
    %broadcast_in_dim3A_425 = arith.constant 6 : i32
    %broadcast_in_dim3A_426 = vector.broadcast %broadcast_in_dim3A_425 : i32 to vector<16xi32>
    %select_n3A_427 = arith.select %gt3A_424, %broadcast_in_dim3A_426, %select_n3A_418 : vector<16xi1>, vector<16xi32>
    %select_n3A_428 = arith.select %gt3A_424, %select_n3A_423, %select_n3A_419 : vector<16xi1>, vector<16xf32>
    %broadcast_in_dim3A_429 = arith.constant 7 : i32
    %broadcast_in_dim3A_430 = vector.broadcast %broadcast_in_dim3A_429 : i32 to vector<16xi32>
    %eq3A_431 = arith.cmpi eq, %select_n3A_360, %broadcast_in_dim3A_430 : vector<16xi32>
    %select_n3A_432 = arith.select %eq3A_431, %broadcast_in_dim3A_363, %get3A_324 : vector<16xi1>, vector<16xf32>
    %gt3A_433 = arith.cmpf ogt, %select_n3A_432, %select_n3A_428 : vector<16xf32>
    %broadcast_in_dim3A_434 = arith.constant 7 : i32
    %broadcast_in_dim3A_435 = vector.broadcast %broadcast_in_dim3A_434 : i32 to vector<16xi32>
    %select_n3A_436 = arith.select %gt3A_433, %broadcast_in_dim3A_435, %select_n3A_427 : vector<16xi1>, vector<16xi32>
    %select_n3A_437 = arith.select %gt3A_433, %select_n3A_432, %select_n3A_428 : vector<16xi1>, vector<16xf32>
    %sub3A_438 = arith.subf %select_n3A_437, %select_n3A_361 : vector<16xf32>
    %exp3A_439 = math.exp %sub3A_438 : vector<16xf32>
    %broadcast_in_dim3A_440 = arith.constant 1.000000e+00 : f32
    %broadcast_in_dim3A_441 = vector.broadcast %broadcast_in_dim3A_440 : f32 to vector<16xf32>
    %broadcast_in_dim3A_442 = arith.constant 1.000000e+00 : f32
    %broadcast_in_dim3A_443 = vector.broadcast %broadcast_in_dim3A_442 : f32 to vector<16xf32>
    %add3A_444 = arith.addf %broadcast_in_dim3A_443, %exp3A_439 : vector<16xf32>
    %div3A_445 = arith.divf %broadcast_in_dim3A_441, %add3A_444 : vector<16xf32>
    %mul3A_446 = arith.mulf %exp3A_439, %div3A_445 : vector<16xf32>
    %broadcast_in_dim3A_447 = arith.constant 0.000000e+00 : f32
    %broadcast_in_dim3A_448 = vector.broadcast %broadcast_in_dim3A_447 : f32 to vector<16xf32>
    %broadcast_in_dim3A_449 = arith.constant 0 : i32
    %broadcast_in_dim3A_450 = vector.broadcast %broadcast_in_dim3A_449 : i32 to vector<16xi32>
    %eq3A_451 = arith.cmpi eq, %select_n3A_360, %broadcast_in_dim3A_450 : vector<16xi32>
    %broadcast_in_dim3A_452 = arith.constant 0 : i32
    %broadcast_in_dim3A_453 = vector.broadcast %broadcast_in_dim3A_452 : i32 to vector<16xi32>
    %eq3A_454 = arith.cmpi eq, %select_n3A_436, %broadcast_in_dim3A_453 : vector<16xi32>
    %select_n3A_455 = arith.select %eq3A_454, %mul3A_446, %broadcast_in_dim3A_448 : vector<16xi1>, vector<16xf32>
    %select_n3A_456 = arith.select %eq3A_451, %div3A_445, %select_n3A_455 : vector<16xi1>, vector<16xf32>
    %swap3A_457 = arith.constant 0 : i32
    %swap3A_458 = arith.index_cast %swap3A_457 : i32 to index
    %swap3A_459 = arith.constant 16 : index
    %swap3A_460 = tpu.vector_load %arg5[%swap3A_458, %swap3A_459] {strides = array<i32>} : memref<8x64xf32, #tpu.memory_space<vmem>>, vector<1x16xf32>,
    %swap3A_461 = vector.shape_cast %swap3A_460 : vector<1x16xf32> to vector<16xf32>
    %swap3A_462 = vector.shape_cast %select_n3A_456 : vector<16xf32> to vector<1x16xf32>
    tpu.vector_store %arg5[%swap3A_458, %swap3A_459], %swap3A_462 {strides = array<i32>} : memref<8x64xf32, #tpu.memory_space<vmem>>, vector<1x16xf32>,
    %broadcast_in_dim3A_463 = arith.constant 1 : i32
    %broadcast_in_dim3A_464 = vector.broadcast %broadcast_in_dim3A_463 : i32 to vector<16xi32>
    %eq3A_465 = arith.cmpi eq, %select_n3A_360, %broadcast_in_dim3A_464 : vector<16xi32>
    %broadcast_in_dim3A_466 = arith.constant 1 : i32
    %broadcast_in_dim3A_467 = vector.broadcast %broadcast_in_dim3A_466 : i32 to vector<16xi32>
    %eq3A_468 = arith.cmpi eq, %select_n3A_436, %broadcast_in_dim3A_467 : vector<16xi32>
    %select_n3A_469 = arith.select %eq3A_468, %mul3A_446, %broadcast_in_dim3A_448 : vector<16xi1>, vector<16xf32>
    %select_n3A_470 = arith.select %eq3A_465, %div3A_445, %select_n3A_469 : vector<16xi1>, vector<16xf32>
    %swap3A_471 = arith.constant 1 : i32
    %swap3A_472 = arith.index_cast %swap3A_471 : i32 to index
    %swap3A_473 = arith.constant 16 : index
    %swap3A_474 = tpu.vector_load %arg5[%swap3A_472, %swap3A_473] {strides = array<i32>} : memref<8x64xf32, #tpu.memory_space<vmem>>, vector<1x16xf32>,
    %swap3A_475 = vector.shape_cast %swap3A_474 : vector<1x16xf32> to vector<16xf32>
    %swap3A_476 = vector.shape_cast %select_n3A_470 : vector<16xf32> to vector<1x16xf32>
    tpu.vector_store %arg5[%swap3A_472, %swap3A_473], %swap3A_476 {strides = array<i32>} : memref<8x64xf32, #tpu.memory_space<vmem>>, vector<1x16xf32>,
    %broadcast_in_dim3A_477 = arith.constant 2 : i32
    %broadcast_in_dim3A_478 = vector.broadcast %broadcast_in_dim3A_477 : i32 to vector<16xi32>
    %eq3A_479 = arith.cmpi eq, %select_n3A_360, %broadcast_in_dim3A_478 : vector<16xi32>
    %broadcast_in_dim3A_480 = arith.constant 2 : i32
    %broadcast_in_dim3A_481 = vector.broadcast %broadcast_in_dim3A_480 : i32 to vector<16xi32>
    %eq3A_482 = arith.cmpi eq, %select_n3A_436, %broadcast_in_dim3A_481 : vector<16xi32>
    %select_n3A_483 = arith.select %eq3A_482, %mul3A_446, %broadcast_in_dim3A_448 : vector<16xi1>, vector<16xf32>
    %select_n3A_484 = arith.select %eq3A_479, %div3A_445, %select_n3A_483 : vector<16xi1>, vector<16xf32>
    %swap3A_485 = arith.constant 2 : i32
    %swap3A_486 = arith.index_cast %swap3A_485 : i32 to index
    %swap3A_487 = arith.constant 16 : index
    %swap3A_488 = tpu.vector_load %arg5[%swap3A_486, %swap3A_487] {strides = array<i32>} : memref<8x64xf32, #tpu.memory_space<vmem>>, vector<1x16xf32>,
    %swap3A_489 = vector.shape_cast %swap3A_488 : vector<1x16xf32> to vector<16xf32>
    %swap3A_490 = vector.shape_cast %select_n3A_484 : vector<16xf32> to vector<1x16xf32>
    tpu.vector_store %arg5[%swap3A_486, %swap3A_487], %swap3A_490 {strides = array<i32>} : memref<8x64xf32, #tpu.memory_space<vmem>>, vector<1x16xf32>,
    %broadcast_in_dim3A_491 = arith.constant 3 : i32
    %broadcast_in_dim3A_492 = vector.broadcast %broadcast_in_dim3A_491 : i32 to vector<16xi32>
    %eq3A_493 = arith.cmpi eq, %select_n3A_360, %broadcast_in_dim3A_492 : vector<16xi32>
    %broadcast_in_dim3A_494 = arith.constant 3 : i32
    %broadcast_in_dim3A_495 = vector.broadcast %broadcast_in_dim3A_494 : i32 to vector<16xi32>
    %eq3A_496 = arith.cmpi eq, %select_n3A_436, %broadcast_in_dim3A_495 : vector<16xi32>
    %select_n3A_497 = arith.select %eq3A_496, %mul3A_446, %broadcast_in_dim3A_448 : vector<16xi1>, vector<16xf32>
    %select_n3A_498 = arith.select %eq3A_493, %div3A_445, %select_n3A_497 : vector<16xi1>, vector<16xf32>
    %swap3A_499 = arith.constant 3 : i32
    %swap3A_500 = arith.index_cast %swap3A_499 : i32 to index
    %swap3A_501 = arith.constant 16 : index
    %swap3A_502 = tpu.vector_load %arg5[%swap3A_500, %swap3A_501] {strides = array<i32>} : memref<8x64xf32, #tpu.memory_space<vmem>>, vector<1x16xf32>,
    %swap3A_503 = vector.shape_cast %swap3A_502 : vector<1x16xf32> to vector<16xf32>
    %swap3A_504 = vector.shape_cast %select_n3A_498 : vector<16xf32> to vector<1x16xf32>
    tpu.vector_store %arg5[%swap3A_500, %swap3A_501], %swap3A_504 {strides = array<i32>} : memref<8x64xf32, #tpu.memory_space<vmem>>, vector<1x16xf32>,
    %broadcast_in_dim3A_505 = arith.constant 4 : i32
    %broadcast_in_dim3A_506 = vector.broadcast %broadcast_in_dim3A_505 : i32 to vector<16xi32>
    %eq3A_507 = arith.cmpi eq, %select_n3A_360, %broadcast_in_dim3A_506 : vector<16xi32>
    %broadcast_in_dim3A_508 = arith.constant 4 : i32
    %broadcast_in_dim3A_509 = vector.broadcast %broadcast_in_dim3A_508 : i32 to vector<16xi32>
    %eq3A_510 = arith.cmpi eq, %select_n3A_436, %broadcast_in_dim3A_509 : vector<16xi32>
    %select_n3A_511 = arith.select %eq3A_510, %mul3A_446, %broadcast_in_dim3A_448 : vector<16xi1>, vector<16xf32>
    %select_n3A_512 = arith.select %eq3A_507, %div3A_445, %select_n3A_511 : vector<16xi1>, vector<16xf32>
    %swap3A_513 = arith.constant 4 : i32
    %swap3A_514 = arith.index_cast %swap3A_513 : i32 to index
    %swap3A_515 = arith.constant 16 : index
    %swap3A_516 = tpu.vector_load %arg5[%swap3A_514, %swap3A_515] {strides = array<i32>} : memref<8x64xf32, #tpu.memory_space<vmem>>, vector<1x16xf32>,
    %swap3A_517 = vector.shape_cast %swap3A_516 : vector<1x16xf32> to vector<16xf32>
    %swap3A_518 = vector.shape_cast %select_n3A_512 : vector<16xf32> to vector<1x16xf32>
    tpu.vector_store %arg5[%swap3A_514, %swap3A_515], %swap3A_518 {strides = array<i32>} : memref<8x64xf32, #tpu.memory_space<vmem>>, vector<1x16xf32>,
    %broadcast_in_dim3A_519 = arith.constant 5 : i32
    %broadcast_in_dim3A_520 = vector.broadcast %broadcast_in_dim3A_519 : i32 to vector<16xi32>
    %eq3A_521 = arith.cmpi eq, %select_n3A_360, %broadcast_in_dim3A_520 : vector<16xi32>
    %broadcast_in_dim3A_522 = arith.constant 5 : i32
    %broadcast_in_dim3A_523 = vector.broadcast %broadcast_in_dim3A_522 : i32 to vector<16xi32>
    %eq3A_524 = arith.cmpi eq, %select_n3A_436, %broadcast_in_dim3A_523 : vector<16xi32>
    %select_n3A_525 = arith.select %eq3A_524, %mul3A_446, %broadcast_in_dim3A_448 : vector<16xi1>, vector<16xf32>
    %select_n3A_526 = arith.select %eq3A_521, %div3A_445, %select_n3A_525 : vector<16xi1>, vector<16xf32>
    %swap3A_527 = arith.constant 5 : i32
    %swap3A_528 = arith.index_cast %swap3A_527 : i32 to index
    %swap3A_529 = arith.constant 16 : index
    %swap3A_530 = tpu.vector_load %arg5[%swap3A_528, %swap3A_529] {strides = array<i32>} : memref<8x64xf32, #tpu.memory_space<vmem>>, vector<1x16xf32>,
    %swap3A_531 = vector.shape_cast %swap3A_530 : vector<1x16xf32> to vector<16xf32>
    %swap3A_532 = vector.shape_cast %select_n3A_526 : vector<16xf32> to vector<1x16xf32>
    tpu.vector_store %arg5[%swap3A_528, %swap3A_529], %swap3A_532 {strides = array<i32>} : memref<8x64xf32, #tpu.memory_space<vmem>>, vector<1x16xf32>,
    %broadcast_in_dim3A_533 = arith.constant 6 : i32
    %broadcast_in_dim3A_534 = vector.broadcast %broadcast_in_dim3A_533 : i32 to vector<16xi32>
    %eq3A_535 = arith.cmpi eq, %select_n3A_360, %broadcast_in_dim3A_534 : vector<16xi32>
    %broadcast_in_dim3A_536 = arith.constant 6 : i32
    %broadcast_in_dim3A_537 = vector.broadcast %broadcast_in_dim3A_536 : i32 to vector<16xi32>
    %eq3A_538 = arith.cmpi eq, %select_n3A_436, %broadcast_in_dim3A_537 : vector<16xi32>
    %select_n3A_539 = arith.select %eq3A_538, %mul3A_446, %broadcast_in_dim3A_448 : vector<16xi1>, vector<16xf32>
    %select_n3A_540 = arith.select %eq3A_535, %div3A_445, %select_n3A_539 : vector<16xi1>, vector<16xf32>
    %swap3A_541 = arith.constant 6 : i32
    %swap3A_542 = arith.index_cast %swap3A_541 : i32 to index
    %swap3A_543 = arith.constant 16 : index
    %swap3A_544 = tpu.vector_load %arg5[%swap3A_542, %swap3A_543] {strides = array<i32>} : memref<8x64xf32, #tpu.memory_space<vmem>>, vector<1x16xf32>,
    %swap3A_545 = vector.shape_cast %swap3A_544 : vector<1x16xf32> to vector<16xf32>
    %swap3A_546 = vector.shape_cast %select_n3A_540 : vector<16xf32> to vector<1x16xf32>
    tpu.vector_store %arg5[%swap3A_542, %swap3A_543], %swap3A_546 {strides = array<i32>} : memref<8x64xf32, #tpu.memory_space<vmem>>, vector<1x16xf32>,
    %broadcast_in_dim3A_547 = arith.constant 7 : i32
    %broadcast_in_dim3A_548 = vector.broadcast %broadcast_in_dim3A_547 : i32 to vector<16xi32>
    %eq3A_549 = arith.cmpi eq, %select_n3A_360, %broadcast_in_dim3A_548 : vector<16xi32>
    %broadcast_in_dim3A_550 = arith.constant 7 : i32
    %broadcast_in_dim3A_551 = vector.broadcast %broadcast_in_dim3A_550 : i32 to vector<16xi32>
    %eq3A_552 = arith.cmpi eq, %select_n3A_436, %broadcast_in_dim3A_551 : vector<16xi32>
    %select_n3A_553 = arith.select %eq3A_552, %mul3A_446, %broadcast_in_dim3A_448 : vector<16xi1>, vector<16xf32>
    %select_n3A_554 = arith.select %eq3A_549, %div3A_445, %select_n3A_553 : vector<16xi1>, vector<16xf32>
    %swap3A_555 = arith.constant 7 : i32
    %swap3A_556 = arith.index_cast %swap3A_555 : i32 to index
    %swap3A_557 = arith.constant 16 : index
    %swap3A_558 = tpu.vector_load %arg5[%swap3A_556, %swap3A_557] {strides = array<i32>} : memref<8x64xf32, #tpu.memory_space<vmem>>, vector<1x16xf32>,
    %swap3A_559 = vector.shape_cast %swap3A_558 : vector<1x16xf32> to vector<16xf32>
    %swap3A_560 = vector.shape_cast %select_n3A_554 : vector<16xf32> to vector<1x16xf32>
    tpu.vector_store %arg5[%swap3A_556, %swap3A_557], %swap3A_560 {strides = array<i32>} : memref<8x64xf32, #tpu.memory_space<vmem>>, vector<1x16xf32>,
    %get3A_561 = arith.constant 0 : i32
    %get3A_562 = arith.index_cast %get3A_561 : i32 to index
    %get3A_563 = arith.constant 32 : index
    %get3A_564 = tpu.vector_load %arg4[%get3A_562, %get3A_563] {strides = array<i32>} : memref<8x64xf32, #tpu.memory_space<vmem>>, vector<1x16xf32>,
    %get3A_565 = vector.shape_cast %get3A_564 : vector<1x16xf32> to vector<16xf32>
    %get3A_566 = arith.constant 1 : i32
    %get3A_567 = arith.index_cast %get3A_566 : i32 to index
    %get3A_568 = arith.constant 32 : index
    %get3A_569 = tpu.vector_load %arg4[%get3A_567, %get3A_568] {strides = array<i32>} : memref<8x64xf32, #tpu.memory_space<vmem>>, vector<1x16xf32>,
    %get3A_570 = vector.shape_cast %get3A_569 : vector<1x16xf32> to vector<16xf32>
    %get3A_571 = arith.constant 2 : i32
    %get3A_572 = arith.index_cast %get3A_571 : i32 to index
    %get3A_573 = arith.constant 32 : index
    %get3A_574 = tpu.vector_load %arg4[%get3A_572, %get3A_573] {strides = array<i32>} : memref<8x64xf32, #tpu.memory_space<vmem>>, vector<1x16xf32>,
    %get3A_575 = vector.shape_cast %get3A_574 : vector<1x16xf32> to vector<16xf32>
    %get3A_576 = arith.constant 3 : i32
    %get3A_577 = arith.index_cast %get3A_576 : i32 to index
    %get3A_578 = arith.constant 32 : index
    %get3A_579 = tpu.vector_load %arg4[%get3A_577, %get3A_578] {strides = array<i32>} : memref<8x64xf32, #tpu.memory_space<vmem>>, vector<1x16xf32>,
    %get3A_580 = vector.shape_cast %get3A_579 : vector<1x16xf32> to vector<16xf32>
    %get3A_581 = arith.constant 4 : i32
    %get3A_582 = arith.index_cast %get3A_581 : i32 to index
    %get3A_583 = arith.constant 32 : index
    %get3A_584 = tpu.vector_load %arg4[%get3A_582, %get3A_583] {strides = array<i32>} : memref<8x64xf32, #tpu.memory_space<vmem>>, vector<1x16xf32>,
    %get3A_585 = vector.shape_cast %get3A_584 : vector<1x16xf32> to vector<16xf32>
    %get3A_586 = arith.constant 5 : i32
    %get3A_587 = arith.index_cast %get3A_586 : i32 to index
    %get3A_588 = arith.constant 32 : index
    %get3A_589 = tpu.vector_load %arg4[%get3A_587, %get3A_588] {strides = array<i32>} : memref<8x64xf32, #tpu.memory_space<vmem>>, vector<1x16xf32>,
    %get3A_590 = vector.shape_cast %get3A_589 : vector<1x16xf32> to vector<16xf32>
    %get3A_591 = arith.constant 6 : i32
    %get3A_592 = arith.index_cast %get3A_591 : i32 to index
    %get3A_593 = arith.constant 32 : index
    %get3A_594 = tpu.vector_load %arg4[%get3A_592, %get3A_593] {strides = array<i32>} : memref<8x64xf32, #tpu.memory_space<vmem>>, vector<1x16xf32>,
    %get3A_595 = vector.shape_cast %get3A_594 : vector<1x16xf32> to vector<16xf32>
    %get3A_596 = arith.constant 7 : i32
    %get3A_597 = arith.index_cast %get3A_596 : i32 to index
    %get3A_598 = arith.constant 32 : index
    %get3A_599 = tpu.vector_load %arg4[%get3A_597, %get3A_598] {strides = array<i32>} : memref<8x64xf32, #tpu.memory_space<vmem>>, vector<1x16xf32>,
    %get3A_600 = vector.shape_cast %get3A_599 : vector<1x16xf32> to vector<16xf32>
    %broadcast_in_dim3A_601 = arith.constant 0 : i32
    %broadcast_in_dim3A_602 = vector.broadcast %broadcast_in_dim3A_601 : i32 to vector<16xi32>
    %gt3A_603 = arith.cmpf ogt, %get3A_570, %get3A_565 : vector<16xf32>
    %broadcast_in_dim3A_604 = arith.constant 1 : i32
    %broadcast_in_dim3A_605 = vector.broadcast %broadcast_in_dim3A_604 : i32 to vector<16xi32>
    %select_n3A_606 = arith.select %gt3A_603, %broadcast_in_dim3A_605, %broadcast_in_dim3A_602 : vector<16xi1>, vector<16xi32>
    %select_n3A_607 = arith.select %gt3A_603, %get3A_570, %get3A_565 : vector<16xi1>, vector<16xf32>
    %gt3A_608 = arith.cmpf ogt, %get3A_575, %select_n3A_607 : vector<16xf32>
    %broadcast_in_dim3A_609 = arith.constant 2 : i32
    %broadcast_in_dim3A_610 = vector.broadcast %broadcast_in_dim3A_609 : i32 to vector<16xi32>
    %select_n3A_611 = arith.select %gt3A_608, %broadcast_in_dim3A_610, %select_n3A_606 : vector<16xi1>, vector<16xi32>
    %select_n3A_612 = arith.select %gt3A_608, %get3A_575, %select_n3A_607 : vector<16xi1>, vector<16xf32>
    %gt3A_613 = arith.cmpf ogt, %get3A_580, %select_n3A_612 : vector<16xf32>
    %broadcast_in_dim3A_614 = arith.constant 3 : i32
    %broadcast_in_dim3A_615 = vector.broadcast %broadcast_in_dim3A_614 : i32 to vector<16xi32>
    %select_n3A_616 = arith.select %gt3A_613, %broadcast_in_dim3A_615, %select_n3A_611 : vector<16xi1>, vector<16xi32>
    %select_n3A_617 = arith.select %gt3A_613, %get3A_580, %select_n3A_612 : vector<16xi1>, vector<16xf32>
    %gt3A_618 = arith.cmpf ogt, %get3A_585, %select_n3A_617 : vector<16xf32>
    %broadcast_in_dim3A_619 = arith.constant 4 : i32
    %broadcast_in_dim3A_620 = vector.broadcast %broadcast_in_dim3A_619 : i32 to vector<16xi32>
    %select_n3A_621 = arith.select %gt3A_618, %broadcast_in_dim3A_620, %select_n3A_616 : vector<16xi1>, vector<16xi32>
    %select_n3A_622 = arith.select %gt3A_618, %get3A_585, %select_n3A_617 : vector<16xi1>, vector<16xf32>
    %gt3A_623 = arith.cmpf ogt, %get3A_590, %select_n3A_622 : vector<16xf32>
    %broadcast_in_dim3A_624 = arith.constant 5 : i32
    %broadcast_in_dim3A_625 = vector.broadcast %broadcast_in_dim3A_624 : i32 to vector<16xi32>
    %select_n3A_626 = arith.select %gt3A_623, %broadcast_in_dim3A_625, %select_n3A_621 : vector<16xi1>, vector<16xi32>
    %select_n3A_627 = arith.select %gt3A_623, %get3A_590, %select_n3A_622 : vector<16xi1>, vector<16xf32>
    %gt3A_628 = arith.cmpf ogt, %get3A_595, %select_n3A_627 : vector<16xf32>
    %broadcast_in_dim3A_629 = arith.constant 6 : i32
    %broadcast_in_dim3A_630 = vector.broadcast %broadcast_in_dim3A_629 : i32 to vector<16xi32>
    %select_n3A_631 = arith.select %gt3A_628, %broadcast_in_dim3A_630, %select_n3A_626 : vector<16xi1>, vector<16xi32>
    %select_n3A_632 = arith.select %gt3A_628, %get3A_595, %select_n3A_627 : vector<16xi1>, vector<16xf32>
    %gt3A_633 = arith.cmpf ogt, %get3A_600, %select_n3A_632 : vector<16xf32>
    %broadcast_in_dim3A_634 = arith.constant 7 : i32
    %broadcast_in_dim3A_635 = vector.broadcast %broadcast_in_dim3A_634 : i32 to vector<16xi32>
    %select_n3A_636 = arith.select %gt3A_633, %broadcast_in_dim3A_635, %select_n3A_631 : vector<16xi1>, vector<16xi32>
    %select_n3A_637 = arith.select %gt3A_633, %get3A_600, %select_n3A_632 : vector<16xi1>, vector<16xf32>
    %broadcast_in_dim3A_638 = arith.constant -1.000000e+30 : f32
    %broadcast_in_dim3A_639 = vector.broadcast %broadcast_in_dim3A_638 : f32 to vector<16xf32>
    %broadcast_in_dim3A_640 = arith.constant 8 : i32
    %broadcast_in_dim3A_641 = vector.broadcast %broadcast_in_dim3A_640 : i32 to vector<16xi32>
    %broadcast_in_dim3A_642 = arith.constant 0 : i32
    %broadcast_in_dim3A_643 = vector.broadcast %broadcast_in_dim3A_642 : i32 to vector<16xi32>
    %eq3A_644 = arith.cmpi eq, %select_n3A_636, %broadcast_in_dim3A_643 : vector<16xi32>
    %select_n3A_645 = arith.select %eq3A_644, %broadcast_in_dim3A_639, %get3A_565 : vector<16xi1>, vector<16xf32>
    %gt3A_646 = arith.cmpf ogt, %select_n3A_645, %broadcast_in_dim3A_639 : vector<16xf32>
    %broadcast_in_dim3A_647 = arith.constant 0 : i32
    %broadcast_in_dim3A_648 = vector.broadcast %broadcast_in_dim3A_647 : i32 to vector<16xi32>
    %select_n3A_649 = arith.select %gt3A_646, %broadcast_in_dim3A_648, %broadcast_in_dim3A_641 : vector<16xi1>, vector<16xi32>
    %select_n3A_650 = arith.select %gt3A_646, %select_n3A_645, %broadcast_in_dim3A_639 : vector<16xi1>, vector<16xf32>
    %broadcast_in_dim3A_651 = arith.constant 1 : i32
    %broadcast_in_dim3A_652 = vector.broadcast %broadcast_in_dim3A_651 : i32 to vector<16xi32>
    %eq3A_653 = arith.cmpi eq, %select_n3A_636, %broadcast_in_dim3A_652 : vector<16xi32>
    %select_n3A_654 = arith.select %eq3A_653, %broadcast_in_dim3A_639, %get3A_570 : vector<16xi1>, vector<16xf32>
    %gt3A_655 = arith.cmpf ogt, %select_n3A_654, %select_n3A_650 : vector<16xf32>
    %broadcast_in_dim3A_656 = arith.constant 1 : i32
    %broadcast_in_dim3A_657 = vector.broadcast %broadcast_in_dim3A_656 : i32 to vector<16xi32>
    %select_n3A_658 = arith.select %gt3A_655, %broadcast_in_dim3A_657, %select_n3A_649 : vector<16xi1>, vector<16xi32>
    %select_n3A_659 = arith.select %gt3A_655, %select_n3A_654, %select_n3A_650 : vector<16xi1>, vector<16xf32>
    %broadcast_in_dim3A_660 = arith.constant 2 : i32
    %broadcast_in_dim3A_661 = vector.broadcast %broadcast_in_dim3A_660 : i32 to vector<16xi32>
    %eq3A_662 = arith.cmpi eq, %select_n3A_636, %broadcast_in_dim3A_661 : vector<16xi32>
    %select_n3A_663 = arith.select %eq3A_662, %broadcast_in_dim3A_639, %get3A_575 : vector<16xi1>, vector<16xf32>
    %gt3A_664 = arith.cmpf ogt, %select_n3A_663, %select_n3A_659 : vector<16xf32>
    %broadcast_in_dim3A_665 = arith.constant 2 : i32
    %broadcast_in_dim3A_666 = vector.broadcast %broadcast_in_dim3A_665 : i32 to vector<16xi32>
    %select_n3A_667 = arith.select %gt3A_664, %broadcast_in_dim3A_666, %select_n3A_658 : vector<16xi1>, vector<16xi32>
    %select_n3A_668 = arith.select %gt3A_664, %select_n3A_663, %select_n3A_659 : vector<16xi1>, vector<16xf32>
    %broadcast_in_dim3A_669 = arith.constant 3 : i32
    %broadcast_in_dim3A_670 = vector.broadcast %broadcast_in_dim3A_669 : i32 to vector<16xi32>
    %eq3A_671 = arith.cmpi eq, %select_n3A_636, %broadcast_in_dim3A_670 : vector<16xi32>
    %select_n3A_672 = arith.select %eq3A_671, %broadcast_in_dim3A_639, %get3A_580 : vector<16xi1>, vector<16xf32>
    %gt3A_673 = arith.cmpf ogt, %select_n3A_672, %select_n3A_668 : vector<16xf32>
    %broadcast_in_dim3A_674 = arith.constant 3 : i32
    %broadcast_in_dim3A_675 = vector.broadcast %broadcast_in_dim3A_674 : i32 to vector<16xi32>
    %select_n3A_676 = arith.select %gt3A_673, %broadcast_in_dim3A_675, %select_n3A_667 : vector<16xi1>, vector<16xi32>
    %select_n3A_677 = arith.select %gt3A_673, %select_n3A_672, %select_n3A_668 : vector<16xi1>, vector<16xf32>
    %broadcast_in_dim3A_678 = arith.constant 4 : i32
    %broadcast_in_dim3A_679 = vector.broadcast %broadcast_in_dim3A_678 : i32 to vector<16xi32>
    %eq3A_680 = arith.cmpi eq, %select_n3A_636, %broadcast_in_dim3A_679 : vector<16xi32>
    %select_n3A_681 = arith.select %eq3A_680, %broadcast_in_dim3A_639, %get3A_585 : vector<16xi1>, vector<16xf32>
    %gt3A_682 = arith.cmpf ogt, %select_n3A_681, %select_n3A_677 : vector<16xf32>
    %broadcast_in_dim3A_683 = arith.constant 4 : i32
    %broadcast_in_dim3A_684 = vector.broadcast %broadcast_in_dim3A_683 : i32 to vector<16xi32>
    %select_n3A_685 = arith.select %gt3A_682, %broadcast_in_dim3A_684, %select_n3A_676 : vector<16xi1>, vector<16xi32>
    %select_n3A_686 = arith.select %gt3A_682, %select_n3A_681, %select_n3A_677 : vector<16xi1>, vector<16xf32>
    %broadcast_in_dim3A_687 = arith.constant 5 : i32
    %broadcast_in_dim3A_688 = vector.broadcast %broadcast_in_dim3A_687 : i32 to vector<16xi32>
    %eq3A_689 = arith.cmpi eq, %select_n3A_636, %broadcast_in_dim3A_688 : vector<16xi32>
    %select_n3A_690 = arith.select %eq3A_689, %broadcast_in_dim3A_639, %get3A_590 : vector<16xi1>, vector<16xf32>
    %gt3A_691 = arith.cmpf ogt, %select_n3A_690, %select_n3A_686 : vector<16xf32>
    %broadcast_in_dim3A_692 = arith.constant 5 : i32
    %broadcast_in_dim3A_693 = vector.broadcast %broadcast_in_dim3A_692 : i32 to vector<16xi32>
    %select_n3A_694 = arith.select %gt3A_691, %broadcast_in_dim3A_693, %select_n3A_685 : vector<16xi1>, vector<16xi32>
    %select_n3A_695 = arith.select %gt3A_691, %select_n3A_690, %select_n3A_686 : vector<16xi1>, vector<16xf32>
    %broadcast_in_dim3A_696 = arith.constant 6 : i32
    %broadcast_in_dim3A_697 = vector.broadcast %broadcast_in_dim3A_696 : i32 to vector<16xi32>
    %eq3A_698 = arith.cmpi eq, %select_n3A_636, %broadcast_in_dim3A_697 : vector<16xi32>
    %select_n3A_699 = arith.select %eq3A_698, %broadcast_in_dim3A_639, %get3A_595 : vector<16xi1>, vector<16xf32>
    %gt3A_700 = arith.cmpf ogt, %select_n3A_699, %select_n3A_695 : vector<16xf32>
    %broadcast_in_dim3A_701 = arith.constant 6 : i32
    %broadcast_in_dim3A_702 = vector.broadcast %broadcast_in_dim3A_701 : i32 to vector<16xi32>
    %select_n3A_703 = arith.select %gt3A_700, %broadcast_in_dim3A_702, %select_n3A_694 : vector<16xi1>, vector<16xi32>
    %select_n3A_704 = arith.select %gt3A_700, %select_n3A_699, %select_n3A_695 : vector<16xi1>, vector<16xf32>
    %broadcast_in_dim3A_705 = arith.constant 7 : i32
    %broadcast_in_dim3A_706 = vector.broadcast %broadcast_in_dim3A_705 : i32 to vector<16xi32>
    %eq3A_707 = arith.cmpi eq, %select_n3A_636, %broadcast_in_dim3A_706 : vector<16xi32>
    %select_n3A_708 = arith.select %eq3A_707, %broadcast_in_dim3A_639, %get3A_600 : vector<16xi1>, vector<16xf32>
    %gt3A_709 = arith.cmpf ogt, %select_n3A_708, %select_n3A_704 : vector<16xf32>
    %broadcast_in_dim3A_710 = arith.constant 7 : i32
    %broadcast_in_dim3A_711 = vector.broadcast %broadcast_in_dim3A_710 : i32 to vector<16xi32>
    %select_n3A_712 = arith.select %gt3A_709, %broadcast_in_dim3A_711, %select_n3A_703 : vector<16xi1>, vector<16xi32>
    %select_n3A_713 = arith.select %gt3A_709, %select_n3A_708, %select_n3A_704 : vector<16xi1>, vector<16xf32>
    %sub3A_714 = arith.subf %select_n3A_713, %select_n3A_637 : vector<16xf32>
    %exp3A_715 = math.exp %sub3A_714 : vector<16xf32>
    %broadcast_in_dim3A_716 = arith.constant 1.000000e+00 : f32
    %broadcast_in_dim3A_717 = vector.broadcast %broadcast_in_dim3A_716 : f32 to vector<16xf32>
    %broadcast_in_dim3A_718 = arith.constant 1.000000e+00 : f32
    %broadcast_in_dim3A_719 = vector.broadcast %broadcast_in_dim3A_718 : f32 to vector<16xf32>
    %add3A_720 = arith.addf %broadcast_in_dim3A_719, %exp3A_715 : vector<16xf32>
    %div3A_721 = arith.divf %broadcast_in_dim3A_717, %add3A_720 : vector<16xf32>
    %mul3A_722 = arith.mulf %exp3A_715, %div3A_721 : vector<16xf32>
    %broadcast_in_dim3A_723 = arith.constant 0.000000e+00 : f32
    %broadcast_in_dim3A_724 = vector.broadcast %broadcast_in_dim3A_723 : f32 to vector<16xf32>
    %broadcast_in_dim3A_725 = arith.constant 0 : i32
    %broadcast_in_dim3A_726 = vector.broadcast %broadcast_in_dim3A_725 : i32 to vector<16xi32>
    %eq3A_727 = arith.cmpi eq, %select_n3A_636, %broadcast_in_dim3A_726 : vector<16xi32>
    %broadcast_in_dim3A_728 = arith.constant 0 : i32
    %broadcast_in_dim3A_729 = vector.broadcast %broadcast_in_dim3A_728 : i32 to vector<16xi32>
    %eq3A_730 = arith.cmpi eq, %select_n3A_712, %broadcast_in_dim3A_729 : vector<16xi32>
    %select_n3A_731 = arith.select %eq3A_730, %mul3A_722, %broadcast_in_dim3A_724 : vector<16xi1>, vector<16xf32>
    %select_n3A_732 = arith.select %eq3A_727, %div3A_721, %select_n3A_731 : vector<16xi1>, vector<16xf32>
    %swap3A_733 = arith.constant 0 : i32
    %swap3A_734 = arith.index_cast %swap3A_733 : i32 to index
    %swap3A_735 = arith.constant 32 : index
    %swap3A_736 = tpu.vector_load %arg5[%swap3A_734, %swap3A_735] {strides = array<i32>} : memref<8x64xf32, #tpu.memory_space<vmem>>, vector<1x16xf32>,
    %swap3A_737 = vector.shape_cast %swap3A_736 : vector<1x16xf32> to vector<16xf32>
    %swap3A_738 = vector.shape_cast %select_n3A_732 : vector<16xf32> to vector<1x16xf32>
    tpu.vector_store %arg5[%swap3A_734, %swap3A_735], %swap3A_738 {strides = array<i32>} : memref<8x64xf32, #tpu.memory_space<vmem>>, vector<1x16xf32>,
    %broadcast_in_dim3A_739 = arith.constant 1 : i32
    %broadcast_in_dim3A_740 = vector.broadcast %broadcast_in_dim3A_739 : i32 to vector<16xi32>
    %eq3A_741 = arith.cmpi eq, %select_n3A_636, %broadcast_in_dim3A_740 : vector<16xi32>
    %broadcast_in_dim3A_742 = arith.constant 1 : i32
    %broadcast_in_dim3A_743 = vector.broadcast %broadcast_in_dim3A_742 : i32 to vector<16xi32>
    %eq3A_744 = arith.cmpi eq, %select_n3A_712, %broadcast_in_dim3A_743 : vector<16xi32>
    %select_n3A_745 = arith.select %eq3A_744, %mul3A_722, %broadcast_in_dim3A_724 : vector<16xi1>, vector<16xf32>
    %select_n3A_746 = arith.select %eq3A_741, %div3A_721, %select_n3A_745 : vector<16xi1>, vector<16xf32>
    %swap3A_747 = arith.constant 1 : i32
    %swap3A_748 = arith.index_cast %swap3A_747 : i32 to index
    %swap3A_749 = arith.constant 32 : index
    %swap3A_750 = tpu.vector_load %arg5[%swap3A_748, %swap3A_749] {strides = array<i32>} : memref<8x64xf32, #tpu.memory_space<vmem>>, vector<1x16xf32>,
    %swap3A_751 = vector.shape_cast %swap3A_750 : vector<1x16xf32> to vector<16xf32>
    %swap3A_752 = vector.shape_cast %select_n3A_746 : vector<16xf32> to vector<1x16xf32>
    tpu.vector_store %arg5[%swap3A_748, %swap3A_749], %swap3A_752 {strides = array<i32>} : memref<8x64xf32, #tpu.memory_space<vmem>>, vector<1x16xf32>,
    %broadcast_in_dim3A_753 = arith.constant 2 : i32
    %broadcast_in_dim3A_754 = vector.broadcast %broadcast_in_dim3A_753 : i32 to vector<16xi32>
    %eq3A_755 = arith.cmpi eq, %select_n3A_636, %broadcast_in_dim3A_754 : vector<16xi32>
    %broadcast_in_dim3A_756 = arith.constant 2 : i32
    %broadcast_in_dim3A_757 = vector.broadcast %broadcast_in_dim3A_756 : i32 to vector<16xi32>
    %eq3A_758 = arith.cmpi eq, %select_n3A_712, %broadcast_in_dim3A_757 : vector<16xi32>
    %select_n3A_759 = arith.select %eq3A_758, %mul3A_722, %broadcast_in_dim3A_724 : vector<16xi1>, vector<16xf32>
    %select_n3A_760 = arith.select %eq3A_755, %div3A_721, %select_n3A_759 : vector<16xi1>, vector<16xf32>
    %swap3A_761 = arith.constant 2 : i32
    %swap3A_762 = arith.index_cast %swap3A_761 : i32 to index
    %swap3A_763 = arith.constant 32 : index
    %swap3A_764 = tpu.vector_load %arg5[%swap3A_762, %swap3A_763] {strides = array<i32>} : memref<8x64xf32, #tpu.memory_space<vmem>>, vector<1x16xf32>,
    %swap3A_765 = vector.shape_cast %swap3A_764 : vector<1x16xf32> to vector<16xf32>
    %swap3A_766 = vector.shape_cast %select_n3A_760 : vector<16xf32> to vector<1x16xf32>
    tpu.vector_store %arg5[%swap3A_762, %swap3A_763], %swap3A_766 {strides = array<i32>} : memref<8x64xf32, #tpu.memory_space<vmem>>, vector<1x16xf32>,
    %broadcast_in_dim3A_767 = arith.constant 3 : i32
    %broadcast_in_dim3A_768 = vector.broadcast %broadcast_in_dim3A_767 : i32 to vector<16xi32>
    %eq3A_769 = arith.cmpi eq, %select_n3A_636, %broadcast_in_dim3A_768 : vector<16xi32>
    %broadcast_in_dim3A_770 = arith.constant 3 : i32
    %broadcast_in_dim3A_771 = vector.broadcast %broadcast_in_dim3A_770 : i32 to vector<16xi32>
    %eq3A_772 = arith.cmpi eq, %select_n3A_712, %broadcast_in_dim3A_771 : vector<16xi32>
    %select_n3A_773 = arith.select %eq3A_772, %mul3A_722, %broadcast_in_dim3A_724 : vector<16xi1>, vector<16xf32>
    %select_n3A_774 = arith.select %eq3A_769, %div3A_721, %select_n3A_773 : vector<16xi1>, vector<16xf32>
    %swap3A_775 = arith.constant 3 : i32
    %swap3A_776 = arith.index_cast %swap3A_775 : i32 to index
    %swap3A_777 = arith.constant 32 : index
    %swap3A_778 = tpu.vector_load %arg5[%swap3A_776, %swap3A_777] {strides = array<i32>} : memref<8x64xf32, #tpu.memory_space<vmem>>, vector<1x16xf32>,
    %swap3A_779 = vector.shape_cast %swap3A_778 : vector<1x16xf32> to vector<16xf32>
    %swap3A_780 = vector.shape_cast %select_n3A_774 : vector<16xf32> to vector<1x16xf32>
    tpu.vector_store %arg5[%swap3A_776, %swap3A_777], %swap3A_780 {strides = array<i32>} : memref<8x64xf32, #tpu.memory_space<vmem>>, vector<1x16xf32>,
    %broadcast_in_dim3A_781 = arith.constant 4 : i32
    %broadcast_in_dim3A_782 = vector.broadcast %broadcast_in_dim3A_781 : i32 to vector<16xi32>
    %eq3A_783 = arith.cmpi eq, %select_n3A_636, %broadcast_in_dim3A_782 : vector<16xi32>
    %broadcast_in_dim3A_784 = arith.constant 4 : i32
    %broadcast_in_dim3A_785 = vector.broadcast %broadcast_in_dim3A_784 : i32 to vector<16xi32>
    %eq3A_786 = arith.cmpi eq, %select_n3A_712, %broadcast_in_dim3A_785 : vector<16xi32>
    %select_n3A_787 = arith.select %eq3A_786, %mul3A_722, %broadcast_in_dim3A_724 : vector<16xi1>, vector<16xf32>
    %select_n3A_788 = arith.select %eq3A_783, %div3A_721, %select_n3A_787 : vector<16xi1>, vector<16xf32>
    %swap3A_789 = arith.constant 4 : i32
    %swap3A_790 = arith.index_cast %swap3A_789 : i32 to index
    %swap3A_791 = arith.constant 32 : index
    %swap3A_792 = tpu.vector_load %arg5[%swap3A_790, %swap3A_791] {strides = array<i32>} : memref<8x64xf32, #tpu.memory_space<vmem>>, vector<1x16xf32>,
    %swap3A_793 = vector.shape_cast %swap3A_792 : vector<1x16xf32> to vector<16xf32>
    %swap3A_794 = vector.shape_cast %select_n3A_788 : vector<16xf32> to vector<1x16xf32>
    tpu.vector_store %arg5[%swap3A_790, %swap3A_791], %swap3A_794 {strides = array<i32>} : memref<8x64xf32, #tpu.memory_space<vmem>>, vector<1x16xf32>,
    %broadcast_in_dim3A_795 = arith.constant 5 : i32
    %broadcast_in_dim3A_796 = vector.broadcast %broadcast_in_dim3A_795 : i32 to vector<16xi32>
    %eq3A_797 = arith.cmpi eq, %select_n3A_636, %broadcast_in_dim3A_796 : vector<16xi32>
    %broadcast_in_dim3A_798 = arith.constant 5 : i32
    %broadcast_in_dim3A_799 = vector.broadcast %broadcast_in_dim3A_798 : i32 to vector<16xi32>
    %eq3A_800 = arith.cmpi eq, %select_n3A_712, %broadcast_in_dim3A_799 : vector<16xi32>
    %select_n3A_801 = arith.select %eq3A_800, %mul3A_722, %broadcast_in_dim3A_724 : vector<16xi1>, vector<16xf32>
    %select_n3A_802 = arith.select %eq3A_797, %div3A_721, %select_n3A_801 : vector<16xi1>, vector<16xf32>
    %swap3A_803 = arith.constant 5 : i32
    %swap3A_804 = arith.index_cast %swap3A_803 : i32 to index
    %swap3A_805 = arith.constant 32 : index
    %swap3A_806 = tpu.vector_load %arg5[%swap3A_804, %swap3A_805] {strides = array<i32>} : memref<8x64xf32, #tpu.memory_space<vmem>>, vector<1x16xf32>,
    %swap3A_807 = vector.shape_cast %swap3A_806 : vector<1x16xf32> to vector<16xf32>
    %swap3A_808 = vector.shape_cast %select_n3A_802 : vector<16xf32> to vector<1x16xf32>
    tpu.vector_store %arg5[%swap3A_804, %swap3A_805], %swap3A_808 {strides = array<i32>} : memref<8x64xf32, #tpu.memory_space<vmem>>, vector<1x16xf32>,
    %broadcast_in_dim3A_809 = arith.constant 6 : i32
    %broadcast_in_dim3A_810 = vector.broadcast %broadcast_in_dim3A_809 : i32 to vector<16xi32>
    %eq3A_811 = arith.cmpi eq, %select_n3A_636, %broadcast_in_dim3A_810 : vector<16xi32>
    %broadcast_in_dim3A_812 = arith.constant 6 : i32
    %broadcast_in_dim3A_813 = vector.broadcast %broadcast_in_dim3A_812 : i32 to vector<16xi32>
    %eq3A_814 = arith.cmpi eq, %select_n3A_712, %broadcast_in_dim3A_813 : vector<16xi32>
    %select_n3A_815 = arith.select %eq3A_814, %mul3A_722, %broadcast_in_dim3A_724 : vector<16xi1>, vector<16xf32>
    %select_n3A_816 = arith.select %eq3A_811, %div3A_721, %select_n3A_815 : vector<16xi1>, vector<16xf32>
    %swap3A_817 = arith.constant 6 : i32
    %swap3A_818 = arith.index_cast %swap3A_817 : i32 to index
    %swap3A_819 = arith.constant 32 : index
    %swap3A_820 = tpu.vector_load %arg5[%swap3A_818, %swap3A_819] {strides = array<i32>} : memref<8x64xf32, #tpu.memory_space<vmem>>, vector<1x16xf32>,
    %swap3A_821 = vector.shape_cast %swap3A_820 : vector<1x16xf32> to vector<16xf32>
    %swap3A_822 = vector.shape_cast %select_n3A_816 : vector<16xf32> to vector<1x16xf32>
    tpu.vector_store %arg5[%swap3A_818, %swap3A_819], %swap3A_822 {strides = array<i32>} : memref<8x64xf32, #tpu.memory_space<vmem>>, vector<1x16xf32>,
    %broadcast_in_dim3A_823 = arith.constant 7 : i32
    %broadcast_in_dim3A_824 = vector.broadcast %broadcast_in_dim3A_823 : i32 to vector<16xi32>
    %eq3A_825 = arith.cmpi eq, %select_n3A_636, %broadcast_in_dim3A_824 : vector<16xi32>
    %broadcast_in_dim3A_826 = arith.constant 7 : i32
    %broadcast_in_dim3A_827 = vector.broadcast %broadcast_in_dim3A_826 : i32 to vector<16xi32>
    %eq3A_828 = arith.cmpi eq, %select_n3A_712, %broadcast_in_dim3A_827 : vector<16xi32>
    %select_n3A_829 = arith.select %eq3A_828, %mul3A_722, %broadcast_in_dim3A_724 : vector<16xi1>, vector<16xf32>
    %select_n3A_830 = arith.select %eq3A_825, %div3A_721, %select_n3A_829 : vector<16xi1>, vector<16xf32>
    %swap3A_831 = arith.constant 7 : i32
    %swap3A_832 = arith.index_cast %swap3A_831 : i32 to index
    %swap3A_833 = arith.constant 32 : index
    %swap3A_834 = tpu.vector_load %arg5[%swap3A_832, %swap3A_833] {strides = array<i32>} : memref<8x64xf32, #tpu.memory_space<vmem>>, vector<1x16xf32>,
    %swap3A_835 = vector.shape_cast %swap3A_834 : vector<1x16xf32> to vector<16xf32>
    %swap3A_836 = vector.shape_cast %select_n3A_830 : vector<16xf32> to vector<1x16xf32>
    tpu.vector_store %arg5[%swap3A_832, %swap3A_833], %swap3A_836 {strides = array<i32>} : memref<8x64xf32, #tpu.memory_space<vmem>>, vector<1x16xf32>,
    %get3A_837 = arith.constant 0 : i32
    %get3A_838 = arith.index_cast %get3A_837 : i32 to index
    %get3A_839 = arith.constant 48 : index
    %get3A_840 = tpu.vector_load %arg4[%get3A_838, %get3A_839] {strides = array<i32>} : memref<8x64xf32, #tpu.memory_space<vmem>>, vector<1x16xf32>,
    %get3A_841 = vector.shape_cast %get3A_840 : vector<1x16xf32> to vector<16xf32>
    %get3A_842 = arith.constant 1 : i32
    %get3A_843 = arith.index_cast %get3A_842 : i32 to index
    %get3A_844 = arith.constant 48 : index
    %get3A_845 = tpu.vector_load %arg4[%get3A_843, %get3A_844] {strides = array<i32>} : memref<8x64xf32, #tpu.memory_space<vmem>>, vector<1x16xf32>,
    %get3A_846 = vector.shape_cast %get3A_845 : vector<1x16xf32> to vector<16xf32>
    %get3A_847 = arith.constant 2 : i32
    %get3A_848 = arith.index_cast %get3A_847 : i32 to index
    %get3A_849 = arith.constant 48 : index
    %get3A_850 = tpu.vector_load %arg4[%get3A_848, %get3A_849] {strides = array<i32>} : memref<8x64xf32, #tpu.memory_space<vmem>>, vector<1x16xf32>,
    %get3A_851 = vector.shape_cast %get3A_850 : vector<1x16xf32> to vector<16xf32>
    %get3A_852 = arith.constant 3 : i32
    %get3A_853 = arith.index_cast %get3A_852 : i32 to index
    %get3A_854 = arith.constant 48 : index
    %get3A_855 = tpu.vector_load %arg4[%get3A_853, %get3A_854] {strides = array<i32>} : memref<8x64xf32, #tpu.memory_space<vmem>>, vector<1x16xf32>,
    %get3A_856 = vector.shape_cast %get3A_855 : vector<1x16xf32> to vector<16xf32>
    %get3A_857 = arith.constant 4 : i32
    %get3A_858 = arith.index_cast %get3A_857 : i32 to index
    %get3A_859 = arith.constant 48 : index
    %get3A_860 = tpu.vector_load %arg4[%get3A_858, %get3A_859] {strides = array<i32>} : memref<8x64xf32, #tpu.memory_space<vmem>>, vector<1x16xf32>,
    %get3A_861 = vector.shape_cast %get3A_860 : vector<1x16xf32> to vector<16xf32>
    %get3A_862 = arith.constant 5 : i32
    %get3A_863 = arith.index_cast %get3A_862 : i32 to index
    %get3A_864 = arith.constant 48 : index
    %get3A_865 = tpu.vector_load %arg4[%get3A_863, %get3A_864] {strides = array<i32>} : memref<8x64xf32, #tpu.memory_space<vmem>>, vector<1x16xf32>,
    %get3A_866 = vector.shape_cast %get3A_865 : vector<1x16xf32> to vector<16xf32>
    %get3A_867 = arith.constant 6 : i32
    %get3A_868 = arith.index_cast %get3A_867 : i32 to index
    %get3A_869 = arith.constant 48 : index
    %get3A_870 = tpu.vector_load %arg4[%get3A_868, %get3A_869] {strides = array<i32>} : memref<8x64xf32, #tpu.memory_space<vmem>>, vector<1x16xf32>,
    %get3A_871 = vector.shape_cast %get3A_870 : vector<1x16xf32> to vector<16xf32>
    %get3A_872 = arith.constant 7 : i32
    %get3A_873 = arith.index_cast %get3A_872 : i32 to index
    %get3A_874 = arith.constant 48 : index
    %get3A_875 = tpu.vector_load %arg4[%get3A_873, %get3A_874] {strides = array<i32>} : memref<8x64xf32, #tpu.memory_space<vmem>>, vector<1x16xf32>,
    %get3A_876 = vector.shape_cast %get3A_875 : vector<1x16xf32> to vector<16xf32>
    %broadcast_in_dim3A_877 = arith.constant 0 : i32
    %broadcast_in_dim3A_878 = vector.broadcast %broadcast_in_dim3A_877 : i32 to vector<16xi32>
    %gt3A_879 = arith.cmpf ogt, %get3A_846, %get3A_841 : vector<16xf32>
    %broadcast_in_dim3A_880 = arith.constant 1 : i32
    %broadcast_in_dim3A_881 = vector.broadcast %broadcast_in_dim3A_880 : i32 to vector<16xi32>
    %select_n3A_882 = arith.select %gt3A_879, %broadcast_in_dim3A_881, %broadcast_in_dim3A_878 : vector<16xi1>, vector<16xi32>
    %select_n3A_883 = arith.select %gt3A_879, %get3A_846, %get3A_841 : vector<16xi1>, vector<16xf32>
    %gt3A_884 = arith.cmpf ogt, %get3A_851, %select_n3A_883 : vector<16xf32>
    %broadcast_in_dim3A_885 = arith.constant 2 : i32
    %broadcast_in_dim3A_886 = vector.broadcast %broadcast_in_dim3A_885 : i32 to vector<16xi32>
    %select_n3A_887 = arith.select %gt3A_884, %broadcast_in_dim3A_886, %select_n3A_882 : vector<16xi1>, vector<16xi32>
    %select_n3A_888 = arith.select %gt3A_884, %get3A_851, %select_n3A_883 : vector<16xi1>, vector<16xf32>
    %gt3A_889 = arith.cmpf ogt, %get3A_856, %select_n3A_888 : vector<16xf32>
    %broadcast_in_dim3A_890 = arith.constant 3 : i32
    %broadcast_in_dim3A_891 = vector.broadcast %broadcast_in_dim3A_890 : i32 to vector<16xi32>
    %select_n3A_892 = arith.select %gt3A_889, %broadcast_in_dim3A_891, %select_n3A_887 : vector<16xi1>, vector<16xi32>
    %select_n3A_893 = arith.select %gt3A_889, %get3A_856, %select_n3A_888 : vector<16xi1>, vector<16xf32>
    %gt3A_894 = arith.cmpf ogt, %get3A_861, %select_n3A_893 : vector<16xf32>
    %broadcast_in_dim3A_895 = arith.constant 4 : i32
    %broadcast_in_dim3A_896 = vector.broadcast %broadcast_in_dim3A_895 : i32 to vector<16xi32>
    %select_n3A_897 = arith.select %gt3A_894, %broadcast_in_dim3A_896, %select_n3A_892 : vector<16xi1>, vector<16xi32>
    %select_n3A_898 = arith.select %gt3A_894, %get3A_861, %select_n3A_893 : vector<16xi1>, vector<16xf32>
    %gt3A_899 = arith.cmpf ogt, %get3A_866, %select_n3A_898 : vector<16xf32>
    %broadcast_in_dim3A_900 = arith.constant 5 : i32
    %broadcast_in_dim3A_901 = vector.broadcast %broadcast_in_dim3A_900 : i32 to vector<16xi32>
    %select_n3A_902 = arith.select %gt3A_899, %broadcast_in_dim3A_901, %select_n3A_897 : vector<16xi1>, vector<16xi32>
    %select_n3A_903 = arith.select %gt3A_899, %get3A_866, %select_n3A_898 : vector<16xi1>, vector<16xf32>
    %gt3A_904 = arith.cmpf ogt, %get3A_871, %select_n3A_903 : vector<16xf32>
    %broadcast_in_dim3A_905 = arith.constant 6 : i32
    %broadcast_in_dim3A_906 = vector.broadcast %broadcast_in_dim3A_905 : i32 to vector<16xi32>
    %select_n3A_907 = arith.select %gt3A_904, %broadcast_in_dim3A_906, %select_n3A_902 : vector<16xi1>, vector<16xi32>
    %select_n3A_908 = arith.select %gt3A_904, %get3A_871, %select_n3A_903 : vector<16xi1>, vector<16xf32>
    %gt3A_909 = arith.cmpf ogt, %get3A_876, %select_n3A_908 : vector<16xf32>
    %broadcast_in_dim3A_910 = arith.constant 7 : i32
    %broadcast_in_dim3A_911 = vector.broadcast %broadcast_in_dim3A_910 : i32 to vector<16xi32>
    %select_n3A_912 = arith.select %gt3A_909, %broadcast_in_dim3A_911, %select_n3A_907 : vector<16xi1>, vector<16xi32>
    %select_n3A_913 = arith.select %gt3A_909, %get3A_876, %select_n3A_908 : vector<16xi1>, vector<16xf32>
    %broadcast_in_dim3A_914 = arith.constant -1.000000e+30 : f32
    %broadcast_in_dim3A_915 = vector.broadcast %broadcast_in_dim3A_914 : f32 to vector<16xf32>
    %broadcast_in_dim3A_916 = arith.constant 8 : i32
    %broadcast_in_dim3A_917 = vector.broadcast %broadcast_in_dim3A_916 : i32 to vector<16xi32>
    %broadcast_in_dim3A_918 = arith.constant 0 : i32
    %broadcast_in_dim3A_919 = vector.broadcast %broadcast_in_dim3A_918 : i32 to vector<16xi32>
    %eq3A_920 = arith.cmpi eq, %select_n3A_912, %broadcast_in_dim3A_919 : vector<16xi32>
    %select_n3A_921 = arith.select %eq3A_920, %broadcast_in_dim3A_915, %get3A_841 : vector<16xi1>, vector<16xf32>
    %gt3A_922 = arith.cmpf ogt, %select_n3A_921, %broadcast_in_dim3A_915 : vector<16xf32>
    %broadcast_in_dim3A_923 = arith.constant 0 : i32
    %broadcast_in_dim3A_924 = vector.broadcast %broadcast_in_dim3A_923 : i32 to vector<16xi32>
    %select_n3A_925 = arith.select %gt3A_922, %broadcast_in_dim3A_924, %broadcast_in_dim3A_917 : vector<16xi1>, vector<16xi32>
    %select_n3A_926 = arith.select %gt3A_922, %select_n3A_921, %broadcast_in_dim3A_915 : vector<16xi1>, vector<16xf32>
    %broadcast_in_dim3A_927 = arith.constant 1 : i32
    %broadcast_in_dim3A_928 = vector.broadcast %broadcast_in_dim3A_927 : i32 to vector<16xi32>
    %eq3A_929 = arith.cmpi eq, %select_n3A_912, %broadcast_in_dim3A_928 : vector<16xi32>
    %select_n3A_930 = arith.select %eq3A_929, %broadcast_in_dim3A_915, %get3A_846 : vector<16xi1>, vector<16xf32>
    %gt3A_931 = arith.cmpf ogt, %select_n3A_930, %select_n3A_926 : vector<16xf32>
    %broadcast_in_dim3A_932 = arith.constant 1 : i32
    %broadcast_in_dim3A_933 = vector.broadcast %broadcast_in_dim3A_932 : i32 to vector<16xi32>
    %select_n3A_934 = arith.select %gt3A_931, %broadcast_in_dim3A_933, %select_n3A_925 : vector<16xi1>, vector<16xi32>
    %select_n3A_935 = arith.select %gt3A_931, %select_n3A_930, %select_n3A_926 : vector<16xi1>, vector<16xf32>
    %broadcast_in_dim3A_936 = arith.constant 2 : i32
    %broadcast_in_dim3A_937 = vector.broadcast %broadcast_in_dim3A_936 : i32 to vector<16xi32>
    %eq3A_938 = arith.cmpi eq, %select_n3A_912, %broadcast_in_dim3A_937 : vector<16xi32>
    %select_n3A_939 = arith.select %eq3A_938, %broadcast_in_dim3A_915, %get3A_851 : vector<16xi1>, vector<16xf32>
    %gt3A_940 = arith.cmpf ogt, %select_n3A_939, %select_n3A_935 : vector<16xf32>
    %broadcast_in_dim3A_941 = arith.constant 2 : i32
    %broadcast_in_dim3A_942 = vector.broadcast %broadcast_in_dim3A_941 : i32 to vector<16xi32>
    %select_n3A_943 = arith.select %gt3A_940, %broadcast_in_dim3A_942, %select_n3A_934 : vector<16xi1>, vector<16xi32>
    %select_n3A_944 = arith.select %gt3A_940, %select_n3A_939, %select_n3A_935 : vector<16xi1>, vector<16xf32>
    %broadcast_in_dim3A_945 = arith.constant 3 : i32
    %broadcast_in_dim3A_946 = vector.broadcast %broadcast_in_dim3A_945 : i32 to vector<16xi32>
    %eq3A_947 = arith.cmpi eq, %select_n3A_912, %broadcast_in_dim3A_946 : vector<16xi32>
    %select_n3A_948 = arith.select %eq3A_947, %broadcast_in_dim3A_915, %get3A_856 : vector<16xi1>, vector<16xf32>
    %gt3A_949 = arith.cmpf ogt, %select_n3A_948, %select_n3A_944 : vector<16xf32>
    %broadcast_in_dim3A_950 = arith.constant 3 : i32
    %broadcast_in_dim3A_951 = vector.broadcast %broadcast_in_dim3A_950 : i32 to vector<16xi32>
    %select_n3A_952 = arith.select %gt3A_949, %broadcast_in_dim3A_951, %select_n3A_943 : vector<16xi1>, vector<16xi32>
    %select_n3A_953 = arith.select %gt3A_949, %select_n3A_948, %select_n3A_944 : vector<16xi1>, vector<16xf32>
    %broadcast_in_dim3A_954 = arith.constant 4 : i32
    %broadcast_in_dim3A_955 = vector.broadcast %broadcast_in_dim3A_954 : i32 to vector<16xi32>
    %eq3A_956 = arith.cmpi eq, %select_n3A_912, %broadcast_in_dim3A_955 : vector<16xi32>
    %select_n3A_957 = arith.select %eq3A_956, %broadcast_in_dim3A_915, %get3A_861 : vector<16xi1>, vector<16xf32>
    %gt3A_958 = arith.cmpf ogt, %select_n3A_957, %select_n3A_953 : vector<16xf32>
    %broadcast_in_dim3A_959 = arith.constant 4 : i32
    %broadcast_in_dim3A_960 = vector.broadcast %broadcast_in_dim3A_959 : i32 to vector<16xi32>
    %select_n3A_961 = arith.select %gt3A_958, %broadcast_in_dim3A_960, %select_n3A_952 : vector<16xi1>, vector<16xi32>
    %select_n3A_962 = arith.select %gt3A_958, %select_n3A_957, %select_n3A_953 : vector<16xi1>, vector<16xf32>
    %broadcast_in_dim3A_963 = arith.constant 5 : i32
    %broadcast_in_dim3A_964 = vector.broadcast %broadcast_in_dim3A_963 : i32 to vector<16xi32>
    %eq3A_965 = arith.cmpi eq, %select_n3A_912, %broadcast_in_dim3A_964 : vector<16xi32>
    %select_n3A_966 = arith.select %eq3A_965, %broadcast_in_dim3A_915, %get3A_866 : vector<16xi1>, vector<16xf32>
    %gt3A_967 = arith.cmpf ogt, %select_n3A_966, %select_n3A_962 : vector<16xf32>
    %broadcast_in_dim3A_968 = arith.constant 5 : i32
    %broadcast_in_dim3A_969 = vector.broadcast %broadcast_in_dim3A_968 : i32 to vector<16xi32>
    %select_n3A_970 = arith.select %gt3A_967, %broadcast_in_dim3A_969, %select_n3A_961 : vector<16xi1>, vector<16xi32>
    %select_n3A_971 = arith.select %gt3A_967, %select_n3A_966, %select_n3A_962 : vector<16xi1>, vector<16xf32>
    %broadcast_in_dim3A_972 = arith.constant 6 : i32
    %broadcast_in_dim3A_973 = vector.broadcast %broadcast_in_dim3A_972 : i32 to vector<16xi32>
    %eq3A_974 = arith.cmpi eq, %select_n3A_912, %broadcast_in_dim3A_973 : vector<16xi32>
    %select_n3A_975 = arith.select %eq3A_974, %broadcast_in_dim3A_915, %get3A_871 : vector<16xi1>, vector<16xf32>
    %gt3A_976 = arith.cmpf ogt, %select_n3A_975, %select_n3A_971 : vector<16xf32>
    %broadcast_in_dim3A_977 = arith.constant 6 : i32
    %broadcast_in_dim3A_978 = vector.broadcast %broadcast_in_dim3A_977 : i32 to vector<16xi32>
    %select_n3A_979 = arith.select %gt3A_976, %broadcast_in_dim3A_978, %select_n3A_970 : vector<16xi1>, vector<16xi32>
    %select_n3A_980 = arith.select %gt3A_976, %select_n3A_975, %select_n3A_971 : vector<16xi1>, vector<16xf32>
    %broadcast_in_dim3A_981 = arith.constant 7 : i32
    %broadcast_in_dim3A_982 = vector.broadcast %broadcast_in_dim3A_981 : i32 to vector<16xi32>
    %eq3A_983 = arith.cmpi eq, %select_n3A_912, %broadcast_in_dim3A_982 : vector<16xi32>
    %select_n3A_984 = arith.select %eq3A_983, %broadcast_in_dim3A_915, %get3A_876 : vector<16xi1>, vector<16xf32>
    %gt3A_985 = arith.cmpf ogt, %select_n3A_984, %select_n3A_980 : vector<16xf32>
    %broadcast_in_dim3A_986 = arith.constant 7 : i32
    %broadcast_in_dim3A_987 = vector.broadcast %broadcast_in_dim3A_986 : i32 to vector<16xi32>
    %select_n3A_988 = arith.select %gt3A_985, %broadcast_in_dim3A_987, %select_n3A_979 : vector<16xi1>, vector<16xi32>
    %select_n3A_989 = arith.select %gt3A_985, %select_n3A_984, %select_n3A_980 : vector<16xi1>, vector<16xf32>
    %sub3A_990 = arith.subf %select_n3A_989, %select_n3A_913 : vector<16xf32>
    %exp3A_991 = math.exp %sub3A_990 : vector<16xf32>
    %broadcast_in_dim3A_992 = arith.constant 1.000000e+00 : f32
    %broadcast_in_dim3A_993 = vector.broadcast %broadcast_in_dim3A_992 : f32 to vector<16xf32>
    %broadcast_in_dim3A_994 = arith.constant 1.000000e+00 : f32
    %broadcast_in_dim3A_995 = vector.broadcast %broadcast_in_dim3A_994 : f32 to vector<16xf32>
    %add3A_996 = arith.addf %broadcast_in_dim3A_995, %exp3A_991 : vector<16xf32>
    %div3A_997 = arith.divf %broadcast_in_dim3A_993, %add3A_996 : vector<16xf32>
    %mul3A_998 = arith.mulf %exp3A_991, %div3A_997 : vector<16xf32>
    %broadcast_in_dim3A_999 = arith.constant 0.000000e+00 : f32
    %broadcast_in_dim3A_1000 = vector.broadcast %broadcast_in_dim3A_999 : f32 to vector<16xf32>
    %broadcast_in_dim3A_1001 = arith.constant 0 : i32
    %broadcast_in_dim3A_1002 = vector.broadcast %broadcast_in_dim3A_1001 : i32 to vector<16xi32>
    %eq3A_1003 = arith.cmpi eq, %select_n3A_912, %broadcast_in_dim3A_1002 : vector<16xi32>
    %broadcast_in_dim3A_1004 = arith.constant 0 : i32
    %broadcast_in_dim3A_1005 = vector.broadcast %broadcast_in_dim3A_1004 : i32 to vector<16xi32>
    %eq3A_1006 = arith.cmpi eq, %select_n3A_988, %broadcast_in_dim3A_1005 : vector<16xi32>
    %select_n3A_1007 = arith.select %eq3A_1006, %mul3A_998, %broadcast_in_dim3A_1000 : vector<16xi1>, vector<16xf32>
    %select_n3A_1008 = arith.select %eq3A_1003, %div3A_997, %select_n3A_1007 : vector<16xi1>, vector<16xf32>
    %swap3A_1009 = arith.constant 0 : i32
    %swap3A_1010 = arith.index_cast %swap3A_1009 : i32 to index
    %swap3A_1011 = arith.constant 48 : index
    %swap3A_1012 = tpu.vector_load %arg5[%swap3A_1010, %swap3A_1011] {strides = array<i32>} : memref<8x64xf32, #tpu.memory_space<vmem>>, vector<1x16xf32>,
    %swap3A_1013 = vector.shape_cast %swap3A_1012 : vector<1x16xf32> to vector<16xf32>
    %swap3A_1014 = vector.shape_cast %select_n3A_1008 : vector<16xf32> to vector<1x16xf32>
    tpu.vector_store %arg5[%swap3A_1010, %swap3A_1011], %swap3A_1014 {strides = array<i32>} : memref<8x64xf32, #tpu.memory_space<vmem>>, vector<1x16xf32>,
    %broadcast_in_dim3A_1015 = arith.constant 1 : i32
    %broadcast_in_dim3A_1016 = vector.broadcast %broadcast_in_dim3A_1015 : i32 to vector<16xi32>
    %eq3A_1017 = arith.cmpi eq, %select_n3A_912, %broadcast_in_dim3A_1016 : vector<16xi32>
    %broadcast_in_dim3A_1018 = arith.constant 1 : i32
    %broadcast_in_dim3A_1019 = vector.broadcast %broadcast_in_dim3A_1018 : i32 to vector<16xi32>
    %eq3A_1020 = arith.cmpi eq, %select_n3A_988, %broadcast_in_dim3A_1019 : vector<16xi32>
    %select_n3A_1021 = arith.select %eq3A_1020, %mul3A_998, %broadcast_in_dim3A_1000 : vector<16xi1>, vector<16xf32>
    %select_n3A_1022 = arith.select %eq3A_1017, %div3A_997, %select_n3A_1021 : vector<16xi1>, vector<16xf32>
    %swap3A_1023 = arith.constant 1 : i32
    %swap3A_1024 = arith.index_cast %swap3A_1023 : i32 to index
    %swap3A_1025 = arith.constant 48 : index
    %swap3A_1026 = tpu.vector_load %arg5[%swap3A_1024, %swap3A_1025] {strides = array<i32>} : memref<8x64xf32, #tpu.memory_space<vmem>>, vector<1x16xf32>,
    %swap3A_1027 = vector.shape_cast %swap3A_1026 : vector<1x16xf32> to vector<16xf32>
    %swap3A_1028 = vector.shape_cast %select_n3A_1022 : vector<16xf32> to vector<1x16xf32>
    tpu.vector_store %arg5[%swap3A_1024, %swap3A_1025], %swap3A_1028 {strides = array<i32>} : memref<8x64xf32, #tpu.memory_space<vmem>>, vector<1x16xf32>,
    %broadcast_in_dim3A_1029 = arith.constant 2 : i32
    %broadcast_in_dim3A_1030 = vector.broadcast %broadcast_in_dim3A_1029 : i32 to vector<16xi32>
    %eq3A_1031 = arith.cmpi eq, %select_n3A_912, %broadcast_in_dim3A_1030 : vector<16xi32>
    %broadcast_in_dim3A_1032 = arith.constant 2 : i32
    %broadcast_in_dim3A_1033 = vector.broadcast %broadcast_in_dim3A_1032 : i32 to vector<16xi32>
    %eq3A_1034 = arith.cmpi eq, %select_n3A_988, %broadcast_in_dim3A_1033 : vector<16xi32>
    %select_n3A_1035 = arith.select %eq3A_1034, %mul3A_998, %broadcast_in_dim3A_1000 : vector<16xi1>, vector<16xf32>
    %select_n3A_1036 = arith.select %eq3A_1031, %div3A_997, %select_n3A_1035 : vector<16xi1>, vector<16xf32>
    %swap3A_1037 = arith.constant 2 : i32
    %swap3A_1038 = arith.index_cast %swap3A_1037 : i32 to index
    %swap3A_1039 = arith.constant 48 : index
    %swap3A_1040 = tpu.vector_load %arg5[%swap3A_1038, %swap3A_1039] {strides = array<i32>} : memref<8x64xf32, #tpu.memory_space<vmem>>, vector<1x16xf32>,
    %swap3A_1041 = vector.shape_cast %swap3A_1040 : vector<1x16xf32> to vector<16xf32>
    %swap3A_1042 = vector.shape_cast %select_n3A_1036 : vector<16xf32> to vector<1x16xf32>
    tpu.vector_store %arg5[%swap3A_1038, %swap3A_1039], %swap3A_1042 {strides = array<i32>} : memref<8x64xf32, #tpu.memory_space<vmem>>, vector<1x16xf32>,
    %broadcast_in_dim3A_1043 = arith.constant 3 : i32
    %broadcast_in_dim3A_1044 = vector.broadcast %broadcast_in_dim3A_1043 : i32 to vector<16xi32>
    %eq3A_1045 = arith.cmpi eq, %select_n3A_912, %broadcast_in_dim3A_1044 : vector<16xi32>
    %broadcast_in_dim3A_1046 = arith.constant 3 : i32
    %broadcast_in_dim3A_1047 = vector.broadcast %broadcast_in_dim3A_1046 : i32 to vector<16xi32>
    %eq3A_1048 = arith.cmpi eq, %select_n3A_988, %broadcast_in_dim3A_1047 : vector<16xi32>
    %select_n3A_1049 = arith.select %eq3A_1048, %mul3A_998, %broadcast_in_dim3A_1000 : vector<16xi1>, vector<16xf32>
    %select_n3A_1050 = arith.select %eq3A_1045, %div3A_997, %select_n3A_1049 : vector<16xi1>, vector<16xf32>
    %swap3A_1051 = arith.constant 3 : i32
    %swap3A_1052 = arith.index_cast %swap3A_1051 : i32 to index
    %swap3A_1053 = arith.constant 48 : index
    %swap3A_1054 = tpu.vector_load %arg5[%swap3A_1052, %swap3A_1053] {strides = array<i32>} : memref<8x64xf32, #tpu.memory_space<vmem>>, vector<1x16xf32>,
    %swap3A_1055 = vector.shape_cast %swap3A_1054 : vector<1x16xf32> to vector<16xf32>
    %swap3A_1056 = vector.shape_cast %select_n3A_1050 : vector<16xf32> to vector<1x16xf32>
    tpu.vector_store %arg5[%swap3A_1052, %swap3A_1053], %swap3A_1056 {strides = array<i32>} : memref<8x64xf32, #tpu.memory_space<vmem>>, vector<1x16xf32>,
    %broadcast_in_dim3A_1057 = arith.constant 4 : i32
    %broadcast_in_dim3A_1058 = vector.broadcast %broadcast_in_dim3A_1057 : i32 to vector<16xi32>
    %eq3A_1059 = arith.cmpi eq, %select_n3A_912, %broadcast_in_dim3A_1058 : vector<16xi32>
    %broadcast_in_dim3A_1060 = arith.constant 4 : i32
    %broadcast_in_dim3A_1061 = vector.broadcast %broadcast_in_dim3A_1060 : i32 to vector<16xi32>
    %eq3A_1062 = arith.cmpi eq, %select_n3A_988, %broadcast_in_dim3A_1061 : vector<16xi32>
    %select_n3A_1063 = arith.select %eq3A_1062, %mul3A_998, %broadcast_in_dim3A_1000 : vector<16xi1>, vector<16xf32>
    %select_n3A_1064 = arith.select %eq3A_1059, %div3A_997, %select_n3A_1063 : vector<16xi1>, vector<16xf32>
    %swap3A_1065 = arith.constant 4 : i32
    %swap3A_1066 = arith.index_cast %swap3A_1065 : i32 to index
    %swap3A_1067 = arith.constant 48 : index
    %swap3A_1068 = tpu.vector_load %arg5[%swap3A_1066, %swap3A_1067] {strides = array<i32>} : memref<8x64xf32, #tpu.memory_space<vmem>>, vector<1x16xf32>,
    %swap3A_1069 = vector.shape_cast %swap3A_1068 : vector<1x16xf32> to vector<16xf32>
    %swap3A_1070 = vector.shape_cast %select_n3A_1064 : vector<16xf32> to vector<1x16xf32>
    tpu.vector_store %arg5[%swap3A_1066, %swap3A_1067], %swap3A_1070 {strides = array<i32>} : memref<8x64xf32, #tpu.memory_space<vmem>>, vector<1x16xf32>,
    %broadcast_in_dim3A_1071 = arith.constant 5 : i32
    %broadcast_in_dim3A_1072 = vector.broadcast %broadcast_in_dim3A_1071 : i32 to vector<16xi32>
    %eq3A_1073 = arith.cmpi eq, %select_n3A_912, %broadcast_in_dim3A_1072 : vector<16xi32>
    %broadcast_in_dim3A_1074 = arith.constant 5 : i32
    %broadcast_in_dim3A_1075 = vector.broadcast %broadcast_in_dim3A_1074 : i32 to vector<16xi32>
    %eq3A_1076 = arith.cmpi eq, %select_n3A_988, %broadcast_in_dim3A_1075 : vector<16xi32>
    %select_n3A_1077 = arith.select %eq3A_1076, %mul3A_998, %broadcast_in_dim3A_1000 : vector<16xi1>, vector<16xf32>
    %select_n3A_1078 = arith.select %eq3A_1073, %div3A_997, %select_n3A_1077 : vector<16xi1>, vector<16xf32>
    %swap3A_1079 = arith.constant 5 : i32
    %swap3A_1080 = arith.index_cast %swap3A_1079 : i32 to index
    %swap3A_1081 = arith.constant 48 : index
    %swap3A_1082 = tpu.vector_load %arg5[%swap3A_1080, %swap3A_1081] {strides = array<i32>} : memref<8x64xf32, #tpu.memory_space<vmem>>, vector<1x16xf32>,
    %swap3A_1083 = vector.shape_cast %swap3A_1082 : vector<1x16xf32> to vector<16xf32>
    %swap3A_1084 = vector.shape_cast %select_n3A_1078 : vector<16xf32> to vector<1x16xf32>
    tpu.vector_store %arg5[%swap3A_1080, %swap3A_1081], %swap3A_1084 {strides = array<i32>} : memref<8x64xf32, #tpu.memory_space<vmem>>, vector<1x16xf32>,
    %broadcast_in_dim3A_1085 = arith.constant 6 : i32
    %broadcast_in_dim3A_1086 = vector.broadcast %broadcast_in_dim3A_1085 : i32 to vector<16xi32>
    %eq3A_1087 = arith.cmpi eq, %select_n3A_912, %broadcast_in_dim3A_1086 : vector<16xi32>
    %broadcast_in_dim3A_1088 = arith.constant 6 : i32
    %broadcast_in_dim3A_1089 = vector.broadcast %broadcast_in_dim3A_1088 : i32 to vector<16xi32>
    %eq3A_1090 = arith.cmpi eq, %select_n3A_988, %broadcast_in_dim3A_1089 : vector<16xi32>
    %select_n3A_1091 = arith.select %eq3A_1090, %mul3A_998, %broadcast_in_dim3A_1000 : vector<16xi1>, vector<16xf32>
    %select_n3A_1092 = arith.select %eq3A_1087, %div3A_997, %select_n3A_1091 : vector<16xi1>, vector<16xf32>
    %swap3A_1093 = arith.constant 6 : i32
    %swap3A_1094 = arith.index_cast %swap3A_1093 : i32 to index
    %swap3A_1095 = arith.constant 48 : index
    %swap3A_1096 = tpu.vector_load %arg5[%swap3A_1094, %swap3A_1095] {strides = array<i32>} : memref<8x64xf32, #tpu.memory_space<vmem>>, vector<1x16xf32>,
    %swap3A_1097 = vector.shape_cast %swap3A_1096 : vector<1x16xf32> to vector<16xf32>
    %swap3A_1098 = vector.shape_cast %select_n3A_1092 : vector<16xf32> to vector<1x16xf32>
    tpu.vector_store %arg5[%swap3A_1094, %swap3A_1095], %swap3A_1098 {strides = array<i32>} : memref<8x64xf32, #tpu.memory_space<vmem>>, vector<1x16xf32>,
    %broadcast_in_dim3A_1099 = arith.constant 7 : i32
    %broadcast_in_dim3A_1100 = vector.broadcast %broadcast_in_dim3A_1099 : i32 to vector<16xi32>
    %eq3A_1101 = arith.cmpi eq, %select_n3A_912, %broadcast_in_dim3A_1100 : vector<16xi32>
    %broadcast_in_dim3A_1102 = arith.constant 7 : i32
    %broadcast_in_dim3A_1103 = vector.broadcast %broadcast_in_dim3A_1102 : i32 to vector<16xi32>
    %eq3A_1104 = arith.cmpi eq, %select_n3A_988, %broadcast_in_dim3A_1103 : vector<16xi32>
    %select_n3A_1105 = arith.select %eq3A_1104, %mul3A_998, %broadcast_in_dim3A_1000 : vector<16xi1>, vector<16xf32>
    %select_n3A_1106 = arith.select %eq3A_1101, %div3A_997, %select_n3A_1105 : vector<16xi1>, vector<16xf32>
    %swap3A_1107 = arith.constant 7 : i32
    %swap3A_1108 = arith.index_cast %swap3A_1107 : i32 to index
    %swap3A_1109 = arith.constant 48 : index
    %swap3A_1110 = tpu.vector_load %arg5[%swap3A_1108, %swap3A_1109] {strides = array<i32>} : memref<8x64xf32, #tpu.memory_space<vmem>>, vector<1x16xf32>,
    %swap3A_1111 = vector.shape_cast %swap3A_1110 : vector<1x16xf32> to vector<16xf32>
    %swap3A_1112 = vector.shape_cast %select_n3A_1106 : vector<16xf32> to vector<1x16xf32>
    tpu.vector_store %arg5[%swap3A_1108, %swap3A_1109], %swap3A_1112 {strides = array<i32>} : memref<8x64xf32, #tpu.memory_space<vmem>>, vector<1x16xf32>,
    %run_scoped3A_1113 = arith.constant 0 : i32
    %run_scoped3A_1114 = arith.constant 0 : i32
    "tpu.region"() ({
      %run_scoped3A_1129 = tpu.sem_alloc : memref<!tpu.dma_semaphore, #tpu.memory_space<semaphore_mem>>
      %dma_start3A = arith.constant 0 : i32
      %dma_start3A_1130 = tpu.memref_slice %arg5[%run_scoped3A_1113, %dma_start3A] : memref<8x64xf32, #tpu.memory_space<vmem>> -> memref<1x64xf32, #tpu.memory_space<vmem>>
      %dma_start3A_1131 = tpu.memref_squeeze %dma_start3A_1130 : memref<1x64xf32, #tpu.memory_space<vmem>> -> memref<64xf32, #tpu.memory_space<vmem>>
      %dma_start3A_1132 = tpu.memref_slice %arg3[%run_scoped3A_1114, %mul3A_2] : memref<8x2048xf32, #tpu.memory_space<hbm>> -> memref<1x64xf32, #tpu.memory_space<hbm>>
      %dma_start3A_1133 = tpu.memref_squeeze %dma_start3A_1132 : memref<1x64xf32, #tpu.memory_space<hbm>> -> memref<64xf32, #tpu.memory_space<hbm>>
      %dma_start3A_1134 = tpu.memref_slice %arg3[%run_scoped3A_1114, %mul3A_2] : memref<8x2048xf32, #tpu.memory_space<hbm>> -> memref<1x64xf32, #tpu.memory_space<hbm>>
      %dma_start3A_1135 = tpu.memref_squeeze %dma_start3A_1134 : memref<1x64xf32, #tpu.memory_space<hbm>> -> memref<64xf32, #tpu.memory_space<hbm>>
      %dma_start3A_1136 = arith.constant 0 : i32
      %dma_start3A_1137 = tpu.memref_slice %arg5[%run_scoped3A_1113, %dma_start3A_1136] : memref<8x64xf32, #tpu.memory_space<vmem>> -> memref<1x64xf32, #tpu.memory_space<vmem>>
      %dma_start3A_1138 = tpu.memref_squeeze %dma_start3A_1137 : memref<1x64xf32, #tpu.memory_space<vmem>> -> memref<64xf32, #tpu.memory_space<vmem>>
      tpu.enqueue_dma source(%dma_start3A_1138 : memref<64xf32, #tpu.memory_space<vmem>>) target(%dma_start3A_1135 : memref<64xf32, #tpu.memory_space<hbm>>) target_semaphore(%run_scoped3A_1129 : memref<!tpu.dma_semaphore, #tpu.memory_space<semaphore_mem>>)
      %dma_wait3A = arith.constant 0 : i32
      %dma_wait3A_1139 = tpu.memref_slice %arg5[%run_scoped3A_1113, %dma_wait3A] : memref<8x64xf32, #tpu.memory_space<vmem>> -> memref<1x64xf32, #tpu.memory_space<vmem>>
      %dma_wait3A_1140 = tpu.memref_squeeze %dma_wait3A_1139 : memref<1x64xf32, #tpu.memory_space<vmem>> -> memref<64xf32, #tpu.memory_space<vmem>>
      %dma_wait3A_1141 = tpu.memref_slice %arg3[%run_scoped3A_1114, %mul3A_2] : memref<8x2048xf32, #tpu.memory_space<hbm>> -> memref<1x64xf32, #tpu.memory_space<hbm>>
      %dma_wait3A_1142 = tpu.memref_squeeze %dma_wait3A_1141 : memref<1x64xf32, #tpu.memory_space<hbm>> -> memref<64xf32, #tpu.memory_space<hbm>>
      %dma_wait3A_1143 = tpu.memref_slice %arg3[%run_scoped3A_1114, %mul3A_2] : memref<8x2048xf32, #tpu.memory_space<hbm>> -> memref<1x64xf32, #tpu.memory_space<hbm>>
      %dma_wait3A_1144 = tpu.memref_squeeze %dma_wait3A_1143 : memref<1x64xf32, #tpu.memory_space<hbm>> -> memref<64xf32, #tpu.memory_space<hbm>>
      %dma_wait3A_1145 = arith.constant 0 : i32
      %dma_wait3A_1146 = tpu.memref_slice %arg5[%run_scoped3A_1113, %dma_wait3A_1145] : memref<8x64xf32, #tpu.memory_space<vmem>> -> memref<1x64xf32, #tpu.memory_space<vmem>>
      %dma_wait3A_1147 = tpu.memref_squeeze %dma_wait3A_1146 : memref<1x64xf32, #tpu.memory_space<vmem>> -> memref<64xf32, #tpu.memory_space<vmem>>
      tpu.wait_dma2 semaphore(%run_scoped3A_1129 : memref<!tpu.dma_semaphore, #tpu.memory_space<semaphore_mem>>) src(%dma_wait3A_1147 : memref<64xf32, #tpu.memory_space<vmem>>) dst(%dma_wait3A_1144 : memref<64xf32, #tpu.memory_space<hbm>>)
      tpu.yield
    }) : () -> ()
    %run_scoped3A_1115 = arith.constant 1 : i32
    %run_scoped3A_1116 = arith.constant 1 : i32
    "tpu.region"() ({
      %run_scoped3A_1129 = tpu.sem_alloc : memref<!tpu.dma_semaphore, #tpu.memory_space<semaphore_mem>>
      %dma_start3A = arith.constant 0 : i32
      %dma_start3A_1130 = tpu.memref_slice %arg5[%run_scoped3A_1115, %dma_start3A] : memref<8x64xf32, #tpu.memory_space<vmem>> -> memref<1x64xf32, #tpu.memory_space<vmem>>
      %dma_start3A_1131 = tpu.memref_squeeze %dma_start3A_1130 : memref<1x64xf32, #tpu.memory_space<vmem>> -> memref<64xf32, #tpu.memory_space<vmem>>
      %dma_start3A_1132 = tpu.memref_slice %arg3[%run_scoped3A_1116, %mul3A_2] : memref<8x2048xf32, #tpu.memory_space<hbm>> -> memref<1x64xf32, #tpu.memory_space<hbm>>
      %dma_start3A_1133 = tpu.memref_squeeze %dma_start3A_1132 : memref<1x64xf32, #tpu.memory_space<hbm>> -> memref<64xf32, #tpu.memory_space<hbm>>
      %dma_start3A_1134 = tpu.memref_slice %arg3[%run_scoped3A_1116, %mul3A_2] : memref<8x2048xf32, #tpu.memory_space<hbm>> -> memref<1x64xf32, #tpu.memory_space<hbm>>
      %dma_start3A_1135 = tpu.memref_squeeze %dma_start3A_1134 : memref<1x64xf32, #tpu.memory_space<hbm>> -> memref<64xf32, #tpu.memory_space<hbm>>
      %dma_start3A_1136 = arith.constant 0 : i32
      %dma_start3A_1137 = tpu.memref_slice %arg5[%run_scoped3A_1115, %dma_start3A_1136] : memref<8x64xf32, #tpu.memory_space<vmem>> -> memref<1x64xf32, #tpu.memory_space<vmem>>
      %dma_start3A_1138 = tpu.memref_squeeze %dma_start3A_1137 : memref<1x64xf32, #tpu.memory_space<vmem>> -> memref<64xf32, #tpu.memory_space<vmem>>
      tpu.enqueue_dma source(%dma_start3A_1138 : memref<64xf32, #tpu.memory_space<vmem>>) target(%dma_start3A_1135 : memref<64xf32, #tpu.memory_space<hbm>>) target_semaphore(%run_scoped3A_1129 : memref<!tpu.dma_semaphore, #tpu.memory_space<semaphore_mem>>)
      %dma_wait3A = arith.constant 0 : i32
      %dma_wait3A_1139 = tpu.memref_slice %arg5[%run_scoped3A_1115, %dma_wait3A] : memref<8x64xf32, #tpu.memory_space<vmem>> -> memref<1x64xf32, #tpu.memory_space<vmem>>
      %dma_wait3A_1140 = tpu.memref_squeeze %dma_wait3A_1139 : memref<1x64xf32, #tpu.memory_space<vmem>> -> memref<64xf32, #tpu.memory_space<vmem>>
      %dma_wait3A_1141 = tpu.memref_slice %arg3[%run_scoped3A_1116, %mul3A_2] : memref<8x2048xf32, #tpu.memory_space<hbm>> -> memref<1x64xf32, #tpu.memory_space<hbm>>
      %dma_wait3A_1142 = tpu.memref_squeeze %dma_wait3A_1141 : memref<1x64xf32, #tpu.memory_space<hbm>> -> memref<64xf32, #tpu.memory_space<hbm>>
      %dma_wait3A_1143 = tpu.memref_slice %arg3[%run_scoped3A_1116, %mul3A_2] : memref<8x2048xf32, #tpu.memory_space<hbm>> -> memref<1x64xf32, #tpu.memory_space<hbm>>
      %dma_wait3A_1144 = tpu.memref_squeeze %dma_wait3A_1143 : memref<1x64xf32, #tpu.memory_space<hbm>> -> memref<64xf32, #tpu.memory_space<hbm>>
      %dma_wait3A_1145 = arith.constant 0 : i32
      %dma_wait3A_1146 = tpu.memref_slice %arg5[%run_scoped3A_1115, %dma_wait3A_1145] : memref<8x64xf32, #tpu.memory_space<vmem>> -> memref<1x64xf32, #tpu.memory_space<vmem>>
      %dma_wait3A_1147 = tpu.memref_squeeze %dma_wait3A_1146 : memref<1x64xf32, #tpu.memory_space<vmem>> -> memref<64xf32, #tpu.memory_space<vmem>>
      tpu.wait_dma2 semaphore(%run_scoped3A_1129 : memref<!tpu.dma_semaphore, #tpu.memory_space<semaphore_mem>>) src(%dma_wait3A_1147 : memref<64xf32, #tpu.memory_space<vmem>>) dst(%dma_wait3A_1144 : memref<64xf32, #tpu.memory_space<hbm>>)
      tpu.yield
    }) : () -> ()
    %run_scoped3A_1117 = arith.constant 2 : i32
    %run_scoped3A_1118 = arith.constant 2 : i32
    "tpu.region"() ({
      %run_scoped3A_1129 = tpu.sem_alloc : memref<!tpu.dma_semaphore, #tpu.memory_space<semaphore_mem>>
      %dma_start3A = arith.constant 0 : i32
      %dma_start3A_1130 = tpu.memref_slice %arg5[%run_scoped3A_1117, %dma_start3A] : memref<8x64xf32, #tpu.memory_space<vmem>> -> memref<1x64xf32, #tpu.memory_space<vmem>>
      %dma_start3A_1131 = tpu.memref_squeeze %dma_start3A_1130 : memref<1x64xf32, #tpu.memory_space<vmem>> -> memref<64xf32, #tpu.memory_space<vmem>>
      %dma_start3A_1132 = tpu.memref_slice %arg3[%run_scoped3A_1118, %mul3A_2] : memref<8x2048xf32, #tpu.memory_space<hbm>> -> memref<1x64xf32, #tpu.memory_space<hbm>>
      %dma_start3A_1133 = tpu.memref_squeeze %dma_start3A_1132 : memref<1x64xf32, #tpu.memory_space<hbm>> -> memref<64xf32, #tpu.memory_space<hbm>>
      %dma_start3A_1134 = tpu.memref_slice %arg3[%run_scoped3A_1118, %mul3A_2] : memref<8x2048xf32, #tpu.memory_space<hbm>> -> memref<1x64xf32, #tpu.memory_space<hbm>>
      %dma_start3A_1135 = tpu.memref_squeeze %dma_start3A_1134 : memref<1x64xf32, #tpu.memory_space<hbm>> -> memref<64xf32, #tpu.memory_space<hbm>>
      %dma_start3A_1136 = arith.constant 0 : i32
      %dma_start3A_1137 = tpu.memref_slice %arg5[%run_scoped3A_1117, %dma_start3A_1136] : memref<8x64xf32, #tpu.memory_space<vmem>> -> memref<1x64xf32, #tpu.memory_space<vmem>>
      %dma_start3A_1138 = tpu.memref_squeeze %dma_start3A_1137 : memref<1x64xf32, #tpu.memory_space<vmem>> -> memref<64xf32, #tpu.memory_space<vmem>>
      tpu.enqueue_dma source(%dma_start3A_1138 : memref<64xf32, #tpu.memory_space<vmem>>) target(%dma_start3A_1135 : memref<64xf32, #tpu.memory_space<hbm>>) target_semaphore(%run_scoped3A_1129 : memref<!tpu.dma_semaphore, #tpu.memory_space<semaphore_mem>>)
      %dma_wait3A = arith.constant 0 : i32
      %dma_wait3A_1139 = tpu.memref_slice %arg5[%run_scoped3A_1117, %dma_wait3A] : memref<8x64xf32, #tpu.memory_space<vmem>> -> memref<1x64xf32, #tpu.memory_space<vmem>>
      %dma_wait3A_1140 = tpu.memref_squeeze %dma_wait3A_1139 : memref<1x64xf32, #tpu.memory_space<vmem>> -> memref<64xf32, #tpu.memory_space<vmem>>
      %dma_wait3A_1141 = tpu.memref_slice %arg3[%run_scoped3A_1118, %mul3A_2] : memref<8x2048xf32, #tpu.memory_space<hbm>> -> memref<1x64xf32, #tpu.memory_space<hbm>>
      %dma_wait3A_1142 = tpu.memref_squeeze %dma_wait3A_1141 : memref<1x64xf32, #tpu.memory_space<hbm>> -> memref<64xf32, #tpu.memory_space<hbm>>
      %dma_wait3A_1143 = tpu.memref_slice %arg3[%run_scoped3A_1118, %mul3A_2] : memref<8x2048xf32, #tpu.memory_space<hbm>> -> memref<1x64xf32, #tpu.memory_space<hbm>>
      %dma_wait3A_1144 = tpu.memref_squeeze %dma_wait3A_1143 : memref<1x64xf32, #tpu.memory_space<hbm>> -> memref<64xf32, #tpu.memory_space<hbm>>
      %dma_wait3A_1145 = arith.constant 0 : i32
      %dma_wait3A_1146 = tpu.memref_slice %arg5[%run_scoped3A_1117, %dma_wait3A_1145] : memref<8x64xf32, #tpu.memory_space<vmem>> -> memref<1x64xf32, #tpu.memory_space<vmem>>
      %dma_wait3A_1147 = tpu.memref_squeeze %dma_wait3A_1146 : memref<1x64xf32, #tpu.memory_space<vmem>> -> memref<64xf32, #tpu.memory_space<vmem>>
      tpu.wait_dma2 semaphore(%run_scoped3A_1129 : memref<!tpu.dma_semaphore, #tpu.memory_space<semaphore_mem>>) src(%dma_wait3A_1147 : memref<64xf32, #tpu.memory_space<vmem>>) dst(%dma_wait3A_1144 : memref<64xf32, #tpu.memory_space<hbm>>)
      tpu.yield
    }) : () -> ()
    %run_scoped3A_1119 = arith.constant 3 : i32
    %run_scoped3A_1120 = arith.constant 3 : i32
    "tpu.region"() ({
      %run_scoped3A_1129 = tpu.sem_alloc : memref<!tpu.dma_semaphore, #tpu.memory_space<semaphore_mem>>
      %dma_start3A = arith.constant 0 : i32
      %dma_start3A_1130 = tpu.memref_slice %arg5[%run_scoped3A_1119, %dma_start3A] : memref<8x64xf32, #tpu.memory_space<vmem>> -> memref<1x64xf32, #tpu.memory_space<vmem>>
      %dma_start3A_1131 = tpu.memref_squeeze %dma_start3A_1130 : memref<1x64xf32, #tpu.memory_space<vmem>> -> memref<64xf32, #tpu.memory_space<vmem>>
      %dma_start3A_1132 = tpu.memref_slice %arg3[%run_scoped3A_1120, %mul3A_2] : memref<8x2048xf32, #tpu.memory_space<hbm>> -> memref<1x64xf32, #tpu.memory_space<hbm>>
      %dma_start3A_1133 = tpu.memref_squeeze %dma_start3A_1132 : memref<1x64xf32, #tpu.memory_space<hbm>> -> memref<64xf32, #tpu.memory_space<hbm>>
      %dma_start3A_1134 = tpu.memref_slice %arg3[%run_scoped3A_1120, %mul3A_2] : memref<8x2048xf32, #tpu.memory_space<hbm>> -> memref<1x64xf32, #tpu.memory_space<hbm>>
      %dma_start3A_1135 = tpu.memref_squeeze %dma_start3A_1134 : memref<1x64xf32, #tpu.memory_space<hbm>> -> memref<64xf32, #tpu.memory_space<hbm>>
      %dma_start3A_1136 = arith.constant 0 : i32
      %dma_start3A_1137 = tpu.memref_slice %arg5[%run_scoped3A_1119, %dma_start3A_1136] : memref<8x64xf32, #tpu.memory_space<vmem>> -> memref<1x64xf32, #tpu.memory_space<vmem>>
      %dma_start3A_1138 = tpu.memref_squeeze %dma_start3A_1137 : memref<1x64xf32, #tpu.memory_space<vmem>> -> memref<64xf32, #tpu.memory_space<vmem>>
      tpu.enqueue_dma source(%dma_start3A_1138 : memref<64xf32, #tpu.memory_space<vmem>>) target(%dma_start3A_1135 : memref<64xf32, #tpu.memory_space<hbm>>) target_semaphore(%run_scoped3A_1129 : memref<!tpu.dma_semaphore, #tpu.memory_space<semaphore_mem>>)
      %dma_wait3A = arith.constant 0 : i32
      %dma_wait3A_1139 = tpu.memref_slice %arg5[%run_scoped3A_1119, %dma_wait3A] : memref<8x64xf32, #tpu.memory_space<vmem>> -> memref<1x64xf32, #tpu.memory_space<vmem>>
      %dma_wait3A_1140 = tpu.memref_squeeze %dma_wait3A_1139 : memref<1x64xf32, #tpu.memory_space<vmem>> -> memref<64xf32, #tpu.memory_space<vmem>>
      %dma_wait3A_1141 = tpu.memref_slice %arg3[%run_scoped3A_1120, %mul3A_2] : memref<8x2048xf32, #tpu.memory_space<hbm>> -> memref<1x64xf32, #tpu.memory_space<hbm>>
      %dma_wait3A_1142 = tpu.memref_squeeze %dma_wait3A_1141 : memref<1x64xf32, #tpu.memory_space<hbm>> -> memref<64xf32, #tpu.memory_space<hbm>>
      %dma_wait3A_1143 = tpu.memref_slice %arg3[%run_scoped3A_1120, %mul3A_2] : memref<8x2048xf32, #tpu.memory_space<hbm>> -> memref<1x64xf32, #tpu.memory_space<hbm>>
      %dma_wait3A_1144 = tpu.memref_squeeze %dma_wait3A_1143 : memref<1x64xf32, #tpu.memory_space<hbm>> -> memref<64xf32, #tpu.memory_space<hbm>>
      %dma_wait3A_1145 = arith.constant 0 : i32
      %dma_wait3A_1146 = tpu.memref_slice %arg5[%run_scoped3A_1119, %dma_wait3A_1145] : memref<8x64xf32, #tpu.memory_space<vmem>> -> memref<1x64xf32, #tpu.memory_space<vmem>>
      %dma_wait3A_1147 = tpu.memref_squeeze %dma_wait3A_1146 : memref<1x64xf32, #tpu.memory_space<vmem>> -> memref<64xf32, #tpu.memory_space<vmem>>
      tpu.wait_dma2 semaphore(%run_scoped3A_1129 : memref<!tpu.dma_semaphore, #tpu.memory_space<semaphore_mem>>) src(%dma_wait3A_1147 : memref<64xf32, #tpu.memory_space<vmem>>) dst(%dma_wait3A_1144 : memref<64xf32, #tpu.memory_space<hbm>>)
      tpu.yield
    }) : () -> ()
    %run_scoped3A_1121 = arith.constant 4 : i32
    %run_scoped3A_1122 = arith.constant 4 : i32
    "tpu.region"() ({
      %run_scoped3A_1129 = tpu.sem_alloc : memref<!tpu.dma_semaphore, #tpu.memory_space<semaphore_mem>>
      %dma_start3A = arith.constant 0 : i32
      %dma_start3A_1130 = tpu.memref_slice %arg5[%run_scoped3A_1121, %dma_start3A] : memref<8x64xf32, #tpu.memory_space<vmem>> -> memref<1x64xf32, #tpu.memory_space<vmem>>
      %dma_start3A_1131 = tpu.memref_squeeze %dma_start3A_1130 : memref<1x64xf32, #tpu.memory_space<vmem>> -> memref<64xf32, #tpu.memory_space<vmem>>
      %dma_start3A_1132 = tpu.memref_slice %arg3[%run_scoped3A_1122, %mul3A_2] : memref<8x2048xf32, #tpu.memory_space<hbm>> -> memref<1x64xf32, #tpu.memory_space<hbm>>
      %dma_start3A_1133 = tpu.memref_squeeze %dma_start3A_1132 : memref<1x64xf32, #tpu.memory_space<hbm>> -> memref<64xf32, #tpu.memory_space<hbm>>
      %dma_start3A_1134 = tpu.memref_slice %arg3[%run_scoped3A_1122, %mul3A_2] : memref<8x2048xf32, #tpu.memory_space<hbm>> -> memref<1x64xf32, #tpu.memory_space<hbm>>
      %dma_start3A_1135 = tpu.memref_squeeze %dma_start3A_1134 : memref<1x64xf32, #tpu.memory_space<hbm>> -> memref<64xf32, #tpu.memory_space<hbm>>
      %dma_start3A_1136 = arith.constant 0 : i32
      %dma_start3A_1137 = tpu.memref_slice %arg5[%run_scoped3A_1121, %dma_start3A_1136] : memref<8x64xf32, #tpu.memory_space<vmem>> -> memref<1x64xf32, #tpu.memory_space<vmem>>
      %dma_start3A_1138 = tpu.memref_squeeze %dma_start3A_1137 : memref<1x64xf32, #tpu.memory_space<vmem>> -> memref<64xf32, #tpu.memory_space<vmem>>
      tpu.enqueue_dma source(%dma_start3A_1138 : memref<64xf32, #tpu.memory_space<vmem>>) target(%dma_start3A_1135 : memref<64xf32, #tpu.memory_space<hbm>>) target_semaphore(%run_scoped3A_1129 : memref<!tpu.dma_semaphore, #tpu.memory_space<semaphore_mem>>)
      %dma_wait3A = arith.constant 0 : i32
      %dma_wait3A_1139 = tpu.memref_slice %arg5[%run_scoped3A_1121, %dma_wait3A] : memref<8x64xf32, #tpu.memory_space<vmem>> -> memref<1x64xf32, #tpu.memory_space<vmem>>
      %dma_wait3A_1140 = tpu.memref_squeeze %dma_wait3A_1139 : memref<1x64xf32, #tpu.memory_space<vmem>> -> memref<64xf32, #tpu.memory_space<vmem>>
      %dma_wait3A_1141 = tpu.memref_slice %arg3[%run_scoped3A_1122, %mul3A_2] : memref<8x2048xf32, #tpu.memory_space<hbm>> -> memref<1x64xf32, #tpu.memory_space<hbm>>
      %dma_wait3A_1142 = tpu.memref_squeeze %dma_wait3A_1141 : memref<1x64xf32, #tpu.memory_space<hbm>> -> memref<64xf32, #tpu.memory_space<hbm>>
      %dma_wait3A_1143 = tpu.memref_slice %arg3[%run_scoped3A_1122, %mul3A_2] : memref<8x2048xf32, #tpu.memory_space<hbm>> -> memref<1x64xf32, #tpu.memory_space<hbm>>
      %dma_wait3A_1144 = tpu.memref_squeeze %dma_wait3A_1143 : memref<1x64xf32, #tpu.memory_space<hbm>> -> memref<64xf32, #tpu.memory_space<hbm>>
      %dma_wait3A_1145 = arith.constant 0 : i32
      %dma_wait3A_1146 = tpu.memref_slice %arg5[%run_scoped3A_1121, %dma_wait3A_1145] : memref<8x64xf32, #tpu.memory_space<vmem>> -> memref<1x64xf32, #tpu.memory_space<vmem>>
      %dma_wait3A_1147 = tpu.memref_squeeze %dma_wait3A_1146 : memref<1x64xf32, #tpu.memory_space<vmem>> -> memref<64xf32, #tpu.memory_space<vmem>>
      tpu.wait_dma2 semaphore(%run_scoped3A_1129 : memref<!tpu.dma_semaphore, #tpu.memory_space<semaphore_mem>>) src(%dma_wait3A_1147 : memref<64xf32, #tpu.memory_space<vmem>>) dst(%dma_wait3A_1144 : memref<64xf32, #tpu.memory_space<hbm>>)
      tpu.yield
    }) : () -> ()
    %run_scoped3A_1123 = arith.constant 5 : i32
    %run_scoped3A_1124 = arith.constant 5 : i32
    "tpu.region"() ({
      %run_scoped3A_1129 = tpu.sem_alloc : memref<!tpu.dma_semaphore, #tpu.memory_space<semaphore_mem>>
      %dma_start3A = arith.constant 0 : i32
      %dma_start3A_1130 = tpu.memref_slice %arg5[%run_scoped3A_1123, %dma_start3A] : memref<8x64xf32, #tpu.memory_space<vmem>> -> memref<1x64xf32, #tpu.memory_space<vmem>>
      %dma_start3A_1131 = tpu.memref_squeeze %dma_start3A_1130 : memref<1x64xf32, #tpu.memory_space<vmem>> -> memref<64xf32, #tpu.memory_space<vmem>>
      %dma_start3A_1132 = tpu.memref_slice %arg3[%run_scoped3A_1124, %mul3A_2] : memref<8x2048xf32, #tpu.memory_space<hbm>> -> memref<1x64xf32, #tpu.memory_space<hbm>>
      %dma_start3A_1133 = tpu.memref_squeeze %dma_start3A_1132 : memref<1x64xf32, #tpu.memory_space<hbm>> -> memref<64xf32, #tpu.memory_space<hbm>>
      %dma_start3A_1134 = tpu.memref_slice %arg3[%run_scoped3A_1124, %mul3A_2] : memref<8x2048xf32, #tpu.memory_space<hbm>> -> memref<1x64xf32, #tpu.memory_space<hbm>>
      %dma_start3A_1135 = tpu.memref_squeeze %dma_start3A_1134 : memref<1x64xf32, #tpu.memory_space<hbm>> -> memref<64xf32, #tpu.memory_space<hbm>>
      %dma_start3A_1136 = arith.constant 0 : i32
      %dma_start3A_1137 = tpu.memref_slice %arg5[%run_scoped3A_1123, %dma_start3A_1136] : memref<8x64xf32, #tpu.memory_space<vmem>> -> memref<1x64xf32, #tpu.memory_space<vmem>>
      %dma_start3A_1138 = tpu.memref_squeeze %dma_start3A_1137 : memref<1x64xf32, #tpu.memory_space<vmem>> -> memref<64xf32, #tpu.memory_space<vmem>>
      tpu.enqueue_dma source(%dma_start3A_1138 : memref<64xf32, #tpu.memory_space<vmem>>) target(%dma_start3A_1135 : memref<64xf32, #tpu.memory_space<hbm>>) target_semaphore(%run_scoped3A_1129 : memref<!tpu.dma_semaphore, #tpu.memory_space<semaphore_mem>>)
      %dma_wait3A = arith.constant 0 : i32
      %dma_wait3A_1139 = tpu.memref_slice %arg5[%run_scoped3A_1123, %dma_wait3A] : memref<8x64xf32, #tpu.memory_space<vmem>> -> memref<1x64xf32, #tpu.memory_space<vmem>>
      %dma_wait3A_1140 = tpu.memref_squeeze %dma_wait3A_1139 : memref<1x64xf32, #tpu.memory_space<vmem>> -> memref<64xf32, #tpu.memory_space<vmem>>
      %dma_wait3A_1141 = tpu.memref_slice %arg3[%run_scoped3A_1124, %mul3A_2] : memref<8x2048xf32, #tpu.memory_space<hbm>> -> memref<1x64xf32, #tpu.memory_space<hbm>>
      %dma_wait3A_1142 = tpu.memref_squeeze %dma_wait3A_1141 : memref<1x64xf32, #tpu.memory_space<hbm>> -> memref<64xf32, #tpu.memory_space<hbm>>
      %dma_wait3A_1143 = tpu.memref_slice %arg3[%run_scoped3A_1124, %mul3A_2] : memref<8x2048xf32, #tpu.memory_space<hbm>> -> memref<1x64xf32, #tpu.memory_space<hbm>>
      %dma_wait3A_1144 = tpu.memref_squeeze %dma_wait3A_1143 : memref<1x64xf32, #tpu.memory_space<hbm>> -> memref<64xf32, #tpu.memory_space<hbm>>
      %dma_wait3A_1145 = arith.constant 0 : i32
      %dma_wait3A_1146 = tpu.memref_slice %arg5[%run_scoped3A_1123, %dma_wait3A_1145] : memref<8x64xf32, #tpu.memory_space<vmem>> -> memref<1x64xf32, #tpu.memory_space<vmem>>
      %dma_wait3A_1147 = tpu.memref_squeeze %dma_wait3A_1146 : memref<1x64xf32, #tpu.memory_space<vmem>> -> memref<64xf32, #tpu.memory_space<vmem>>
      tpu.wait_dma2 semaphore(%run_scoped3A_1129 : memref<!tpu.dma_semaphore, #tpu.memory_space<semaphore_mem>>) src(%dma_wait3A_1147 : memref<64xf32, #tpu.memory_space<vmem>>) dst(%dma_wait3A_1144 : memref<64xf32, #tpu.memory_space<hbm>>)
      tpu.yield
    }) : () -> ()
    %run_scoped3A_1125 = arith.constant 6 : i32
    %run_scoped3A_1126 = arith.constant 6 : i32
    "tpu.region"() ({
      %run_scoped3A_1129 = tpu.sem_alloc : memref<!tpu.dma_semaphore, #tpu.memory_space<semaphore_mem>>
      %dma_start3A = arith.constant 0 : i32
      %dma_start3A_1130 = tpu.memref_slice %arg5[%run_scoped3A_1125, %dma_start3A] : memref<8x64xf32, #tpu.memory_space<vmem>> -> memref<1x64xf32, #tpu.memory_space<vmem>>
      %dma_start3A_1131 = tpu.memref_squeeze %dma_start3A_1130 : memref<1x64xf32, #tpu.memory_space<vmem>> -> memref<64xf32, #tpu.memory_space<vmem>>
      %dma_start3A_1132 = tpu.memref_slice %arg3[%run_scoped3A_1126, %mul3A_2] : memref<8x2048xf32, #tpu.memory_space<hbm>> -> memref<1x64xf32, #tpu.memory_space<hbm>>
      %dma_start3A_1133 = tpu.memref_squeeze %dma_start3A_1132 : memref<1x64xf32, #tpu.memory_space<hbm>> -> memref<64xf32, #tpu.memory_space<hbm>>
      %dma_start3A_1134 = tpu.memref_slice %arg3[%run_scoped3A_1126, %mul3A_2] : memref<8x2048xf32, #tpu.memory_space<hbm>> -> memref<1x64xf32, #tpu.memory_space<hbm>>
      %dma_start3A_1135 = tpu.memref_squeeze %dma_start3A_1134 : memref<1x64xf32, #tpu.memory_space<hbm>> -> memref<64xf32, #tpu.memory_space<hbm>>
      %dma_start3A_1136 = arith.constant 0 : i32
      %dma_start3A_1137 = tpu.memref_slice %arg5[%run_scoped3A_1125, %dma_start3A_1136] : memref<8x64xf32, #tpu.memory_space<vmem>> -> memref<1x64xf32, #tpu.memory_space<vmem>>
      %dma_start3A_1138 = tpu.memref_squeeze %dma_start3A_1137 : memref<1x64xf32, #tpu.memory_space<vmem>> -> memref<64xf32, #tpu.memory_space<vmem>>
      tpu.enqueue_dma source(%dma_start3A_1138 : memref<64xf32, #tpu.memory_space<vmem>>) target(%dma_start3A_1135 : memref<64xf32, #tpu.memory_space<hbm>>) target_semaphore(%run_scoped3A_1129 : memref<!tpu.dma_semaphore, #tpu.memory_space<semaphore_mem>>)
      %dma_wait3A = arith.constant 0 : i32
      %dma_wait3A_1139 = tpu.memref_slice %arg5[%run_scoped3A_1125, %dma_wait3A] : memref<8x64xf32, #tpu.memory_space<vmem>> -> memref<1x64xf32, #tpu.memory_space<vmem>>
      %dma_wait3A_1140 = tpu.memref_squeeze %dma_wait3A_1139 : memref<1x64xf32, #tpu.memory_space<vmem>> -> memref<64xf32, #tpu.memory_space<vmem>>
      %dma_wait3A_1141 = tpu.memref_slice %arg3[%run_scoped3A_1126, %mul3A_2] : memref<8x2048xf32, #tpu.memory_space<hbm>> -> memref<1x64xf32, #tpu.memory_space<hbm>>
      %dma_wait3A_1142 = tpu.memref_squeeze %dma_wait3A_1141 : memref<1x64xf32, #tpu.memory_space<hbm>> -> memref<64xf32, #tpu.memory_space<hbm>>
      %dma_wait3A_1143 = tpu.memref_slice %arg3[%run_scoped3A_1126, %mul3A_2] : memref<8x2048xf32, #tpu.memory_space<hbm>> -> memref<1x64xf32, #tpu.memory_space<hbm>>
      %dma_wait3A_1144 = tpu.memref_squeeze %dma_wait3A_1143 : memref<1x64xf32, #tpu.memory_space<hbm>> -> memref<64xf32, #tpu.memory_space<hbm>>
      %dma_wait3A_1145 = arith.constant 0 : i32
      %dma_wait3A_1146 = tpu.memref_slice %arg5[%run_scoped3A_1125, %dma_wait3A_1145] : memref<8x64xf32, #tpu.memory_space<vmem>> -> memref<1x64xf32, #tpu.memory_space<vmem>>
      %dma_wait3A_1147 = tpu.memref_squeeze %dma_wait3A_1146 : memref<1x64xf32, #tpu.memory_space<vmem>> -> memref<64xf32, #tpu.memory_space<vmem>>
      tpu.wait_dma2 semaphore(%run_scoped3A_1129 : memref<!tpu.dma_semaphore, #tpu.memory_space<semaphore_mem>>) src(%dma_wait3A_1147 : memref<64xf32, #tpu.memory_space<vmem>>) dst(%dma_wait3A_1144 : memref<64xf32, #tpu.memory_space<hbm>>)
      tpu.yield
    }) : () -> ()
    %run_scoped3A_1127 = arith.constant 7 : i32
    %run_scoped3A_1128 = arith.constant 7 : i32
    "tpu.region"() ({
      %run_scoped3A_1129 = tpu.sem_alloc : memref<!tpu.dma_semaphore, #tpu.memory_space<semaphore_mem>>
      %dma_start3A = arith.constant 0 : i32
      %dma_start3A_1130 = tpu.memref_slice %arg5[%run_scoped3A_1127, %dma_start3A] : memref<8x64xf32, #tpu.memory_space<vmem>> -> memref<1x64xf32, #tpu.memory_space<vmem>>
      %dma_start3A_1131 = tpu.memref_squeeze %dma_start3A_1130 : memref<1x64xf32, #tpu.memory_space<vmem>> -> memref<64xf32, #tpu.memory_space<vmem>>
      %dma_start3A_1132 = tpu.memref_slice %arg3[%run_scoped3A_1128, %mul3A_2] : memref<8x2048xf32, #tpu.memory_space<hbm>> -> memref<1x64xf32, #tpu.memory_space<hbm>>
      %dma_start3A_1133 = tpu.memref_squeeze %dma_start3A_1132 : memref<1x64xf32, #tpu.memory_space<hbm>> -> memref<64xf32, #tpu.memory_space<hbm>>
      %dma_start3A_1134 = tpu.memref_slice %arg3[%run_scoped3A_1128, %mul3A_2] : memref<8x2048xf32, #tpu.memory_space<hbm>> -> memref<1x64xf32, #tpu.memory_space<hbm>>
      %dma_start3A_1135 = tpu.memref_squeeze %dma_start3A_1134 : memref<1x64xf32, #tpu.memory_space<hbm>> -> memref<64xf32, #tpu.memory_space<hbm>>
      %dma_start3A_1136 = arith.constant 0 : i32
      %dma_start3A_1137 = tpu.memref_slice %arg5[%run_scoped3A_1127, %dma_start3A_1136] : memref<8x64xf32, #tpu.memory_space<vmem>> -> memref<1x64xf32, #tpu.memory_space<vmem>>
      %dma_start3A_1138 = tpu.memref_squeeze %dma_start3A_1137 : memref<1x64xf32, #tpu.memory_space<vmem>> -> memref<64xf32, #tpu.memory_space<vmem>>
      tpu.enqueue_dma source(%dma_start3A_1138 : memref<64xf32, #tpu.memory_space<vmem>>) target(%dma_start3A_1135 : memref<64xf32, #tpu.memory_space<hbm>>) target_semaphore(%run_scoped3A_1129 : memref<!tpu.dma_semaphore, #tpu.memory_space<semaphore_mem>>)
      %dma_wait3A = arith.constant 0 : i32
      %dma_wait3A_1139 = tpu.memref_slice %arg5[%run_scoped3A_1127, %dma_wait3A] : memref<8x64xf32, #tpu.memory_space<vmem>> -> memref<1x64xf32, #tpu.memory_space<vmem>>
      %dma_wait3A_1140 = tpu.memref_squeeze %dma_wait3A_1139 : memref<1x64xf32, #tpu.memory_space<vmem>> -> memref<64xf32, #tpu.memory_space<vmem>>
      %dma_wait3A_1141 = tpu.memref_slice %arg3[%run_scoped3A_1128, %mul3A_2] : memref<8x2048xf32, #tpu.memory_space<hbm>> -> memref<1x64xf32, #tpu.memory_space<hbm>>
      %dma_wait3A_1142 = tpu.memref_squeeze %dma_wait3A_1141 : memref<1x64xf32, #tpu.memory_space<hbm>> -> memref<64xf32, #tpu.memory_space<hbm>>
      %dma_wait3A_1143 = tpu.memref_slice %arg3[%run_scoped3A_1128, %mul3A_2] : memref<8x2048xf32, #tpu.memory_space<hbm>> -> memref<1x64xf32, #tpu.memory_space<hbm>>
      %dma_wait3A_1144 = tpu.memref_squeeze %dma_wait3A_1143 : memref<1x64xf32, #tpu.memory_space<hbm>> -> memref<64xf32, #tpu.memory_space<hbm>>
      %dma_wait3A_1145 = arith.constant 0 : i32
      %dma_wait3A_1146 = tpu.memref_slice %arg5[%run_scoped3A_1127, %dma_wait3A_1145] : memref<8x64xf32, #tpu.memory_space<vmem>> -> memref<1x64xf32, #tpu.memory_space<vmem>>
      %dma_wait3A_1147 = tpu.memref_squeeze %dma_wait3A_1146 : memref<1x64xf32, #tpu.memory_space<vmem>> -> memref<64xf32, #tpu.memory_space<vmem>>
      tpu.wait_dma2 semaphore(%run_scoped3A_1129 : memref<!tpu.dma_semaphore, #tpu.memory_space<semaphore_mem>>) src(%dma_wait3A_1147 : memref<64xf32, #tpu.memory_space<vmem>>) dst(%dma_wait3A_1144 : memref<64xf32, #tpu.memory_space<hbm>>)
      tpu.yield
    }) : () -> ()
    return
  }
}

module attributes {stable_mosaic.version = 14 : i64} {
  func.func @_gate_kernel(%arg0: i32, %arg1: memref<512x2048xf32, #tpu.memory_space<vmem>>, %arg2: memref<2048x1024xf32, #tpu.memory_space<vmem>>, %arg3: memref<1x1024xf32, #tpu.memory_space<vmem>>, %arg4: memref<1024x8xf32, #tpu.memory_space<vmem>>, %arg5: memref<1x8xf32, #tpu.memory_space<vmem>>, %arg6: memref<2048x64xf32, #tpu.memory_space<vmem>>, %arg7: memref<1x64xf32, #tpu.memory_space<vmem>>, %arg8: memref<1x64xf32, #tpu.memory_space<vmem>>, %arg9: memref<8x512xf32, #tpu.memory_space<vmem>>, %arg10: memref<512x64xf32, #tpu.memory_space<vmem>>) attributes {dimension_semantics = [#tpu.dimension_semantics<arbitrary>], iteration_bounds = array<i64: 4>, scalar_prefetch = 0 : i64, scratch_operands = 0 : i64, tpu.core_type = #tpu.core_type<tc>, window_params = [{transform_indices = @transform_0, window_bounds = array<i64: 512, 2048>}, {pipeline_mode = #tpu.pipeline_mode<synchronous>, transform_indices = @transform_1, window_bounds = array<i64: 2048, 1024>}, {pipeline_mode = #tpu.pipeline_mode<synchronous>, transform_indices = @transform_2, window_bounds = array<i64: 1, 1024>}, {pipeline_mode = #tpu.pipeline_mode<synchronous>, transform_indices = @transform_3, window_bounds = array<i64: 1024, 8>}, {pipeline_mode = #tpu.pipeline_mode<synchronous>, transform_indices = @transform_4, window_bounds = array<i64: 1, 8>}, {pipeline_mode = #tpu.pipeline_mode<synchronous>, transform_indices = @transform_5, window_bounds = array<i64: 2048, 64>}, {pipeline_mode = #tpu.pipeline_mode<synchronous>, transform_indices = @transform_6, window_bounds = array<i64: 1, 64>}, {pipeline_mode = #tpu.pipeline_mode<synchronous>, transform_indices = @transform_7, window_bounds = array<i64: 1, 64>}, {transform_indices = @transform_8, window_bounds = array<i64: 8, 512>}, {transform_indices = @transform_9, window_bounds = array<i64: 512, 64>}]} {
    %get3A = arith.constant 0 : index
    %get3A_0 = arith.constant 0 : index
    %get3A_1 = vector.load %arg1[%get3A, %get3A_0] : memref<512x2048xf32, #tpu.memory_space<vmem>>, vector<512x2048xf32>
    %get3A_2 = arith.constant 0 : index
    %get3A_3 = arith.constant 0 : index
    %get3A_4 = vector.load %arg2[%get3A_2, %get3A_3] : memref<2048x1024xf32, #tpu.memory_space<vmem>>, vector<2048x1024xf32>
    %dot_general3A = arith.constant dense<0.000000e+00> : vector<512x1024xf32>
    %dot_general3A_5 = tpu.matmul %get3A_1, %get3A_4, %dot_general3A {dimension_numbers = #tpu.dot_dimension_numbers<[1], [0], [0], [1], [0, 0, 1, 1], [], []>, transpose_lhs_hint = false} : vector<512x2048xf32>, vector<2048x1024xf32>, vector<512x1024xf32> -> vector<512x1024xf32>
    %get3A_6 = arith.constant 0 : index
    %get3A_7 = arith.constant 0 : index
    %get3A_8 = vector.load %arg3[%get3A_6, %get3A_7] : memref<1x1024xf32, #tpu.memory_space<vmem>>, vector<1x1024xf32>
    %add3A = vector.broadcast %get3A_8 : vector<1x1024xf32> to vector<512x1024xf32>
    %add3A_9 = arith.addf %dot_general3A_5, %add3A : vector<512x1024xf32>
    %integer_pow3A = arith.mulf %add3A_9, %add3A_9 : vector<512x1024xf32>
    %integer_pow3A_10 = arith.mulf %add3A_9, %integer_pow3A : vector<512x1024xf32>
    %mul3A = arith.constant 4.471500e-02 : f32
    %mul3A_11 = vector.broadcast %mul3A : f32 to vector<512x1024xf32>
    %mul3A_12 = arith.mulf %mul3A_11, %integer_pow3A_10 : vector<512x1024xf32>
    %add3A_13 = arith.addf %add3A_9, %mul3A_12 : vector<512x1024xf32>
    %mul3A_14 = arith.constant 0.797884583 : f32
    %mul3A_15 = vector.broadcast %mul3A_14 : f32 to vector<512x1024xf32>
    %mul3A_16 = arith.mulf %mul3A_15, %add3A_13 : vector<512x1024xf32>
    %tanh3A = math.tanh %mul3A_16 : vector<512x1024xf32>
    %add3A_17 = arith.constant 1.000000e+00 : f32
    %add3A_18 = vector.broadcast %add3A_17 : f32 to vector<512x1024xf32>
    %add3A_19 = arith.addf %add3A_18, %tanh3A : vector<512x1024xf32>
    %mul3A_20 = arith.constant 5.000000e-01 : f32
    %mul3A_21 = vector.broadcast %mul3A_20 : f32 to vector<512x1024xf32>
    %mul3A_22 = arith.mulf %mul3A_21, %add3A_19 : vector<512x1024xf32>
    %mul3A_23 = arith.mulf %add3A_9, %mul3A_22 : vector<512x1024xf32>
    %get3A_24 = arith.constant 0 : index
    %get3A_25 = arith.constant 0 : index
    %get3A_26 = vector.load %arg4[%get3A_24, %get3A_25] : memref<1024x8xf32, #tpu.memory_space<vmem>>, vector<1024x8xf32>
    %dot_general3A_27 = arith.constant dense<0.000000e+00> : vector<512x8xf32>
    %dot_general3A_28 = tpu.matmul %mul3A_23, %get3A_26, %dot_general3A_27 {dimension_numbers = #tpu.dot_dimension_numbers<[1], [0], [0], [1], [0, 0, 1, 1], [], []>, transpose_lhs_hint = false} : vector<512x1024xf32>, vector<1024x8xf32>, vector<512x8xf32> -> vector<512x8xf32>
    %get3A_29 = arith.constant 0 : index
    %get3A_30 = arith.constant 0 : index
    %get3A_31 = vector.load %arg5[%get3A_29, %get3A_30] : memref<1x8xf32, #tpu.memory_space<vmem>>, vector<1x8xf32>
    %add3A_32 = vector.broadcast %get3A_31 : vector<1x8xf32> to vector<512x8xf32>
    %add3A_33 = arith.addf %dot_general3A_28, %add3A_32 : vector<512x8xf32>
    %transpose3A = tpu.transpose %add3A_33, [1, 0] : vector<512x8xf32> -> vector<8x512xf32>
    %swap3A = arith.constant 0 : index
    %swap3A_34 = arith.constant 0 : index
    %swap3A_35 = vector.load %arg9[%swap3A, %swap3A_34] : memref<8x512xf32, #tpu.memory_space<vmem>>, vector<8x512xf32>
    tpu.vector_store %arg9[%swap3A, %swap3A_34], %transpose3A {strides = array<i32>} : memref<8x512xf32, #tpu.memory_space<vmem>>, vector<8x512xf32>,
    %get3A_36 = arith.constant 0 : index
    %get3A_37 = arith.constant 0 : index
    %get3A_38 = vector.load %arg6[%get3A_36, %get3A_37] : memref<2048x64xf32, #tpu.memory_space<vmem>>, vector<2048x64xf32>
    %dot_general3A_39 = arith.constant dense<0.000000e+00> : vector<512x64xf32>
    %dot_general3A_40 = tpu.matmul %get3A_1, %get3A_38, %dot_general3A_39 {dimension_numbers = #tpu.dot_dimension_numbers<[1], [0], [0], [1], [0, 0, 1, 1], [], []>, transpose_lhs_hint = false} : vector<512x2048xf32>, vector<2048x64xf32>, vector<512x64xf32> -> vector<512x64xf32>
    %iota3A = tpu.iota {dimensions = array<i32: 0>} : vector<64x64xi32>
    %iota3A_41 = tpu.iota {dimensions = array<i32: 1>} : vector<64x64xi32>
    %jit3A = arith.constant 8 : i32
    %div3A = vector.broadcast %jit3A : i32 to vector<64x64xi32>
    %div3A_42 = arith.divsi %iota3A, %div3A : vector<64x64xi32>
    %sign3A = arith.constant 0 : i32
    %sign3A_43 = vector.broadcast %sign3A : i32 to vector<64x64xi32>
    %sign3A_44 = arith.cmpi sgt, %iota3A, %sign3A_43 : vector<64x64xi32>
    %sign3A_45 = arith.extui %sign3A_44 : vector<64x64xi1> to vector<64x64xi32>
    %sign3A_46 = arith.constant 0 : i32
    %sign3A_47 = vector.broadcast %sign3A_46 : i32 to vector<64x64xi32>
    %sign3A_48 = arith.cmpi slt, %iota3A, %sign3A_47 : vector<64x64xi32>
    %sign3A_49 = arith.extui %sign3A_48 : vector<64x64xi1> to vector<64x64xi32>
    %sign3A_50 = arith.subi %sign3A_45, %sign3A_49 : vector<64x64xi32>
    %sign3A_51 = arith.constant 0 : i32
    %sign3A_52 = arith.cmpi sgt, %jit3A, %sign3A_51 : i32
    %sign3A_53 = arith.extui %sign3A_52 : i1 to i32
    %sign3A_54 = arith.constant 0 : i32
    %sign3A_55 = arith.cmpi slt, %jit3A, %sign3A_54 : i32
    %sign3A_56 = arith.extui %sign3A_55 : i1 to i32
    %sign3A_57 = arith.subi %sign3A_53, %sign3A_56 : i32
    %ne3A = vector.broadcast %sign3A_57 : i32 to vector<64x64xi32>
    %ne3A_58 = arith.cmpi ne, %sign3A_50, %ne3A : vector<64x64xi32>
    %rem3A = vector.broadcast %jit3A : i32 to vector<64x64xi32>
    %rem3A_59 = arith.remsi %iota3A, %rem3A : vector<64x64xi32>
    %ne3A_60 = arith.constant 0 : i32
    %ne3A_61 = vector.broadcast %ne3A_60 : i32 to vector<64x64xi32>
    %ne3A_62 = arith.cmpi ne, %rem3A_59, %ne3A_61 : vector<64x64xi32>
    %and3A = arith.andi %ne3A_58, %ne3A_62 : vector<64x64xi1>
    %sub3A = arith.constant 1 : i32
    %sub3A_63 = vector.broadcast %sub3A : i32 to vector<64x64xi32>
    %sub3A_64 = arith.subi %div3A_42, %sub3A_63 : vector<64x64xi32>
    %select_n3A = arith.select %and3A, %sub3A_64, %div3A_42 : vector<64x64xi1>, vector<64x64xi32>
    %jit3A_65 = arith.constant 8 : i32
    %div3A_66 = vector.broadcast %jit3A_65 : i32 to vector<64x64xi32>
    %div3A_67 = arith.divsi %iota3A_41, %div3A_66 : vector<64x64xi32>
    %sign3A_68 = arith.constant 0 : i32
    %sign3A_69 = vector.broadcast %sign3A_68 : i32 to vector<64x64xi32>
    %sign3A_70 = arith.cmpi sgt, %iota3A_41, %sign3A_69 : vector<64x64xi32>
    %sign3A_71 = arith.extui %sign3A_70 : vector<64x64xi1> to vector<64x64xi32>
    %sign3A_72 = arith.constant 0 : i32
    %sign3A_73 = vector.broadcast %sign3A_72 : i32 to vector<64x64xi32>
    %sign3A_74 = arith.cmpi slt, %iota3A_41, %sign3A_73 : vector<64x64xi32>
    %sign3A_75 = arith.extui %sign3A_74 : vector<64x64xi1> to vector<64x64xi32>
    %sign3A_76 = arith.subi %sign3A_71, %sign3A_75 : vector<64x64xi32>
    %sign3A_77 = arith.constant 0 : i32
    %sign3A_78 = arith.cmpi sgt, %jit3A_65, %sign3A_77 : i32
    %sign3A_79 = arith.extui %sign3A_78 : i1 to i32
    %sign3A_80 = arith.constant 0 : i32
    %sign3A_81 = arith.cmpi slt, %jit3A_65, %sign3A_80 : i32
    %sign3A_82 = arith.extui %sign3A_81 : i1 to i32
    %sign3A_83 = arith.subi %sign3A_79, %sign3A_82 : i32
    %ne3A_84 = vector.broadcast %sign3A_83 : i32 to vector<64x64xi32>
    %ne3A_85 = arith.cmpi ne, %sign3A_76, %ne3A_84 : vector<64x64xi32>
    %rem3A_86 = vector.broadcast %jit3A_65 : i32 to vector<64x64xi32>
    %rem3A_87 = arith.remsi %iota3A_41, %rem3A_86 : vector<64x64xi32>
    %ne3A_88 = arith.constant 0 : i32
    %ne3A_89 = vector.broadcast %ne3A_88 : i32 to vector<64x64xi32>
    %ne3A_90 = arith.cmpi ne, %rem3A_87, %ne3A_89 : vector<64x64xi32>
    %and3A_91 = arith.andi %ne3A_85, %ne3A_90 : vector<64x64xi1>
    %sub3A_92 = arith.constant 1 : i32
    %sub3A_93 = vector.broadcast %sub3A_92 : i32 to vector<64x64xi32>
    %sub3A_94 = arith.subi %div3A_67, %sub3A_93 : vector<64x64xi32>
    %select_n3A_95 = arith.select %and3A_91, %sub3A_94, %div3A_67 : vector<64x64xi1>, vector<64x64xi32>
    %eq3A = arith.cmpi eq, %select_n3A, %select_n3A_95 : vector<64x64xi32>
    %jit3A_96 = arith.constant 1.250000e-01 : f32
    %jit3A_97 = arith.constant 0.000000e+00 : f32
    %broadcast_in_dim3A = vector.broadcast %jit3A_96 : f32 to vector<64x64xf32>
    %broadcast_in_dim3A_98 = vector.broadcast %jit3A_97 : f32 to vector<64x64xf32>
    %select_n3A_99 = arith.select %eq3A, %broadcast_in_dim3A, %broadcast_in_dim3A_98 : vector<64x64xi1>, vector<64x64xf32>
    %dot_general3A_100 = arith.constant dense<0.000000e+00> : vector<512x64xf32>
    %dot_general3A_101 = tpu.matmul %dot_general3A_40, %select_n3A_99, %dot_general3A_100 {dimension_numbers = #tpu.dot_dimension_numbers<[1], [0], [0], [1], [0, 0, 1, 1], [], []>, transpose_lhs_hint = false} : vector<512x64xf32>, vector<64x64xf32>, vector<512x64xf32> -> vector<512x64xf32>
    %sub3A_102 = arith.subf %dot_general3A_40, %dot_general3A_101 : vector<512x64xf32>
    %mul3A_103 = arith.mulf %sub3A_102, %sub3A_102 : vector<512x64xf32>
    %dot_general3A_104 = arith.constant dense<0.000000e+00> : vector<512x64xf32>
    %dot_general3A_105 = tpu.matmul %mul3A_103, %select_n3A_99, %dot_general3A_104 {dimension_numbers = #tpu.dot_dimension_numbers<[1], [0], [0], [1], [0, 0, 1, 1], [], []>, transpose_lhs_hint = false} : vector<512x64xf32>, vector<64x64xf32>, vector<512x64xf32> -> vector<512x64xf32>
    %add3A_106 = arith.constant 9.99999974E-6 : f32
    %add3A_107 = vector.broadcast %add3A_106 : f32 to vector<512x64xf32>
    %add3A_108 = arith.addf %dot_general3A_105, %add3A_107 : vector<512x64xf32>
    %rsqrt3A = math.rsqrt %add3A_108 : vector<512x64xf32>
    %mul3A_109 = arith.mulf %sub3A_102, %rsqrt3A : vector<512x64xf32>
    %get3A_110 = arith.constant 0 : index
    %get3A_111 = arith.constant 0 : index
    %get3A_112 = vector.load %arg7[%get3A_110, %get3A_111] : memref<1x64xf32, #tpu.memory_space<vmem>>, vector<1x64xf32>
    %mul3A_113 = vector.broadcast %get3A_112 : vector<1x64xf32> to vector<512x64xf32>
    %mul3A_114 = arith.mulf %mul3A_109, %mul3A_113 : vector<512x64xf32>
    %get3A_115 = arith.constant 0 : index
    %get3A_116 = arith.constant 0 : index
    %get3A_117 = vector.load %arg8[%get3A_115, %get3A_116] : memref<1x64xf32, #tpu.memory_space<vmem>>, vector<1x64xf32>
    %add3A_118 = vector.broadcast %get3A_117 : vector<1x64xf32> to vector<512x64xf32>
    %add3A_119 = arith.addf %mul3A_114, %add3A_118 : vector<512x64xf32>
    %swap3A_120 = arith.constant 0 : index
    %swap3A_121 = arith.constant 0 : index
    %swap3A_122 = vector.load %arg10[%swap3A_120, %swap3A_121] : memref<512x64xf32, #tpu.memory_space<vmem>>, vector<512x64xf32>
    tpu.vector_store %arg10[%swap3A_120, %swap3A_121], %add3A_119 {strides = array<i32>} : memref<512x64xf32, #tpu.memory_space<vmem>>, vector<512x64xf32>,
    return
  }
  func.func @transform_0(%arg0: i32) -> (i32, i32) {
    %c0_i32 = arith.constant 0 : i32
    %c0_i32_0 = arith.constant 0 : i32
    return %arg0, %c0_i32 : i32, i32
  }
  func.func @transform_1(%arg0: i32) -> (i32, i32) {
    %c0_i32 = arith.constant 0 : i32
    %c0_i32_0 = arith.constant 0 : i32
    %c0_i32_1 = arith.constant 0 : i32
    return %c0_i32, %c0_i32_0 : i32, i32
  }
  func.func @transform_2(%arg0: i32) -> (i32, i32) {
    %c0_i32 = arith.constant 0 : i32
    %c0_i32_0 = arith.constant 0 : i32
    %c0_i32_1 = arith.constant 0 : i32
    return %c0_i32, %c0_i32_0 : i32, i32
  }
  func.func @transform_3(%arg0: i32) -> (i32, i32) {
    %c0_i32 = arith.constant 0 : i32
    %c0_i32_0 = arith.constant 0 : i32
    %c0_i32_1 = arith.constant 0 : i32
    return %c0_i32, %c0_i32_0 : i32, i32
  }
  func.func @transform_4(%arg0: i32) -> (i32, i32) {
    %c0_i32 = arith.constant 0 : i32
    %c0_i32_0 = arith.constant 0 : i32
    %c0_i32_1 = arith.constant 0 : i32
    return %c0_i32, %c0_i32_0 : i32, i32
  }
  func.func @transform_5(%arg0: i32) -> (i32, i32) {
    %c0_i32 = arith.constant 0 : i32
    %c0_i32_0 = arith.constant 0 : i32
    %c0_i32_1 = arith.constant 0 : i32
    return %c0_i32, %c0_i32_0 : i32, i32
  }
  func.func @transform_6(%arg0: i32) -> (i32, i32) {
    %c0_i32 = arith.constant 0 : i32
    %c0_i32_0 = arith.constant 0 : i32
    %c0_i32_1 = arith.constant 0 : i32
    return %c0_i32, %c0_i32_0 : i32, i32
  }
  func.func @transform_7(%arg0: i32) -> (i32, i32) {
    %c0_i32 = arith.constant 0 : i32
    %c0_i32_0 = arith.constant 0 : i32
    %c0_i32_1 = arith.constant 0 : i32
    return %c0_i32, %c0_i32_0 : i32, i32
  }
  func.func @transform_8(%arg0: i32) -> (i32, i32) {
    %c0_i32 = arith.constant 0 : i32
    %c0_i32_0 = arith.constant 0 : i32
    return %c0_i32, %arg0 : i32, i32
  }
  func.func @transform_9(%arg0: i32) -> (i32, i32) {
    %c0_i32 = arith.constant 0 : i32
    %c0_i32_0 = arith.constant 0 : i32
    return %arg0, %c0_i32 : i32, i32
  }
}

module attributes {stable_mosaic.version = 14 : i64} {
  func.func @_combine_kernel(%arg0: i32, %arg1: memref<512x64xf32, #tpu.memory_space<vmem>>, %arg2: memref<8x512xf32, #tpu.memory_space<vmem>>, %arg3: memref<64x2048xf32, #tpu.memory_space<vmem>>, %arg4: memref<512x2048xf32, #tpu.memory_space<vmem>>) attributes {dimension_semantics = [#tpu.dimension_semantics<arbitrary>], iteration_bounds = array<i64: 4>, scalar_prefetch = 0 : i64, scratch_operands = 0 : i64, tpu.core_type = #tpu.core_type<tc>, window_params = [{transform_indices = @transform_0, window_bounds = array<i64: 512, 64>}, {transform_indices = @transform_1, window_bounds = array<i64: 8, 512>}, {pipeline_mode = #tpu.pipeline_mode<synchronous>, transform_indices = @transform_2, window_bounds = array<i64: 64, 2048>}, {transform_indices = @transform_3, window_bounds = array<i64: 512, 2048>}]} {
    %iota3A = tpu.iota {dimensions = array<i32: 0>} : vector<8x64xi32>
    %iota3A_0 = tpu.iota {dimensions = array<i32: 1>} : vector<8x64xi32>
    %jit3A = arith.constant 8 : i32
    %div3A = vector.broadcast %jit3A : i32 to vector<8x64xi32>
    %div3A_1 = arith.divsi %iota3A_0, %div3A : vector<8x64xi32>
    %sign3A = arith.constant 0 : i32
    %sign3A_2 = vector.broadcast %sign3A : i32 to vector<8x64xi32>
    %sign3A_3 = arith.cmpi sgt, %iota3A_0, %sign3A_2 : vector<8x64xi32>
    %sign3A_4 = arith.extui %sign3A_3 : vector<8x64xi1> to vector<8x64xi32>
    %sign3A_5 = arith.constant 0 : i32
    %sign3A_6 = vector.broadcast %sign3A_5 : i32 to vector<8x64xi32>
    %sign3A_7 = arith.cmpi slt, %iota3A_0, %sign3A_6 : vector<8x64xi32>
    %sign3A_8 = arith.extui %sign3A_7 : vector<8x64xi1> to vector<8x64xi32>
    %sign3A_9 = arith.subi %sign3A_4, %sign3A_8 : vector<8x64xi32>
    %sign3A_10 = arith.constant 0 : i32
    %sign3A_11 = arith.cmpi sgt, %jit3A, %sign3A_10 : i32
    %sign3A_12 = arith.extui %sign3A_11 : i1 to i32
    %sign3A_13 = arith.constant 0 : i32
    %sign3A_14 = arith.cmpi slt, %jit3A, %sign3A_13 : i32
    %sign3A_15 = arith.extui %sign3A_14 : i1 to i32
    %sign3A_16 = arith.subi %sign3A_12, %sign3A_15 : i32
    %ne3A = vector.broadcast %sign3A_16 : i32 to vector<8x64xi32>
    %ne3A_17 = arith.cmpi ne, %sign3A_9, %ne3A : vector<8x64xi32>
    %rem3A = vector.broadcast %jit3A : i32 to vector<8x64xi32>
    %rem3A_18 = arith.remsi %iota3A_0, %rem3A : vector<8x64xi32>
    %ne3A_19 = arith.constant 0 : i32
    %ne3A_20 = vector.broadcast %ne3A_19 : i32 to vector<8x64xi32>
    %ne3A_21 = arith.cmpi ne, %rem3A_18, %ne3A_20 : vector<8x64xi32>
    %and3A = arith.andi %ne3A_17, %ne3A_21 : vector<8x64xi1>
    %sub3A = arith.constant 1 : i32
    %sub3A_22 = vector.broadcast %sub3A : i32 to vector<8x64xi32>
    %sub3A_23 = arith.subi %div3A_1, %sub3A_22 : vector<8x64xi32>
    %select_n3A = arith.select %and3A, %sub3A_23, %div3A_1 : vector<8x64xi1>, vector<8x64xi32>
    %eq3A = arith.cmpi eq, %iota3A, %select_n3A : vector<8x64xi32>
    %convert_element_type3A = arith.extui %eq3A : vector<8x64xi1> to vector<8x64xi32>
    %convert_element_type3A_24 = arith.sitofp %convert_element_type3A : vector<8x64xi32> to vector<8x64xf32>
    %get3A = arith.constant 0 : index
    %get3A_25 = arith.constant 0 : index
    %get3A_26 = vector.load %arg2[%get3A, %get3A_25] : memref<8x512xf32, #tpu.memory_space<vmem>>, vector<8x512xf32>
    %transpose3A = tpu.transpose %get3A_26, [1, 0] : vector<8x512xf32> -> vector<512x8xf32>
    %dot_general3A = arith.constant dense<0.000000e+00> : vector<512x64xf32>
    %dot_general3A_27 = tpu.matmul %transpose3A, %convert_element_type3A_24, %dot_general3A {dimension_numbers = #tpu.dot_dimension_numbers<[1], [0], [0], [1], [0, 0, 1, 1], [], []>, transpose_lhs_hint = false} : vector<512x8xf32>, vector<8x64xf32>, vector<512x64xf32> -> vector<512x64xf32>
    %get3A_28 = arith.constant 0 : index
    %get3A_29 = arith.constant 0 : index
    %get3A_30 = vector.load %arg1[%get3A_28, %get3A_29] : memref<512x64xf32, #tpu.memory_space<vmem>>, vector<512x64xf32>
    %mul3A = arith.mulf %get3A_30, %dot_general3A_27 : vector<512x64xf32>
    %get3A_31 = arith.constant 0 : index
    %get3A_32 = arith.constant 0 : index
    %get3A_33 = vector.load %arg3[%get3A_31, %get3A_32] : memref<64x2048xf32, #tpu.memory_space<vmem>>, vector<64x2048xf32>
    %dot_general3A_34 = arith.constant dense<0.000000e+00> : vector<512x2048xf32>
    %dot_general3A_35 = tpu.matmul %mul3A, %get3A_33, %dot_general3A_34 {dimension_numbers = #tpu.dot_dimension_numbers<[1], [0], [0], [1], [0, 0, 1, 1], [], []>, transpose_lhs_hint = false} : vector<512x64xf32>, vector<64x2048xf32>, vector<512x2048xf32> -> vector<512x2048xf32>
    %swap3A = arith.constant 0 : index
    %swap3A_36 = arith.constant 0 : index
    %swap3A_37 = vector.load %arg4[%swap3A, %swap3A_36] : memref<512x2048xf32, #tpu.memory_space<vmem>>, vector<512x2048xf32>
    tpu.vector_store %arg4[%swap3A, %swap3A_36], %dot_general3A_35 {strides = array<i32>} : memref<512x2048xf32, #tpu.memory_space<vmem>>, vector<512x2048xf32>,
    return
  }
  func.func @transform_0(%arg0: i32) -> (i32, i32) {
    %c0_i32 = arith.constant 0 : i32
    %c0_i32_0 = arith.constant 0 : i32
    return %arg0, %c0_i32 : i32, i32
  }
  func.func @transform_1(%arg0: i32) -> (i32, i32) {
    %c0_i32 = arith.constant 0 : i32
    %c0_i32_0 = arith.constant 0 : i32
    return %c0_i32, %arg0 : i32, i32
  }
  func.func @transform_2(%arg0: i32) -> (i32, i32) {
    %c0_i32 = arith.constant 0 : i32
    %c0_i32_0 = arith.constant 0 : i32
    %c0_i32_1 = arith.constant 0 : i32
    return %c0_i32, %c0_i32_0 : i32, i32
  }
  func.func @transform_3(%arg0: i32) -> (i32, i32) {
    %c0_i32 = arith.constant 0 : i32
    %c0_i32_0 = arith.constant 0 : i32
    return %arg0, %c0_i32 : i32, i32
  }
}

</mosaic_0001>

<sc_bundles>
// kernel: kernel.5.cloned.1.call-start
scs
__scs_entry_jumppad:
0x0: {  	(pc) =	sbr.rel $0x88, $3  }
0x1: {  	(tag) =	ssettag $0x0;
	lr =	simm.s32 $0x1  }
0x2: {  	[smem:$0x3F97] =	sst lr;
	_ =	strace $0xD0000000  }
0x3: {  	_ = 	snop  }
0x4: {  	_ = 	snop  }
0x5: {  	_ = 	snop  }
0x6: {  	_ = 	snop  }
0x7: {  	_ = 	snop  }
__scs_overlays_trampoline_lowered:
0x8: {  	[smem:$0x3FA6] =	sst s0  }
0x9: {  	[smem:$0x3FA7] =	sst s1  }
0xa: {  	[smem:$0x3FA8] =	sst s2  }
0xb: {  	[smem:$0x3FA9] =	sst s3  }
0xc: {  	[smem:$0x3FAA] =	sst s4  }
0xd: {  	[smem:$0x3FAB] =	sst s5  }
0xe: {  	[smem:$0x3FAC] =	sst s6  }
0xf: {  	[smem:$0x3FAD] =	sst s7  }
0x10: {  	[smem:$0x3FAE] =	sst s8  }
0x11: {  	[smem:$0x3FAF] =	sst s9;
	s0 =	simm.s32 @!p0 $0x0  }
0x12: {  	s1 =	sld [smem:$0x3F95];
	s0 =	simm.s32 @p0 $0x1  }
0x13: {  	[smem:$0x3FB0] =	sst s0;
	s0 =	simm.s32 @!p1 $0x0  }
0x14: {  	s2 =	sld [smem:$0x3F94];
	s0 =	simm.s32 @p1 $0x1  }
0x15: {  	[smem:$0x3FB1] =	sst s0;
	s0 =	simm.s32 @!p2 $0x0  }
0x16: {  	s3 =	sld [smem:$0x3FDB];
	s0 =	simm.s32 @p2 $0x1  }
0x17: {  	s4 =	simm.s32 $0x1BF5;
	[smem:$0x3FB3] =	sst s0  }
0x18: {  	s0 =	sld [smem:$0x3F96];
	_ =	swait.ge [sflag:s4], $0x0  }
0x19: {  	s7 =	sld [smem:$0x3F97]  }
0x1a: {  	s8 =	sadd.s32 $0xFFFFE003, lr  }
0x1b: {  	s9 =	sadd.s32 $0xFFFFFEF7, lr;
	s5 =	simm.s32 $0xFFFFFFFF;
	p2 =	slt.u32 s8, $0xFFFFF086  }
0x1c: {  	p1 =	slt.u32 s9, $0xF7A;
	s5 =	simm.s32 @!p2 $0x0  }
0x1d: {  	s5 =	simm.s32 @p1 $0x1;
	p0 =	seq.s32 s7, s2  }
0x1e: {  	s7 =	smul.u32 @!p0 $0xF7A, s2;
	p2 =	seq.s32 @!p0 s5, $0x0  }
0x1f: {  	s9 =	smul.u32 $0xF7A, s1;
	s8 =	simm.s32 @!p0 $0x1BF5;
	p2 =	por !p2, p0  }
0x20: {  	[sflag:s8] =	ssyncset.s32 @!p0 $0xFFFFF086;
	s6 =	sadd.s32 @!p0 s3, s7;
	s7 =	simm.s32 @!p0 $0x108  }
0x21: {  	s3 =	sadd.s32 s3, s9;
	s6 =	sadd.s32 @!p0 $0x88, s6;
	s7 =	simm.s32 @p2 $0x1082  }
0x22: {  	[simem:s7], [sflag:s8] =	dma.local @!p0 [hbm:s6], $0xF7A  }
0x23: {  	s9 =	sor.u32 $0xD0000000, s2;
	s6 =	simm.s32 $0x108;
	_ =	swait.ge @!p0 [sflag:s8], $0x0  }
0x24: {  	s3 =	sadd.s32 $0x88, s3;
	s6 =	simm.s32 @!p1 $0x1082;
	[sflag:s4] =	ssyncset.s32 $0xFFFFF086  }
0x25: {  	[simem:s6], [sflag:s4] =	dma.local [hbm:s3], $0xF7A  }
0x26: {  	[smem:$0x3F97] =	sst s1;
	(tag) =	ssettag s2;
	_ =	strace s9  }
0x27: {  	s1 =	sld [smem:$0x3FA7]  }
0x28: {  	s2 =	sld [smem:$0x3FA8]  }
0x29: {  	s4 =	sld [smem:$0x3FAA]  }
0x2a: {  	p0 =	seq.s32 s5, $0x0;
	s5 =	sld [smem:$0x3FAB]  }
0x2b: {  	s6 =	sld [smem:$0x3FAC]  }
0x2c: {  	s7 =	sld [smem:$0x3FAD]  }
0x2d: {  	s3 =	simm.s32 $0x108;
	s8 =	sld [smem:$0x3FAE]  }
0x2e: {  	s3 =	simm.s32 @!p0 $0x1082;
	s9 =	sld [smem:$0x3FAF]  }
0x2f: {  	lr =	sadd.s32 s0, s3;
	s0 =	sld [smem:$0x3FA6]  }
0x30: {  	s3 =	sld [smem:$0x3FA9]  }
0x31: {  	[smem:$0x3FB2] =	sst s10  }
0x32: {  	s10 =	sld [smem:$0x3FB0];
	_ =	sdelay $0x3  }
0x33: {  	p0 =	seq.s32 s10, $0x1;
	s10 =	sld [smem:$0x3FB2];
	_ =	sdelay $0x3  }
0x34: {  	[smem:$0x3FB2] =	sst s10  }
0x35: {  	s10 =	sld [smem:$0x3FB1];
	_ =	sdelay $0x3  }
0x36: {  	p1 =	seq.s32 s10, $0x1;
	s10 =	sld [smem:$0x3FB2];
	_ =	sdelay $0x3  }
0x37: {  	[smem:$0x3FB2] =	sst s10  }
0x38: {  	s10 =	sld [smem:$0x3FB3]  }
0x39: {  	_ = 	snop;
	(pc) =	sbr.ind lr, $3  }
0x3a: {  	_ = 	snop  }
0x3b: {  	_ = 	snop  }
0x3c: {  	p2 =	seq.s32 s10, $0x1;
	s10 =	sld [smem:$0x3FB2]  }
0x3d: {  	_ =	shalt  }
0x3e: {  	_ =	shalt  }
0x3f: {  	_ =	shalt  }
0x40: {  	_ =	shalt  }
0x41: {  	_ =	shalt  }
0x42: {  	_ =	shalt  }
0x43: {  	_ =	shalt  }
0x44: {  	_ =	shalt  }
0x45: {  	_ =	shalt  }
0x46: {  	_ =	shalt  }
0x47: {  	_ =	shalt  }
0x48: {  	_ =	shalt  }
0x49: {  	_ =	shalt  }
0x4a: {  	_ =	shalt  }
0x4b: {  	_ =	shalt  }
0x4c: {  	_ =	shalt  }
0x4d: {  	_ =	shalt  }
0x4e: {  	_ =	shalt  }
0x4f: {  	_ =	shalt  }
0x50: {  	_ =	shalt  }
0x51: {  	_ =	shalt  }
0x52: {  	_ =	shalt  }
0x53: {  	_ =	shalt  }
0x54: {  	_ =	shalt  }
0x55: {  	_ =	shalt  }
0x56: {  	_ =	shalt  }
0x57: {  	_ =	shalt  }
0x58: {  	_ =	shalt  }
0x59: {  	_ =	shalt  }
0x5a: {  	_ =	shalt  }
0x5b: {  	_ =	shalt  }
0x5c: {  	_ =	shalt  }
0x5d: {  	_ =	shalt  }
0x5e: {  	_ =	shalt  }
0x5f: {  	_ =	shalt  }
0x60: {  	_ =	shalt  }
0x61: {  	_ =	shalt  }
0x62: {  	_ =	shalt  }
0x63: {  	_ =	shalt  }
0x64: {  	_ =	shalt  }
0x65: {  	_ =	shalt  }
0x66: {  	_ =	shalt  }
0x67: {  	_ =	shalt  }
0x68: {  	_ =	shalt  }
0x69: {  	_ =	shalt  }
0x6a: {  	_ =	shalt  }
0x6b: {  	_ =	shalt  }
0x6c: {  	_ =	shalt  }
0x6d: {  	_ =	shalt  }
0x6e: {  	_ =	shalt  }
0x6f: {  	_ =	shalt  }
0x70: {  	_ =	shalt  }
0x71: {  	_ =	shalt  }
0x72: {  	_ =	shalt  }
0x73: {  	_ =	shalt  }
0x74: {  	_ =	shalt  }
0x75: {  	_ =	shalt  }
0x76: {  	_ =	shalt  }
0x77: {  	_ =	shalt  }
0x78: {  	_ =	shalt  }
0x79: {  	_ =	shalt  }
0x7a: {  	_ =	shalt  }
0x7b: {  	_ =	shalt  }
0x7c: {  	_ =	shalt  }
0x7d: {  	_ =	shalt  }
0x7e: {  	_ =	shalt  }
0x7f: {  	_ =	shalt  }
0x80: {  	_ =	shalt  }
0x81: {  	_ =	shalt  }
0x82: {  	_ =	shalt  }
0x83: {  	_ =	shalt  }
0x84: {  	_ =	shalt  }
0x85: {  	_ =	shalt  }
0x86: {  	_ =	shalt  }
0x87: {  	_ =	shalt  }
.Lfunc_end0:
.L_simem_size_0:
called_computation_lowered:
.L_overlay_start_0:
0x88: {  	s2 =	sld [smem:$0x3FD9]  }
0x89: {  	s3 =	sld [smem:$0x3FFE];
	_ =	sdelay $0x1  }
0x8a: {  	s1 =	srdreg.scid  }
0x8b: {  	s0 =	sand.u32 $0x1, s1  }
0x8c: {  	s17 =	sshll.u32 s0, $0xA;
	s2 =	sadd.s32 s3, s2  }
0x8d: {  	s2 =	sadd.s32 s2, s17  }
0x8e: {  	[smem:$0x3FBE] =	sst s2  }
0x8f: {  	_ = 	snop  }
0x90: {  	s2 =	sld [smem:$0x3FD0];
	(tm) =	ssettm $0x1  }
0x91: {  	s18 =	sld [smem:$0x3FFB];
	_ =	sdelay $0x3  }
0x92: {  	_ =	strace s18  }
0x93: {  	s3 =	sld [smem:$0x3FFC];
	_ =	sdelay $0x3  }
0x94: {  	_ =	strace s3  }
0x95: {  	s3 =	sld [smem:$0x3FFD];
	_ =	sdelay $0x3  }
0x96: {  	_ =	strace s3  }
0x97: {  	_ =	strace $0x8FFFFFFF  }
0x98: {  	s19 =	sld [smem:$0x3FDB];
	_ =	sdelay $0x1  }
0x99: {  	s4 =	simm.s32 $_scs_section_size  }
0x9a: {  	s5 =	simm.s32 $_size__tile_overlayer_lowered;
	s6 =	simm.s32 $_tile_overlayer_lowered  }
0x9b: {  	s22 =	simm.s32 $0x1BFF;
	s21 =	sshll.u32 s6, $0x1;
	s3 =	sadd.s32 s4, s19  }
0x9c: {  	s7 =	simm.s32 $0x0;
	s20 =	sshll.u32 s5, $0x1;
	s5 =	sadd.s32 s21, s3  }
0x9d: {  	[timem:s7], [sflag:s22] =	dma.local [hbm:s5], s20  }
0x9e: {  	_ =	swait.ge [sflag:s22], s20  }
0x9f: {  	s4 =	ssub.s32 $0x0, s20;
	[sflag:s22] =	ssyncset.done $0x0  }
0xa0: {  	[sflag:s22] =	ssyncadd.s32 s4;
	_ =	sdelay $0x1  }
0xa1: {  	s23 =	simm.s32 $0x1B8B  }
0xa2: {  	_ =	swait.ge [sflag:s23], $0x1  }
0xa3: {  	[sflag:s23] =	ssyncset.done $0x0  }
0xa4: {  	s25 =	simm.s32 $0x1B8E;
	s24 =	sld [smem:$0x3FFE];
	[sflag:s23] =	ssyncadd.s32 $0xFFFFFFFF  }
0xa5: {  	s26 =	simm.s32 $execute0_lowered;
	[smem:$0x3FD2] =	sst s25  }
0xa6: {  	s5 =	sshll.u32 s26, $0x1;
	_ =	strace $0x80000046;
	[dreg:$0x1] =	wrdreg $0xFFFFFFFF  }
0xa7: {  	s28 =	simm.s32 $_size_execute0_lowered;
	s3 =	sadd.s32 s3, s5;
	[dreg:$0x0] =	wrdreg $0x0  }
0xa8: {  	s5 =	sshll.u32 s28, $0x1;
	[dreg:$0x2] =	wrdreg s3  }
0xa9: {  	[dreg:$0x3] =	wrdreg s5  }
0xaa: {  	[dreg:$0x4] =	wrdreg $0xC0  }
0xab: {  	_ =	task [dreg:s7], $0x5FFFF  }
0xac: {  	[dreg:$0x1] =	wrdreg $0xFFFFFFFF  }
0xad: {  	[dreg:$0x0] =	wrdreg $0x60  }
0xae: {  	[dreg:$0x2] =	wrdreg s2  }
0xaf: {  	[dreg:$0x3] =	wrdreg s24  }
0xb0: {  	[dreg:$0x4] =	wrdreg $0x9  }
0xb1: {  	_ =	task.clear_ibuf [dreg:s7], $0x5FFFF;
	_ =	strace $0x90000046  }
0xb2: {  	s29 =	simm.s32 $0x9;
	_ =	strace $0x80000048  }
0xb3: {  	_ =	swait.ge [sflag:s29], $0x1  }
0xb4: {  	[sflag:s29] =	ssyncadd.s32 $0xFFFFFFFF  }
0xb5: {  	_ =	strace $0x90000048  }
0xb6: {  	_ =	sfence  }
0xb7: {  	s30 =	sld [smem:$0x0];
	_ =	sdelay $0x2  }
0xb8: {  	s31 =	sshll.u32 s1, $0xD;
	s1 =	sshrl.u32 s1, $0x2  }
0xb9: {  	s3 =	sand.u32 $0x4000, s31;
	s1 =	sadd.s32 s1, s30  }
0xba: {  	s0 =	sor.u32 s3, s0;
	s1 =	sshll.u32 s1, $0x11  }
0xbb: {  	s0 =	sor.u32 s1, s0  }
0xbc: {  	s0 =	sadd.s32 $0x8F2B, s0  }
0xbd: {  	[sflag:s0] =	ssyncadd.remote.s32 $0x1  }
0xbe: {  	_ =	sfence.sel $0xFFFF  }
0xbf: {  	[dreg:$0x0] =	wrdreg $0xFFFFFFFF;
	(pc) =	sbr.abs _section_cstart, $3  }
0xc0: {  	[dreg:$0x1] =	wrdreg $0xFFFFFFFF  }
0xc1: {  	_ =	task.clear_ibuf [dreg:s7], $0x2FFFF;
	_ =	strace $0x9FFFFFFF  }
0xc2: {  	(tm) =	ssettm $0x7FFFFFFF  }
0xc3: {  	_ =	shalt  }
tec
execute0_lowered:
.L_overlay_start_1:
0x0: {  	(tag) =	ssettag $0x1  }
0x1: {  	s0 =	rddreg [dreg:$0x0]  }
0x2: {  	s3 =	rddreg [dreg:$0x1]  }
0x3: {  	s2 =	simm.s32 $0x0;
	s4 =	srdreg.scid;
	s1 =	stileid.u32  }
0x4: {  	s17 =	simm.s32 $0x80;
	s18 =	simm.s32 $0x100;
	s19 =	simm.s32 $0x180  }
0x5: {  	s20 =	simm.s32 $0x200;
	s21 =	simm.s32 $0x280;
	s28 =	simm.s32 $0x580  }
0x6: {  	s29 =	simm.s32 $0x600;
	s30 =	simm.s32 $0x680;
	s31 =	simm.s32 $0x700  }
0x7: {  	[smem:$0x7FF] =	sst s2;
	s4 =	sand.u32 $0x1, s4;
	s6 =	sshll.u32 s1, $0x7  }
0x8: {  	s14 =	sadd.s32 $0x1400, s3;
	s5 =	ssub.s32 $0x2, s4;
	s4 =	sshll.u32 s4, $0x3  }
0x9: {  	_ =	strace $0x80000047;
	s22 =	sshrl.u32 s5, $0x1;
	s7 =	sor.u32 s4, s6  }
0xa: {  	s15 =	ssub.s32 s5, s22;
	s23 =	sadd.s32 s0, s7;
	s8 =	sor.u32 $0x10, s7  }
0xb: {  	s9 =	sor.u32 $0x20, s7;
	s10 =	sor.u32 $0x30, s7;
	s11 =	sor.u32 $0x40, s7  }
0xc: {  	s12 =	sor.u32 $0x50, s7;
	s13 =	sor.u32 $0x60, s7;
	s16 =	sor.u32 $0x70, s7  }
0xd: {  	s7 =	sadd.s32 s14, s7;
	s22 =	simm.s32 $0x300;
	[dreg:$0x3] =	wrdreg s23  }
0xe: {  	s24 =	sadd.s32 s0, s8;
	s25 =	sadd.s32 s0, s9;
	s26 =	sadd.s32 s0, s10  }
0xf: {  	s3 =	sadd.s32 s0, s11;
	s4 =	sadd.s32 s0, s12;
	s5 =	sadd.s32 s0, s13  }
0x10: {  	s6 =	sadd.s32 s0, s16;
	s8 =	sadd.s32 s14, s8;
	s9 =	sadd.s32 s14, s9  }
0x11: {  	s10 =	sadd.s32 s14, s10;
	s11 =	sadd.s32 s14, s11;
	s12 =	sadd.s32 s14, s12  }
0x12: {  	s13 =	sadd.s32 s14, s13;
	s14 =	sadd.s32 s14, s16;
	[dreg:$0x4] =	wrdreg s24  }
0x13: {  	s15 =	smax.u32 s15, $0x1;
	s16 =	simm.s32 $0x1;
	[dreg:$0x5] =	wrdreg s25  }
0x14: {  	s23 =	simm.s32 $0x380;
	s0 =	simm.s32 $0x780;
	[dreg:$0x6] =	wrdreg s26  }
0x15: {  	v0 =	vimm.s32 $0x0;
	v1 =	vimm.s32 $0x8;
	s24 =	simm.s32 $0x400;
	s25 =	simm.s32 $0x480;
	s26 =	simm.s32 $0x500  }
.LBB2_1:
0x16: {  	s1 =	rddreg [dreg:$0x3]  }
0x17: {  	[tilespmem:s2], [sflag:$0x1] =	stream.linear.gather [hbm4b:s1+s2], $0x40, $0x38;
	[tilespmem:$0x800] =	vst v63  }
0x18: {  	_ =	swait.ge [sflag:s16], $0x40  }
0x19: {  	[sflag:s16] =	ssyncset.done $0x0  }
0x1a: {  	s1 =	rddreg [dreg:$0x4];
	[sflag:s16] =	ssyncadd.s32 $0xFFFFFFC0  }
0x1b: {  	[tilespmem:s17], [sflag:$0x1] =	stream.linear.gather [hbm4b:s1+s2], $0x40, $0x38;
	[tilespmem:$0x800] =	vst v63  }
0x1c: {  	_ =	swait.ge [sflag:s16], $0x40  }
0x1d: {  	[sflag:s16] =	ssyncset.done $0x0  }
0x1e: {  	s1 =	rddreg [dreg:$0x5];
	[sflag:s16] =	ssyncadd.s32 $0xFFFFFFC0  }
0x1f: {  	[tilespmem:s18], [sflag:$0x1] =	stream.linear.gather [hbm4b:s1+s2], $0x40, $0x38;
	[tilespmem:$0x800] =	vst v63  }
0x20: {  	_ =	swait.ge [sflag:s16], $0x40  }
0x21: {  	[sflag:s16] =	ssyncset.done $0x0  }
0x22: {  	s1 =	rddreg [dreg:$0x6];
	[sflag:s16] =	ssyncadd.s32 $0xFFFFFFC0  }
0x23: {  	[tilespmem:s19], [sflag:$0x1] =	stream.linear.gather [hbm4b:s1+s2], $0x40, $0x38;
	[tilespmem:$0x800] =	vst v63  }
0x24: {  	_ =	swait.ge [sflag:s16], $0x40  }
0x25: {  	[sflag:s16] =	ssyncset.done $0x0  }
0x26: {  	[sflag:s16] =	ssyncadd.s32 $0xFFFFFFC0  }
0x27: {  	[tilespmem:s20], [sflag:$0x1] =	stream.linear.gather [hbm4b:s3+s2], $0x40, $0x38;
	[tilespmem:$0x800] =	vst v63  }
0x28: {  	_ =	swait.ge [sflag:s16], $0x40  }
0x29: {  	[sflag:s16] =	ssyncset.done $0x0  }
0x2a: {  	[sflag:s16] =	ssyncadd.s32 $0xFFFFFFC0  }
0x2b: {  	[tilespmem:s21], [sflag:$0x1] =	stream.linear.gather [hbm4b:s4+s2], $0x40, $0x38;
	[tilespmem:$0x800] =	vst v63  }
0x2c: {  	_ =	swait.ge [sflag:s16], $0x40  }
0x2d: {  	[sflag:s16] =	ssyncset.done $0x0  }
0x2e: {  	[sflag:s16] =	ssyncadd.s32 $0xFFFFFFC0  }
0x2f: {  	[tilespmem:s22], [sflag:$0x1] =	stream.linear.gather [hbm4b:s5+s2], $0x40, $0x38;
	[tilespmem:$0x800] =	vst v63  }
0x30: {  	_ =	swait.ge [sflag:s16], $0x40  }
0x31: {  	[sflag:s16] =	ssyncset.done $0x0  }
0x32: {  	[sflag:s16] =	ssyncadd.s32 $0xFFFFFFC0  }
0x33: {  	[tilespmem:s23], [sflag:$0x1] =	stream.linear.gather [hbm4b:s6+s2], $0x40, $0x38;
	[tilespmem:$0x800] =	vst v63  }
0x34: {  	_ =	swait.ge [sflag:s16], $0x40  }
0x35: {  	[sflag:s16] =	ssyncset.done $0x0  }
0x36: {  	[sflag:s16] =	ssyncadd.s32 $0xFFFFFFC0  }
0x37: {  	v2 =	vld [tilespmem:$0x0]  }
0x38: {  	v3 =	vld [tilespmem:$0x80];
	_ =	sdelay $0x1  }
0x39: {  	v4 =	vld [tilespmem:$0x100];
	_ =	sdelay $0x1  }
0x3a: {  	v5 =	vld [tilespmem:$0x180]  }
0x3b: {  	vm0 =	vgt.f32 v3, v2  }
0x3c: {  	v6 =	vld [tilespmem:$0x200];
	v7 =	vsel vm0, v3, v2  }
0x3d: {  	vm1 =	vgt.f32 v4, v7  }
0x3e: {  	v8 =	vld [tilespmem:$0x280];
	v7 =	vsel vm1, v4, v7  }
0x3f: {  	vm2 =	vgt.f32 v5, v7  }
0x40: {  	v9 =	vld [tilespmem:$0x300];
	v7 =	vsel vm2, v5, v7  }
0x41: {  	vm3 =	vgt.f32 v6, v7  }
0x42: {  	v10 =	vld [tilespmem:$0x380];
	v7 =	vsel vm3, v6, v7  }
0x43: {  	v11 =	vsel vm0, $0x1, v0;
	vm13 =	vgt.f32 v8, v7  }
0x44: {  	v11 =	vsel vm1, $0x2, v11;
	v7 =	vsel vm13, v8, v7  }
0x45: {  	v11 =	vsel vm2, $0x3, v11;
	vm8 =	vgt.f32 v9, v7  }
0x46: {  	v11 =	vsel vm3, $0x4, v11;
	v7 =	vsel vm8, v9, v7  }
0x47: {  	v11 =	vsel vm13, $0x5, v11;
	vm14 =	vgt.f32 v10, v7  }
0x48: {  	v11 =	vsel vm8, $0x6, v11;
	vm9 =	vmneg vm14  }
0x49: {  	v11 =	vnsel vm9, $0x7, v11  }
0x4a: {  	vm2 =	veq.s32 v11, $0x0  }
0x4b: {  	v2 =	vsel vm2, $0xF149F2CA, v2  }
0x4c: {  	vm0 =	veq.s32 v11, $0x1;
	vm15 =	vgt.f32 v2, $-1.000000020e+30  }
0x4d: {  	v12 =	vimm.s32 $0x0;
	v3 =	vsel vm0, $0xF149F2CA, v3;
	v2 =	vnsel vm15, $0xF149F2CA, v2  }
0x4e: {  	v33 =	vimm.s32 $0x0;
	vm4 =	veq.s32 v11, $0x2;
	vm3 =	vgt.f32 v3, v2  }
0x4f: {  	v12 =	vsel vm9, $0xFFFFFFFF, v12;
	v2 =	vsel vm3, v3, v2;
	v3 =	vsel vm4, $0xF149F2CA, v4  }
0x50: {  	[tilespmem:$0x1FE20] =	vst v12;
	vm5 =	veq.s32 v11, $0x3;
	v12 =	vsel vm4, $0xFFFFFFFF, v33;
	vm4 =	vgt.f32 v3, v2  }
0x51: {  	v34 =	vimm.s32 $0x0;
	v2 =	vsel vm4, v3, v2;
	v3 =	vsel vm5, $0xF149F2CA, v5  }
0x52: {  	vm6 =	veq.s32 v11, $0x4;
	v4 =	vsel vm5, $0xFFFFFFFF, v34;
	vm5 =	vgt.f32 v3, v2  }
0x53: {  	v35 =	vimm.s32 $0x0;
	v2 =	vsel vm5, v3, v2;
	v3 =	vsel vm6, $0xF149F2CA, v6  }
0x54: {  	vm7 =	veq.s32 v11, $0x5;
	[tilespmem:$0x1FD90] =	vst v4;
	v4 =	vsel vm6, $0xFFFFFFFF, v35;
	vm6 =	vgt.f32 v3, v2  }
0x55: {  	v36 =	vimm.s32 $0x0;
	v2 =	vsel vm6, v3, v2;
	v3 =	vsel vm7, $0xF149F2CA, v8  }
0x56: {  	vm8 =	vmand vm8, vm9;
	[tilespmem:$0x1FDB0] =	vst v4;
	v4 =	vsel vm7, $0xFFFFFFFF, v36;
	vm7 =	vgt.f32 v3, v2  }
0x57: {  	v2 =	vsel vm7, v3, v2;
	v3 =	vsel vm8, $0xF149F2CA, v9  }
0x58: {  	vm10 =	vgt.f32 v3, v2  }
0x59: {  	v2 =	vsel vm10, v3, v2;
	v3 =	vimm.s32 $0x0  }
0x5a: {  	v3 =	vsel vm10, $0xFFFFFFFF, v3  }
0x5b: {  	[tilespmem:$0x1FE00] =	vst v3;
	v3 =	vnsel vm9, $0xF149F2CA, v10  }
0x5c: {  	vm12 =	vgt.f32 v3, v2  }
0x5d: {  	vm11 =	vmneg vm12  }
0x5e: {  	v38 =	vsel vm9, v7, v10;
	v2 =	vsel vm11, v2, v3  }
0x5f: {  	v2 =	vsub.f32 v2, v38;
	_ =	sdelay $0x1  }
0x60: {  	v2 =	vmul.f32 $1.442695020e+00, v2;
	_ =	sdelay $0x1  }
0x61: {  	(erf) = vpow2.f32 v2;
	_ =	sdelay $0x1  }
0x62: {  	v39 =	vld [tilespmem:$0x10]  }
0x63: {  	v40 =	vld [tilespmem:$0x90]  }
0x64: {  	v37 =	vimm.s32 $0x0  }
0x65: {  	v50 =	vimm.s32 $0x0;
	v26 =	vimm.s32 $0x0;
	v41 =	vld [tilespmem:$0x110];
	v3 =	vimm.s32 $0x0  }
0x66: {  	v27 =	vimm.s32 $0x0;
	v28 =	vimm.s32 $0x0;
	v3 =	vsel vm11, $0xFFFFFFFF, v3  }
0x67: {  	v31 =	vimm.s32 $0x0;
	v32 =	vimm.s32 $0x0;
	v55 =	vimm.s32 $0x0;
	v42 =	vld [tilespmem:$0x190]  }
0x68: {  	v59 =	vimm.s32 $0x0;
	v61 =	vimm.s32 $0x0;
	v43 =	vld [tilespmem:$0x210];
	vm13 =	vgt.f32 v40, v39  }
0x69: {  	v63 =	vimm.s32 $0x0;
	v24 =	vld [tilespmem:$0x30];
	v44 =	vsel vm13, v40, v39;
	v48 =	vsel vm13, $0x1, v0;
	[tilespmem:$0x1FDF0] =	vst v3;
	v3 =	vpop (erf)  }
0x6a: {  	v25 =	vld [tilespmem:$0xB0];
	vm14 =	vgt.f32 v41, v44;
	v33 =	vimm.s32 $0x0;
	v2 =	vadd.f32 $1.000000000e+00, v3  }
0x6b: {  	v46 =	vsel vm15, $0x0, v1;
	v35 =	vimm.s32 $0x0;
	v5 =	vsel vm14, $0x2, v48  }
0x6c: {  	v45 =	vld [tilespmem:$0x290];
	[tilespmem:$0x1FDD0] =	vst v4;
	v4 =	vsel vm8, $0xFFFFFFFF, v37;
	(erf) = vrcp.f32 v2;
	v2 =	vsel vm14, v41, v44  }
0x6d: {  	v14 =	vld [tilespmem:$0x20];
	v36 =	vimm.s32 $0x0;
	[tilespmem:$0x1FE10] =	vst v4;
	v4 =	vsel vm3, $0x1, v46;
	vm15 =	vgt.f32 v42, v2  }
0x6e: {  	v16 =	vld [tilespmem:$0xA0];
	v48 =	vimm.s32 $0x0;
	v4 =	vsel vm4, $0x2, v4;
	v2 =	vsel vm15, v42, v2  }
0x6f: {  	v47 =	vld [tilespmem:$0x310];
	v4 =	vsel vm5, $0x3, v4;
	vm5 =	vgt.f32 v25, v24;
	vm12 =	vgt.f32 v43, v2  }
0x70: {  	v4 =	vsel vm6, $0x4, v4;
	v29 =	vsel vm5, $0x1, v0;
	v2 =	vsel vm12, v43, v2  }
0x71: {  	v13 =	vld [tilespmem:$0x390];
	v30 =	vsel vm5, v25, v24;
	v4 =	vsel vm7, $0x5, v4;
	vm13 =	vgt.f32 v45, v2  }
0x72: {  	v44 =	vimm.s32 $0x0;
	v49 =	vsel vm15, $0x3, v5;
	v15 =	vsel vm13, v45, v2  }
0x73: {  	v2 =	vsel vm10, $0x6, v4;
	v4 =	vsel vm12, $0x4, v49;
	vm12 =	vgt.f32 v16, v14  }
0x74: {  	vm1 =	vgt.f32 v47, v15;
	v5 =	vnsel vm11, $0x7, v2;
	v4 =	vsel vm13, $0x5, v4  }
0x75: {  	v17 =	vld [tilespmem:$0x120];
	v21 =	vsel vm12, v16, v14;
	v53 =	vsel vm12, $0x1, v0;
	v15 =	vsel vm1, v47, v15  }
0x76: {  	vm15 =	veq.s32 v5, $0x0;
	v4 =	vsel vm1, $0x6, v4;
	v2 =	vpop (erf);
	vm14 =	vgt.f32 v13, v15  }
0x77: {  	v3 =	vmul.f32 v2, v3;
	vm11 =	vmneg vm14;
	vm14 =	veq.s32 v5, $0x1  }
0x78: {  	v20 =	vnsel vm11, $0x7, v4;
	vm1 =	vmand vm1, vm11;
	v37 =	vsel vm11, v15, v13  }
0x79: {  	v13 =	vnsel vm11, $0xF149F2CA, v13;
	v19 =	vnsel vm15, $0x0, v3;
	vm13 =	veq.s32 v20, $0x0  }
0x7a: {  	vm15 =	vgt.f32 v17, v21;
	v52 =	vnsel vm14, $0x0, v3;
	vm10 =	veq.s32 v20, $0x1  }
0x7b: {  	vm14 =	veq.s32 v20, $0x2;
	vm6 =	veq.s32 v20, $0x3;
	vm4 =	veq.s32 v20, $0x5  }
0x7c: {  	[tilespmem:$0x1FD80] =	vst v12;
	v12 =	vsel vm1, $0xF149F2CA, v47;
	v4 =	vsel vm2, v2, v19;
	v19 =	vsel vm13, $0xFFFFFFFF, v50  }
0x7d: {  	v18 =	vld [tilespmem:$0x1A0];
	v22 =	vsel vm13, $0xF149F2CA, v39;
	v21 =	vsel vm15, v17, v21;
	v6 =	vsel vm0, v2, v52  }
0x7e: {  	v26 =	vsel vm10, $0xFFFFFFFF, v26;
	v7 =	vsel vm10, $0xF149F2CA, v40;
	v28 =	vsel vm14, $0xFFFFFFFF, v28  }
0x7f: {  	v51 =	vld [tilespmem:$0x220];
	v8 =	vsel vm14, $0xF149F2CA, v41;
	v31 =	vsel vm6, $0xFFFFFFFF, v31;
	v54 =	vsel vm6, $0xF149F2CA, v42  }
0x80: {  	v11 =	vsel vm4, $0xF149F2CA, v45;
	v40 =	vimm.s32 $0x0;
	v41 =	vimm.s32 $0x0  }
0x81: {  	v45 =	vimm.s32 $0x0;
	v50 =	vimm.s32 $0x0;
	vm8 =	vgt.f32 v22, $-1.000000020e+30  }
0x82: {  	v23 =	vld [tilespmem:$0x2A0];
	vm9 =	vgt.f32 v18, v21;
	[tilespmem:$0x1FE40] =	vst v26;
	v26 =	vsel vm15, $0x2, v53;
	v22 =	vnsel vm8, $0xF149F2CA, v22  }
0x83: {  	v53 =	vimm.s32 $0x0;
	v21 =	vsel vm9, v18, v21;
	vm13 =	vgt.f32 v7, v22  }
0x84: {  	v26 =	vsel vm9, $0x3, v26;
	vm12 =	vgt.f32 v51, v21;
	v27 =	vsel vm13, $0xFFFFFFFF, v27  }
0x85: {  	v21 =	vsel vm12, v51, v21;
	v26 =	vsel vm12, $0x4, v26;
	v7 =	vsel vm13, v7, v22;
	v22 =	vld [tilespmem:$0x320]  }
0x86: {  	vm12 =	veq.s32 v20, $0x4;
	v20 =	vsel vm4, $0xFFFFFFFF, v61;
	[tilespmem:$0x1FDA0] =	vst v27;
	v27 =	vld [tilespmem:$0x130];
	vm7 =	vgt.f32 v8, v7  }
0x87: {  	v61 =	vimm.s32 $0x0;
	vm15 =	vgt.f32 v23, v21;
	v7 =	vsel vm7, v8, v7  }
0x88: {  	v9 =	vld [tilespmem:$0x3A0];
	v56 =	vsel vm12, $0xF149F2CA, v43;
	v26 =	vsel vm15, $0x5, v26;
	vm10 =	vgt.f32 v54, v7  }
0x89: {  	[tilespmem:$0x1FE70] =	vst v28;
	v28 =	vld [tilespmem:$0x1B0];
	v21 =	vsel vm15, v23, v21;
	v8 =	vsel vm12, $0xFFFFFFFF, v55;
	v7 =	vsel vm10, v54, v7  }
0x8a: {  	v32 =	vsel vm10, $0xFFFFFFFF, v32;
	vm3 =	vgt.f32 v22, v21;
	vm14 =	vgt.f32 v56, v7  }
0x8b: {  	[tilespmem:$0x1FDC0] =	vst v32;
	v32 =	vimm.s32 $0x0;
	vm9 =	vgt.f32 v27, v30;
	v21 =	vsel vm3, v22, v21  }
0x8c: {  	[tilespmem:$0x1FE80] =	vst v31;
	v31 =	vld [tilespmem:$0x230];
	v7 =	vsel vm14, v56, v7;
	v60 =	vsel vm3, $0x6, v26;
	v29 =	vsel vm9, $0x2, v29  }
0x8d: {  	v30 =	vsel vm9, v27, v30;
	vm15 =	vgt.f32 v9, v21;
	vm12 =	vgt.f32 v11, v7  }
0x8e: {  	vm13 =	vgt.f32 v28, v30;
	vm9 =	vmneg vm15;
	v7 =	vsel vm12, v11, v7  }
0x8f: {  	v57 =	vsel vm13, $0x3, v29;
	v58 =	vsel vm13, v28, v30;
	v30 =	vsel vm14, $0xFFFFFFFF, v59  }
0x90: {  	[tilespmem:$0x1FEC0] =	vst v8;
	v8 =	vnsel vm9, $0x7, v60;
	v29 =	vimm.s32 $0x0;
	vm4 =	vgt.f32 v12, v7  }
0x91: {  	v60 =	vimm.s32 $0x0;
	vm5 =	vgt.f32 v31, v58;
	vm6 =	veq.s32 v8, $0x0  }
0x92: {  	v11 =	vsel vm1, $0xFFFFFFFF, v29;
	vm13 =	veq.s32 v8, $0x1;
	v7 =	vsel vm4, v12, v7  }
0x93: {  	vm14 =	veq.s32 v8, $0x2;
	vm15 =	veq.s32 v8, $0x3;
	v10 =	vsel vm5, $0x4, v57  }
0x94: {  	[tilespmem:$0x1FDE0] =	vst v30;
	v62 =	vsel vm5, v31, v58;
	v26 =	vsel vm6, $0xFFFFFFFF, v63;
	v30 =	vsel vm6, $0xF149F2CA, v14  }
0x95: {  	v39 =	vld [tilespmem:$0x2B0];
	v34 =	vsel vm13, $0xF149F2CA, v16;
	v38 =	vsel vm14, $0xF149F2CA, v17;
	v42 =	vsel vm15, $0xF149F2CA, v18  }
0x96: {  	vm5 =	vgt.f32 v13, v7;
	vm6 =	veq.s32 v8, $0x4;
	v57 =	vimm.s32 $0x0  }
0x97: {  	v58 =	vsel vm9, v21, v9;
	v9 =	vnsel vm9, $0xF149F2CA, v9;
	v63 =	vimm.s32 $0x0  }
0x98: {  	v21 =	vimm.s32 $0x0;
	vm10 =	vgt.f32 v30, $-1.000000020e+30;
	vm2 =	vmneg vm5  }
0x99: {  	[tilespmem:$0x1FEF0] =	vst v26;
	v46 =	vsel vm6, $0xF149F2CA, v51;
	v26 =	vimm.s32 $0x0;
	v14 =	vsel vm10, $0xFFFFFFFF, v32  }
0x9a: {  	v43 =	vld [tilespmem:$0x330];
	[tilespmem:$0x1FEE0] =	vst v11;
	v11 =	vnsel vm10, $0xF149F2CA, v30;
	v7 =	vsel vm2, v7, v13;
	vm10 =	vgt.f32 v39, v62  }
0x9b: {  	v30 =	vimm.s32 $0x0;
	[tilespmem:$0x1FE50] =	vst v14;
	v14 =	vsel vm13, $0xFFFFFFFF, v33;
	vm1 =	vgt.f32 v34, v11  }
0x9c: {  	v7 =	vsub.f32 v7, v37;
	v49 =	vsel vm10, v39, v62;
	vm13 =	veq.s32 v8, $0x5  }
0x9d: {  	v10 =	vsel vm10, $0x5, v10;
	v33 =	vimm.s32 $0x0;
	v37 =	vimm.s32 $0x0  }
0x9e: {  	v12 =	vsel vm1, $0xFFFFFFFF, v35;
	v11 =	vsel vm1, v34, v11;
	v8 =	vsel vm13, $0xFFFFFFFF, v50  }
0x9f: {  	v51 =	vsel vm13, $0xF149F2CA, v23;
	vm5 =	vgt.f32 v43, v49;
	vm1 =	vgt.f32 v38, v11  }
0xa0: {  	vm13 =	veq.s32 v5, $0x2;
	[tilespmem:$0x1FE60] =	vst v12;
	v12 =	vsel vm14, $0xFFFFFFFF, v36;
	v11 =	vsel vm1, v38, v11  }
0xa1: {  	v47 =	vld [tilespmem:$0x3B0];
	v7 =	vmul.f32 $1.442695020e+00, v7;
	v16 =	vsel vm1, $0xFFFFFFFF, v40;
	vm1 =	vgt.f32 v42, v11  }
0xa2: {  	v54 =	vsel vm5, $0x6, v10;
	v56 =	vnsel vm13, $0x0, v3;
	[tilespmem:$0x1FF30] =	vst v12;
	v11 =	vsel vm1, v42, v11  }
0xa3: {  	[tilespmem:$0x1FE90] =	vst v16;
	v16 =	vsel vm15, $0xFFFFFFFF, v41;
	v17 =	vsel vm1, $0xFFFFFFFF, v44;
	vm0 =	vgt.f32 v46, v11  }
0xa4: {  	v34 =	vld [tilespmem:$0x1FD80];
	(erf) = vpow2.f32 v7;
	[tilespmem:$0x1FEA0] =	vst v17;
	v17 =	vsel vm6, $0xFFFFFFFF, v45;
	v12 =	vsel vm0, $0xFFFFFFFF, v48  }
0xa5: {  	vm6 =	vmand vm3, vm9;
	v11 =	vsel vm0, v46, v11;
	[tilespmem:$0x1FEB0] =	vst v12;
	v12 =	vsel vm5, v43, v49  }
0xa6: {  	[tilespmem:$0x1FF70] =	vst v8;
	v8 =	vsel vm6, $0xFFFFFFFF, v53;
	vm15 =	vgt.f32 v51, v11;
	vm14 =	vgt.f32 v47, v12  }
0xa7: {  	v55 =	vsel vm6, $0xF149F2CA, v22;
	v52 =	vsel vm15, v51, v11;
	vm10 =	vmneg vm14  }
0xa8: {  	v41 =	vsel vm8, $0x0, v1;
	[tilespmem:$0x1FF80] =	vst v8;
	vm6 =	vgt.f32 v55, v52;
	v8 =	vnsel vm10, $0x7, v54  }
0xa9: {  	vm0 =	vnez.u8 v34;
	v7 =	vsel vm6, v55, v52;
	vm14 =	veq.s32 v8, $0x0  }
0xaa: {  	v42 =	vnsel vm10, $0xF149F2CA, v47;
	v12 =	vsel vm10, v12, v47;
	v59 =	vsel vm14, $0xF149F2CA, v24  }
0xab: {  	[tilespmem:$0x1FF60] =	vst v17;
	v13 =	vsel vm14, $0xFFFFFFFF, v57;
	vm14 =	veq.s32 v8, $0x1;
	vm13 =	vgt.f32 v59, $-1.000000020e+30  }
0xac: {  	[tilespmem:$0x1FF90] =	vst v13;
	v62 =	vsel vm14, $0xF149F2CA, v25;
	v25 =	vimm.s32 $0x0;
	v17 =	vsel vm13, $0xFFFFFFFF, v60  }
0xad: {  	v13 =	vnsel vm13, $0xF149F2CA, v59;
	vm13 =	vgt.f32 v9, v7;
	[tilespmem:$0x1FF10] =	vst v17;
	v17 =	vsel vm14, $0xFFFFFFFF, v61  }
0xae: {  	vm3 =	vmneg vm13;
	vm14 =	vgt.f32 v62, v13;
	vm13 =	veq.s32 v8, $0x2  }
0xaf: {  	v24 =	vpop (erf);
	v18 =	vsel vm14, $0xFFFFFFFF, v63;
	v7 =	vsel vm3, v7, v9;
	v22 =	vsel vm14, v62, v13  }
0xb0: {  	v23 =	vsel vm13, $0xF149F2CA, v27;
	vm14 =	veq.s32 v8, $0x3;
	v27 =	vadd.f32 $1.000000000e+00, v24  }
0xb1: {  	[tilespmem:$0x1FF20] =	vst v18;
	v18 =	vsel vm13, $0xFFFFFFFF, v21;
	v7 =	vsub.f32 v7, v58;
	vm1 =	vgt.f32 v23, v22  }
0xb2: {  	[tilespmem:$0x1FFA0] =	vst v17;
	v29 =	vsel vm14, $0xF149F2CA, v28;
	vm13 =	veq.s32 v8, $0x4;
	v17 =	vsel vm1, $0xFFFFFFFF, v25  }
0xb3: {  	[tilespmem:$0x1FFB0] =	vst v18;
	v9 =	vsel vm1, v23, v22;
	v18 =	vsel vm13, $0xFFFFFFFF, v30;
	(erf) = vrcp.f32 v27  }
0xb4: {  	v45 =	vld [tilespmem:$0x1FDB0];
	v32 =	vsel vm13, $0xF149F2CA, v31;
	vm1 =	veq.s32 v8, $0x5;
	v7 =	vmul.f32 $1.442695020e+00, v7  }
0xb5: {  	v40 =	vld [tilespmem:$0x1FD90];
	[tilespmem:$0x1FF40] =	vst v17;
	v17 =	vsel vm14, $0xFFFFFFFF, v26;
	vm14 =	vgt.f32 v29, v9;
	v36 =	vsel vm1, $0xF149F2CA, v39  }
0xb6: {  	v9 =	vsel vm14, v29, v9;
	(erf) = vpow2.f32 v7;
	v7 =	vsel vm1, $0xFFFFFFFF, v33  }
0xb7: {  	v44 =	vld [tilespmem:$0x1FDA0];
	vm13 =	vgt.f32 v32, v9;
	vm1 =	vmand vm5, vm10;
	[tilespmem:$0x1FFE0] =	vst v7;
	v7 =	vsel vm0, v2, v56  }
0xb8: {  	v35 =	vsel vm13, v32, v9;
	v11 =	vsel vm1, $0xFFFFFFFF, v37;
	vm0 =	veq.s32 v5, $0x3  }
0xb9: {  	v47 =	vld [tilespmem:$0x1FDC0];
	v39 =	vsel vm1, $0xF149F2CA, v43;
	vm1 =	vnez.u8 v45;
	vm5 =	vgt.f32 v36, v35  }
0xba: {  	v52 =	vld [tilespmem:$0x1FDF0];
	v38 =	vnsel vm0, $0x0, v3;
	vm0 =	vnez.u8 v40;
	v8 =	vsel vm5, v36, v35  }
0xbb: {  	v49 =	vld [tilespmem:$0x1FDD0];
	[tilespmem:$0x1FFF0] =	vst v11;
	v11 =	vsel vm0, v2, v38;
	vm0 =	veq.s32 v5, $0x4;
	vm8 =	vgt.f32 v39, v8  }
0xbc: {  	v50 =	vld [tilespmem:$0x1FDE0];
	v43 =	vnsel vm0, $0x0, v3;
	vm0 =	vnez.u8 v44;
	v8 =	vsel vm8, v39, v8  }
0xbd: {  	v13 =	vsel vm0, $0x1, v41;
	v15 =	vsel vm1, v2, v43;
	vm0 =	vgt.f32 v42, v8  }
0xbe: {  	v53 =	vld [tilespmem:$0x1FE00];
	v13 =	vsel vm7, $0x2, v13;
	vm7 =	vmneg vm0;
	vm0 =	veq.s32 v5, $0x5  }
0xbf: {  	vm1 =	vnez.u8 v52;
	v5 =	vnsel vm0, $0x0, v3;
	vm0 =	vnez.u8 v47  }
0xc0: {  	v55 =	vld [tilespmem:$0x1FE10];
	v46 =	vpop (erf);
	v8 =	vsel vm7, v8, v42;
	v13 =	vsel vm0, $0x3, v13;
	vm0 =	vnez.u8 v49  }
0xc1: {  	v8 =	vsub.f32 v8, v12;
	v48 =	vpop (erf);
	v5 =	vsel vm0, v2, v5;
	vm0 =	vnez.u8 v50  }
0xc2: {  	v58 =	vld [tilespmem:$0x1FE20];
	v10 =	vmul.f32 v46, v24;
	v51 =	vadd.f32 $1.000000000e+00, v48;
	v13 =	vsel vm0, $0x4, v13  }
0xc3: {  	v8 =	vmul.f32 $1.442695020e+00, v8;
	v13 =	vsel vm12, $0x5, v13;
	vm12 =	vnez.u8 v53  }
0xc4: {  	(erf) = vrcp.f32 v51;
	vm0 =	vmand vm12, vm1;
	v13 =	vsel vm4, $0x6, v13  }
0xc5: {  	vm12 =	vnez.u8 v55;
	v54 =	vnsel vm0, $0x0, v3;
	v13 =	vnsel vm2, $0x7, v13  }
0xc6: {  	(erf) = vpow2.f32 v8;
	v8 =	vsel vm12, v2, v54;
	vm12 =	veq.s32 v13, $0x1  }
0xc7: {  	[tilespmem:$0x1FE30] =	vst v19;
	v3 =	vsel vm1, $0x0, v3;
	v57 =	vnsel vm12, $0x0, v10;
	vm12 =	vnez.u8 v58  }
0xc8: {  	v2 =	vsel vm12, v3, v2;
	v3 =	vld [tilespmem:$0x1FE30]  }
0xc9: {  	v59 =	vld [tilespmem:$0x1FE40]  }
0xca: {  	v60 =	vld [tilespmem:$0x1FE50]  }
0xcb: {  	v63 =	vld [tilespmem:$0x1FE60]  }
0xcc: {  	[tilespmem:$0x1FED0] =	vst v20;
	v20 =	vld [tilespmem:$0x1FE70];
	v33 =	vsel vm2, $0x0, v10;
	vm4 =	vmand vm4, vm2;
	vm0 =	veq.s32 v13, $0x0  }
0xcd: {  	v21 =	vld [tilespmem:$0x1FE80];
	v30 =	vnsel vm4, $0x0, v10;
	v56 =	vnsel vm0, $0x0, v10;
	vm12 =	vnez.u8 v3  }
0xce: {  	v22 =	vld [tilespmem:$0x1FE90];
	vm1 =	veq.s32 v13, $0x3;
	v3 =	vsel vm12, v46, v56;
	vm12 =	vnez.u8 v59  }
0xcf: {  	[tilespmem:$0x400] =	vst v4;
	v23 =	vld [tilespmem:$0x1FEA0];
	vm0 =	veq.s32 v13, $0x2;
	v4 =	vsel vm12, v46, v57;
	vm12 =	vnez.u8 v60  }
0xd0: {  	[tilespmem:$0x480] =	vst v6;
	v25 =	vld [tilespmem:$0x1FEB0];
	v62 =	vnsel vm1, $0x0, v10;
	v6 =	vsel vm12, $0x0, v1;
	vm12 =	vnez.u8 v63  }
0xd1: {  	v27 =	vld [tilespmem:$0x1FEC0];
	v61 =	vnsel vm0, $0x0, v10;
	v6 =	vsel vm12, $0x1, v6;
	vm12 =	vnez.u8 v20  }
0xd2: {  	v28 =	vld [tilespmem:$0x1FED0];
	[tilespmem:$0x500] =	vst v7;
	vm1 =	veq.s32 v13, $0x5;
	v7 =	vsel vm12, v46, v61;
	vm12 =	vnez.u8 v21  }
0xd3: {  	[tilespmem:$0x580] =	vst v11;
	vm0 =	veq.s32 v13, $0x4;
	v11 =	vsel vm12, v46, v62;
	vm12 =	vnez.u8 v22  }
0xd4: {  	[tilespmem:$0x1FF00] =	vst v14;
	v32 =	vld [tilespmem:$0x1FEE0];
	v13 =	vnsel vm1, $0x0, v10;
	v26 =	vpop (erf);
	v6 =	vsel vm12, $0x2, v6;
	vm12 =	vnez.u8 v23  }
0xd5: {  	v35 =	vld [tilespmem:$0x1FEF0];
	v24 =	vnsel vm0, $0x0, v10;
	[tilespmem:$0x780] =	vst v2;
	v2 =	vpop (erf);
	v6 =	vsel vm12, $0x3, v6;
	vm12 =	vnez.u8 v25  }
0xd6: {  	v37 =	vld [tilespmem:$0x1FF00];
	v29 =	vadd.f32 $1.000000000e+00, v2;
	v6 =	vsel vm12, $0x4, v6;
	vm12 =	vnez.u8 v27  }
0xd7: {  	v38 =	vld [tilespmem:$0x1FF10];
	[tilespmem:$0x680] =	vst v5;
	v31 =	vmul.f32 v26, v48;
	v5 =	vsel vm12, v46, v24;
	vm12 =	vnez.u8 v28  }
0xd8: {  	[tilespmem:$0x700] =	vst v8;
	(erf) = vrcp.f32 v29;
	v6 =	vsel vm15, $0x5, v6;
	v8 =	vsel vm12, v46, v13  }
0xd9: {  	v39 =	vld [tilespmem:$0x1FF20];
	[tilespmem:$0x410] =	vst v3;
	v3 =	vsel vm6, $0x6, v6;
	vm12 =	vnez.u8 v32;
	v6 =	vsel vm11, v33, v46  }
0xda: {  	v43 =	vld [tilespmem:$0x1FF40];
	vm11 =	vnez.u8 v35;
	v3 =	vnsel vm3, $0x7, v3;
	v12 =	vsel vm12, v46, v30  }
0xdb: {  	[tilespmem:$0x1FF50] =	vst v16;
	vm12 =	vnez.u8 v37;
	vm15 =	veq.s32 v3, $0x0;
	vm4 =	veq.s32 v3, $0x1  }
0xdc: {  	[tilespmem:$0x510] =	vst v7;
	v34 =	vnsel vm15, $0x0, v31;
	v36 =	vnsel vm4, $0x0, v31;
	vm15 =	vnez.u8 v38  }
0xdd: {  	v44 =	vld [tilespmem:$0x1FF50];
	[tilespmem:$0x610] =	vst v5;
	vm4 =	veq.s32 v3, $0x2;
	v7 =	vsel vm11, v26, v34;
	v5 =	vsel vm12, v26, v36  }
0xde: {  	v41 =	vld [tilespmem:$0x1FF30];
	v9 =	vsel vm15, $0x0, v1;
	vm11 =	vnez.u8 v39;
	v40 =	vnsel vm4, $0x0, v31  }
0xdf: {  	[tilespmem:$0x690] =	vst v8;
	vm12 =	veq.s32 v3, $0x3;
	vm4 =	vnez.u8 v43;
	v8 =	vsel vm11, $0x1, v9  }
0xe0: {  	v48 =	vld [tilespmem:$0x1FF70];
	v42 =	vnsel vm12, $0x0, v31;
	v8 =	vsel vm4, $0x2, v8  }
0xe1: {  	vm12 =	veq.s32 v3, $0x4;
	v8 =	vsel vm14, $0x3, v8;
	vm14 =	veq.s32 v3, $0x5;
	v3 =	vld [tilespmem:$0x1FF60];
	_ =	sdelay $0x1  }
0xe2: {  	v52 =	vld [tilespmem:$0x1FF80];
	v50 =	vpop (erf);
	vm15 =	vnez.u8 v41;
	vm11 =	vnez.u8 v44  }
0xe3: {  	[tilespmem:$0x790] =	vst v6;
	v2 =	vmul.f32 v50, v2;
	v9 =	vsel vm15, v26, v40;
	v6 =	vsel vm11, v26, v42  }
0xe4: {  	v46 =	vnsel vm12, $0x0, v31;
	vm4 =	vnez.u8 v48;
	v45 =	vsel vm13, $0x4, v8  }
0xe5: {  	[tilespmem:$0x420] =	vst v7;
	v47 =	vnsel vm14, $0x0, v31;
	v7 =	vsel vm5, $0x5, v45;
	vm15 =	vnez.u8 v3  }
0xe6: {  	[tilespmem:$0x4A0] =	vst v5;
	vm5 =	vmand vm6, vm3;
	v49 =	vsel vm8, $0x6, v7;
	v3 =	vsel vm15, v26, v46  }
0xe7: {  	vm6 =	vnez.u8 v52;
	v51 =	vnsel vm5, $0x0, v31;
	[tilespmem:$0x620] =	vst v3;
	v3 =	vnsel vm7, $0x7, v49  }
0xe8: {  	[tilespmem:$0x5A0] =	vst v6;
	v5 =	vsel vm4, v26, v47;
	v6 =	vsel vm6, v26, v51;
	vm11 =	veq.s32 v3, $0x0  }
0xe9: {  	[tilespmem:$0x1FFD0] =	vst v18;
	vm12 =	veq.s32 v3, $0x1;
	vm14 =	veq.s32 v3, $0x2;
	vm4 =	veq.s32 v3, $0x3  }
0xea: {  	vm6 =	veq.s32 v3, $0x4;
	v53 =	vnsel vm11, $0x0, v2;
	vm11 =	veq.s32 v3, $0x5;
	v3 =	vld [tilespmem:$0x1FFD0];
	_ =	sdelay $0x4  }
0xeb: {  	[tilespmem:$0x1FFC0] =	vst v17;
	v55 =	vnsel vm12, $0x0, v2;
	v61 =	vnsel vm6, $0x0, v2;
	vm12 =	vnez.u8 v3  }
0xec: {  	[tilespmem:$0x490] =	vst v4;
	v3 =	vsel vm12, v50, v61  }
0xed: {  	v4 =	vsel vm3, $0x0, v31;
	[tilespmem:$0x630] =	vst v3;
	v3 =	vld [tilespmem:$0x1FFE0]  }
0xee: {  	[tilespmem:$0x600] =	vst v15;
	v54 =	vld [tilespmem:$0x1FF90];
	v4 =	vsel vm9, v4, v26  }
0xef: {  	v58 =	vld [tilespmem:$0x1FFB0];
	[tilespmem:$0x7A0] =	vst v4  }
0xf0: {  	v56 =	vld [tilespmem:$0x1FFA0];
	[tilespmem:$0x590] =	vst v11  }
0xf1: {  	[tilespmem:$0x710] =	vst v12  }
0xf2: {  	[tilespmem:$0x520] =	vst v9;
	v57 =	vnsel vm14, $0x0, v2;
	v62 =	vnsel vm11, $0x0, v2;
	vm14 =	vnez.u8 v3  }
0xf3: {  	v60 =	vld [tilespmem:$0x1FFC0];
	[tilespmem:$0x6A0] =	vst v5;
	v3 =	vsel vm14, v50, v62  }
0xf4: {  	vm13 =	vnez.u8 v54;
	[tilespmem:$0x6B0] =	vst v3;
	v3 =	vld [tilespmem:$0x1FFF0]  }
0xf5: {  	vm5 =	vnez.u8 v58;
	[tilespmem:$0x720] =	vst v6;
	vm15 =	vnez.u8 v56;
	v4 =	vsel vm13, v50, v53  }
0xf6: {  	v59 =	vnsel vm4, $0x0, v2;
	vm13 =	vmand vm8, vm7;
	[tilespmem:$0x430] =	vst v4;
	v4 =	vsel vm15, v50, v55  }
0xf7: {  	v63 =	vnsel vm13, $0x0, v2;
	v2 =	vsel vm7, $0x0, v2;
	[tilespmem:$0x4B0] =	vst v4;
	v4 =	vsel vm5, v50, v57  }
0xf8: {  	vm9 =	vnez.u8 v60;
	v2 =	vsel vm10, v2, v50;
	[tilespmem:$0x530] =	vst v4  }
0xf9: {  	v4 =	vsel vm9, v50, v59;
	[tilespmem:$0x7B0] =	vst v2;
	vm15 =	vnez.u8 v3  }
0xfa: {  	[tilespmem:$0x5B0] =	vst v4;
	v3 =	vsel vm15, v50, v63  }
0xfb: {  	[tilespmem:$0x730] =	vst v3  }
0xfc: {  	[hbm4b:s7+s2] =	stream.linear.scatter [tilespmem:s24], [sflag:$0x1], $0x40, $0x38;
	[tilespmem:$0x800] =	vst v63  }
0xfd: {  	_ =	swait.ge [sflag:s16], $0x40  }
0xfe: {  	[sflag:s16] =	ssyncset.done $0x0  }
0xff: {  	[sflag:s16] =	ssyncadd.s32 $0xFFFFFFC0  }
0x100: {  	[hbm4b:s8+s2] =	stream.linear.scatter [tilespmem:s25], [sflag:$0x1], $0x40, $0x38;
	[tilespmem:$0x800] =	vst v63  }
0x101: {  	_ =	swait.ge [sflag:s16], $0x40  }
0x102: {  	[sflag:s16] =	ssyncset.done $0x0  }
0x103: {  	[sflag:s16] =	ssyncadd.s32 $0xFFFFFFC0  }
0x104: {  	[hbm4b:s9+s2] =	stream.linear.scatter [tilespmem:s26], [sflag:$0x1], $0x40, $0x38;
	[tilespmem:$0x800] =	vst v63  }
0x105: {  	_ =	swait.ge [sflag:s16], $0x40  }
0x106: {  	[sflag:s16] =	ssyncset.done $0x0  }
0x107: {  	[sflag:s16] =	ssyncadd.s32 $0xFFFFFFC0  }
0x108: {  	[hbm4b:s10+s2] =	stream.linear.scatter [tilespmem:s28], [sflag:$0x1], $0x40, $0x38;
	[tilespmem:$0x800] =	vst v63  }
0x109: {  	_ =	swait.ge [sflag:s16], $0x40  }
0x10a: {  	[sflag:s16] =	ssyncset.done $0x0  }
0x10b: {  	[sflag:s16] =	ssyncadd.s32 $0xFFFFFFC0  }
0x10c: {  	[hbm4b:s11+s2] =	stream.linear.scatter [tilespmem:s29], [sflag:$0x1], $0x40, $0x38;
	[tilespmem:$0x800] =	vst v63  }
0x10d: {  	_ =	swait.ge [sflag:s16], $0x40  }
0x10e: {  	[sflag:s16] =	ssyncset.done $0x0  }
0x10f: {  	[sflag:s16] =	ssyncadd.s32 $0xFFFFFFC0  }
0x110: {  	[hbm4b:s12+s2] =	stream.linear.scatter [tilespmem:s30], [sflag:$0x1], $0x40, $0x38;
	[tilespmem:$0x800] =	vst v63  }
0x111: {  	_ =	swait.ge [sflag:s16], $0x40  }
0x112: {  	[sflag:s16] =	ssyncset.done $0x0  }
0x113: {  	[sflag:s16] =	ssyncadd.s32 $0xFFFFFFC0  }
0x114: {  	[hbm4b:s13+s2] =	stream.linear.scatter [tilespmem:s31], [sflag:$0x1], $0x40, $0x38;
	[tilespmem:$0x800] =	vst v63  }
0x115: {  	_ =	swait.ge [sflag:s16], $0x40  }
0x116: {  	p0 =	sne.s32 s15, $0x1;
	[sflag:s16] =	ssyncset.done $0x0  }
.Ltmp0:
0x117: {  	[sflag:s16] =	ssyncadd.s32 $0xFFFFFFC0;
	(pc) =	sbr.rel @p0 .LBB2_1-.Ltmp0, $4  }
0x118: {  	[hbm4b:s14+s2] =	stream.linear.scatter [tilespmem:s0], [sflag:$0x1], $0x40, $0x38;
	[tilespmem:$0x800] =	vst v63  }
0x119: {  	_ =	swait.ge [sflag:s16], $0x40  }
0x11a: {  	[sflag:s16] =	ssyncset.done $0x0  }
0x11b: {  	s15 =	sadd.s32 $0xFFFFFFFF, s15;
	[sflag:s16] =	ssyncadd.s32 $0xFFFFFFC0  }
0x11c: {  	_ =	sfence.sel $0x180000  }
0x11d: {  	[bflag:$0x0] =	sbarrier.arrive $0xFFFF  }
0x11e: {  	_ =	strace $0x90000047  }
0x11f: {  	s0 =	stileid.u32;
	[bflag:$0x2] =	sbarrier.arrive $0xFFFF  }
0x120: {  	p0 =	sne.s32 s0, $0x0;
	s0 =	rddreg [dreg:$0x2]  }
0x121: {  	s0 =	sadd.s32 @!p0 $0x100000, s0  }
0x122: {  	[sflag:s0] =	ssyncadd.tile.s32 @!p0 $0x1;
	_ =	shalt  }
.Lfunc_end2:
_tile_overlayer_lowered:
.L_overlay_start_2:
0x123: {  	(tag) =	ssettag $0x2  }
0x124: {  	s0 =	rddreg [dreg:$0x0];
	s2 =	stileid.u32  }
0x125: {  	s1 =	rddreg [dreg:$0x1];
	p0 =	sne.s32 s2, $0x0  }
0x126: {  	s3 =	rddreg [dreg:$0x2];
	[bflag:$0x3] =	sbarrier.arrive $0xFFFF;
	s2 =	simm.s32 @!p0 $0x1C01  }
0x127: {  	[timem:s3], [sflag:s2] =	dma.local @!p0 [hbm:s0], s1  }
0x128: {  	s0 =	simm.s32 @!p0 $0x1  }
0x129: {  	_ =	swait.ge @!p0 [sflag:s0], s1  }
0x12a: {  	s1 =	ssub.s32 @!p0 $0x0, s1;
	[sflag:s0] =	ssyncset.done @!p0 $0x0  }
0x12b: {  	[sflag:s0] =	ssyncadd.s32 @!p0 s1  }
0x12c: {  	[bflag:$0x3] =	sbarrier.arrive $0xFFFF  }
0x12d: {  	_ =	shalt  }

</sc_bundles>
